<compile_context>
chip_gen: v7x
topology: tpu7x:2x2x1
jax: 0.10.2.dev20260603
libtpu: 0.0.44.dev20260713+nightly
codegen_flags: <defaults>
</compile_context>

<pallas_src>
import functools

import jax
import jax.numpy as jnp
from jax import lax
from jax.experimental import pallas as pl
from jax.experimental.pallas import tpu as pltpu
from jax.experimental.pallas import tpu_sc as plsc

N = 10000
E = 320000
D = 128
L = 4
Q = 3
K = 16
G = 64
DOUT = 10

RB = 2000
GRID = N // RB

NC, NS = 2, 16
NW = NC * NS
ECH = 128
EPT = 10112
EPAD = EPT * NW
NCH = EPT // ECH
NPAD = 10240
ROWS_T = NPAD // NS
DEGC = 128



def _sc_mesh():
    return plsc.VectorSubcoreMesh(core_axis_name="c", subcore_axis_name="s")


def _deg_partials(dst_pad, ones_hbm, zeros16_hbm):

    @functools.partial(
        pl.kernel,
        out_type=jax.ShapeDtypeStruct((NC, NPAD, DEGC), jnp.float32),
        mesh=_sc_mesh(),
        scratch_types=[
            pltpu.VMEM((ECH,), jnp.int32),
            pltpu.VMEM((ECH, DEGC), jnp.float32),
            pltpu.VMEM_SHARED((NPAD, DEGC), jnp.float32),
        ],
    )
    def k(dst_hbm, ones_ref, zeros_ref, out_hbm, didx, ones_v, acc):
        c = lax.axis_index("c")
        s = lax.axis_index("s")
        wid = s * NC + c
        pltpu.sync_copy(ones_ref, ones_v)
        pltpu.sync_copy(zeros_ref, acc.at[pl.ds(s * ROWS_T, ROWS_T)])
        plsc.subcore_barrier()
        base = wid * EPT

        def chunk(j, carry):
            e0 = base + j * ECH
            pltpu.sync_copy(dst_hbm.at[pl.ds(e0, ECH)], didx)
            pltpu.sync_copy(ones_v, acc.at[didx], add=True)
            return carry

        lax.fori_loop(0, NCH, chunk, 0)
        plsc.subcore_barrier()
        pltpu.sync_copy(acc.at[pl.ds(s * ROWS_T, ROWS_T)],
                        out_hbm.at[c].at[pl.ds(s * ROWS_T, ROWS_T)])

    return k(dst_pad, ones_hbm, zeros16_hbm)


def _agg_partials(ht, src_pad, dst_pad, zeros_hbm):

    @functools.partial(
        pl.kernel,
        out_type=jax.ShapeDtypeStruct((NC, NPAD, D), jnp.float32),
        mesh=_sc_mesh(),
        scratch_types=[
            pltpu.VMEM((ECH,), jnp.int32),
            pltpu.VMEM((ECH,), jnp.int32),
            pltpu.VMEM((ECH, D), jnp.float32),
            pltpu.VMEM_SHARED((NPAD, D), jnp.float32),
            pltpu.SemaphoreType.DMA,
        ],
    )
    def k(ht_hbm, src_hbm, dst_hbm, zeros_ref, out_hbm,
          sidx, didx, rows, acc, sem):
        c = lax.axis_index("c")
        s = lax.axis_index("s")
        wid = s * NC + c
        pltpu.sync_copy(zeros_ref, acc.at[pl.ds(s * ROWS_T, ROWS_T)])
        plsc.subcore_barrier()
        base = wid * EPT

        def chunk(j, carry):
            e0 = base + j * ECH
            pltpu.sync_copy(src_hbm.at[pl.ds(e0, ECH)], sidx)
            pltpu.sync_copy(dst_hbm.at[pl.ds(e0, ECH)], didx)
            pltpu.async_copy(ht_hbm.at[sidx], rows, sem).wait()
            pltpu.sync_copy(rows, acc.at[didx], add=True)
            return carry

        lax.fori_loop(0, NCH, chunk, 0)
        plsc.subcore_barrier()
        pltpu.sync_copy(acc.at[pl.ds(s * ROWS_T, ROWS_T)],
                        out_hbm.at[c].at[pl.ds(s * ROWS_T, ROWS_T)])

    return k(ht, src_pad, dst_pad, zeros_hbm)



def _enc_body(x_ref, we_ref, be_ref, dga_ref, dgb_ref, h_ref, ht_ref, dv_ref):
    deg = dga_ref[:, 0:1] + dgb_ref[:, 0:1]
    dinv = 1.0 / jnp.sqrt(jnp.maximum(deg, 1.0))
    dinvb = jnp.broadcast_to(dinv, (RB, D))
    h = jnp.dot(x_ref[...], we_ref[...],
                preferred_element_type=jnp.float32) + be_ref[...]
    h_ref[...] = h
    dv_ref[...] = dinvb
    ht_ref[...] = h * dinvb


def _encode(x, W_enc, b_enc2, degA, degB):
    return pl.pallas_call(
        _enc_body,
        grid=(GRID,),
        in_specs=[
            pl.BlockSpec((RB, D), lambda i: (i, 0)),
            pl.BlockSpec((D, D), lambda i: (0, 0)),
            pl.BlockSpec((1, D), lambda i: (0, 0)),
            pl.BlockSpec((RB, DEGC), lambda i: (i, 0)),
            pl.BlockSpec((RB, DEGC), lambda i: (i, 0)),
        ],
        out_specs=[
            pl.BlockSpec((RB, D), lambda i: (i, 0)),
            pl.BlockSpec((RB, D), lambda i: (i, 0)),
            pl.BlockSpec((RB, D), lambda i: (i, 0)),
        ],
        out_shape=[
            jax.ShapeDtypeStruct((N, D), jnp.float32),
            jax.ShapeDtypeStruct((N, D), jnp.float32),
            jax.ShapeDtypeStruct((N, D), jnp.float32),
        ],
    )(x, W_enc, b_enc2, degA, degB)


def _layer_body(s0_ref, s1_ref, h_ref, dv_ref, w_ref, b_ref, cb_ref,
                hn_ref, htn_ref, ids_ref, com_ref):
    i = pl.program_id(0)
    dinvb = dv_ref[...]
    agg = (s0_ref[...] + s1_ref[...]) * dinvb
    z = jnp.dot(agg, w_ref[...], preferred_element_type=jnp.float32) + b_ref[...]
    h = jnp.maximum(z, 0.0) + h_ref[...]
    hn_ref[...] = h
    htn_ref[...] = h * dinvb

    @pl.when(i == 0)
    def _():
        com_ref[...] = jnp.zeros((1, 1), jnp.float32)

    resid = h
    kio = lax.broadcasted_iota(jnp.int32, (RB, K), 1)
    csum = jnp.float32(0.0)
    idxs = []
    for q in range(Q):
        cb = cb_ref[q]
        nrm = jnp.sqrt(jnp.sum(cb * cb, axis=1, keepdims=True)) + 1e-8
        cbn = cb / nrm
        sim = lax.dot_general(resid, cbn, (((1,), (1,)), ((), ())),
                              preferred_element_type=jnp.float32)
        mx = jnp.max(sim, axis=1, keepdims=True)
        idx = jnp.min(jnp.where(sim >= mx, kio, K), axis=1, keepdims=True)
        onehot = (kio == idx).astype(jnp.float32)
        quant = jnp.dot(onehot, cbn, preferred_element_type=jnp.float32)
        diff = quant - resid
        csum = csum + jnp.sum(diff * diff)
        resid = resid - quant
        idxs.append(idx.astype(jnp.float32))
    ids_ref[...] = jnp.concatenate(idxs, axis=1)
    com_ref[...] = com_ref[...] + csum * (0.25 / (N * D))


def _layer(S0, S1, h, dinvb, W_l, b_l2, cb_l):
    return pl.pallas_call(
        _layer_body,
        grid=(GRID,),
        in_specs=[
            pl.BlockSpec((RB, D), lambda i: (i, 0)),
            pl.BlockSpec((RB, D), lambda i: (i, 0)),
            pl.BlockSpec((RB, D), lambda i: (i, 0)),
            pl.BlockSpec((RB, D), lambda i: (i, 0)),
            pl.BlockSpec((D, D), lambda i: (0, 0)),
            pl.BlockSpec((1, D), lambda i: (0, 0)),
            pl.BlockSpec((Q, K, D), lambda i: (0, 0, 0)),
        ],
        out_specs=[
            pl.BlockSpec((RB, D), lambda i: (i, 0)),
            pl.BlockSpec((RB, D), lambda i: (i, 0)),
            pl.BlockSpec((RB, Q), lambda i: (i, 0)),
            pl.BlockSpec((1, 1), lambda i: (0, 0)),
        ],
        out_shape=[
            jax.ShapeDtypeStruct((N, D), jnp.float32),
            jax.ShapeDtypeStruct((N, D), jnp.float32),
            jax.ShapeDtypeStruct((N, Q), jnp.float32),
            jax.ShapeDtypeStruct((1, 1), jnp.float32),
        ],
    )(S0, S1, h, dinvb, W_l, b_l2, cb_l)


def _pool_body(h_ref, ids_ref, bi_ref, wh_ref, bh_ref,
               out_ref, gid_ref, pacc, gacc, cacc):
    i = pl.program_id(0)

    @pl.when(i == 0)
    def _():
        pacc[...] = jnp.zeros_like(pacc)
        gacc[...] = jnp.zeros_like(gacc)
        cacc[...] = jnp.zeros_like(cacc)

    gio = lax.broadcasted_iota(jnp.int32, (RB, G), 1)
    oh = (bi_ref[...] == gio).astype(jnp.float32)
    pacc[...] += lax.dot_general(oh, h_ref[...], (((0,), (0,)), ((), ())),
                                 preferred_element_type=jnp.float32)
    gacc[...] += lax.dot_general(oh, ids_ref[...], (((0,), (0,)), ((), ())),
                                 preferred_element_type=jnp.float32)
    ones = jnp.ones((RB, 1), jnp.float32)
    cacc[...] += lax.dot_general(oh, ones, (((0,), (0,)), ((), ())),
                                 preferred_element_type=jnp.float32)

    @pl.when(i == pl.num_programs(0) - 1)
    def _():
        pooled = pacc[...] / jnp.maximum(cacc[...], 1.0)
        out_ref[...] = jnp.dot(pooled, wh_ref[...],
                               preferred_element_type=jnp.float32) + bh_ref[...]
        gid_ref[...] = gacc[...]


def _pool(h, ids_cat, bi2, W_head, b_head2):
    return pl.pallas_call(
        _pool_body,
        grid=(GRID,),
        in_specs=[
            pl.BlockSpec((RB, D), lambda i: (i, 0)),
            pl.BlockSpec((RB, L * Q), lambda i: (i, 0)),
            pl.BlockSpec((RB, 1), lambda i: (i, 0)),
            pl.BlockSpec((D, DOUT), lambda i: (0, 0)),
            pl.BlockSpec((1, DOUT), lambda i: (0, 0)),
        ],
        out_specs=[
            pl.BlockSpec((G, DOUT), lambda i: (0, 0)),
            pl.BlockSpec((G, L * Q), lambda i: (0, 0)),
        ],
        out_shape=[
            jax.ShapeDtypeStruct((G, DOUT), jnp.float32),
            jax.ShapeDtypeStruct((G, L * Q), jnp.float32),
        ],
        scratch_shapes=[
            pltpu.VMEM((G, D), jnp.float32),
            pltpu.VMEM((G, L * Q), jnp.float32),
            pltpu.VMEM((G, 1), jnp.float32),
        ],
    )(h, ids_cat, bi2, W_head, b_head2)



def kernel(x, edge_index, batch_idx, W_enc, b_enc, W_conv, b_conv,
           codebooks, W_head, b_head):
    src = edge_index[0]
    dst = edge_index[1]
    pad_e = EPAD - E
    src_pad = jnp.concatenate([src, jnp.zeros((pad_e,), jnp.int32)])
    dst_pad = jnp.concatenate([dst, jnp.full((pad_e,), N, jnp.int32)])
    ones_hbm = jnp.ones((ECH, DEGC), jnp.float32)
    zeros16_hbm = jnp.zeros((ROWS_T, DEGC), jnp.float32)
    zeros_hbm = jnp.zeros((ROWS_T, D), jnp.float32)

    degP = _deg_partials(dst_pad, ones_hbm, zeros16_hbm)
    h, ht, dinvb = _encode(x, W_enc, b_enc[None, :], degP[0, :N], degP[1, :N])

    commits = []
    ids_list = []
    for l in range(L):
        SP = _agg_partials(ht, src_pad, dst_pad, zeros_hbm)
        h, ht, ids_l, com_l = _layer(SP[0, :N], SP[1, :N], h, dinvb,
                                     W_conv[l], b_conv[l][None, :],
                                     codebooks[l])
        commits.append(com_l)
        ids_list.append(ids_l)

    ids_cat = jnp.concatenate(ids_list, axis=1)
    out, graph_id = _pool(h, ids_cat, batch_idx[:, None],
                          W_head, b_head[None, :])
    total_commit = (commits[0] + commits[1] + commits[2] + commits[3])[0, 0]
    return out, total_commit, graph_id

# --- scband reference (transcript-rebuilt; emitter-appended) ---
"""Pipeline reference for scband-custom-gnn-13657996001666 (READ-ONLY COPY).

The authoritative reference and input builder live on the scoring server;
editing this copy changes nothing except your own understanding.
"""

import jax, jax.numpy as jnp
import numpy as np

N = 10000
E = 320000
D = 128
L = 4   # message-passing layers (cfg.gnn.layers_mp)
Q = 3   # residual quantizers per VQ
K = 16  # codebook_size
G = 64  # graphs in batch
DOUT = 10


def l2norm(t):
    return t / (jnp.linalg.norm(t, axis=-1, keepdims=True) + 1e-8)


def setup_inputs(seed: int = 0) -> dict:
    key = jax.random.key(seed)
    ks = jax.random.split(key, 12)
    x = jax.random.normal(ks[0], (N, D), dtype=jnp.float32)
    edge_index = jax.random.randint(ks[1], (2, E), 0, N, dtype=jnp.int32)
    batch_idx = jnp.sort(jax.random.randint(ks[2], (N,), 0, G, dtype=jnp.int32))
    W_enc = jax.random.normal(ks[3], (D, D), dtype=jnp.float32) * (1.0 / np.sqrt(D))
    b_enc = jnp.zeros((D,), dtype=jnp.float32)
    W_conv = jax.random.normal(ks[4], (L, D, D), dtype=jnp.float32) * (1.0 / np.sqrt(D))
    b_conv = jnp.zeros((L, D), dtype=jnp.float32)
    codebooks = jax.random.normal(ks[5], (L, Q, K, D), dtype=jnp.float32) * 0.1
    W_head = jax.random.normal(ks[6], (D, DOUT), dtype=jnp.float32) * (1.0 / np.sqrt(D))
    b_head = jnp.zeros((DOUT,), dtype=jnp.float32)
    return {
        "x": x, "edge_index": edge_index, "batch_idx": batch_idx,
        "W_enc": W_enc, "b_enc": b_enc,
        "W_conv": W_conv, "b_conv": b_conv,
        "codebooks": codebooks,
        "W_head": W_head, "b_head": b_head,
    }


def reference(x, edge_index, batch_idx, W_enc, b_enc, W_conv, b_conv, codebooks, W_head, b_head):
    src = edge_index[0]
    dst = edge_index[1]
    # symmetric GCN normalization
    deg = jax.ops.segment_sum(jnp.ones((E,), jnp.float32), dst, num_segments=N)
    deg = jnp.maximum(deg, 1.0)
    dinv = 1.0 / jnp.sqrt(deg)
    norm = dinv[src] * dinv[dst]

    # FeatureEncoder (linear)
    h = x @ W_enc + b_enc

    total_commit = jnp.float32(0.0)
    id_list = []
    for l in range(L):
        # GCNConvLayer with residual
        msg = h[src] * norm[:, None]
        agg = jax.ops.segment_sum(msg, dst, num_segments=N)
        h = jax.nn.relu(agg @ W_conv[l] + b_conv[l]) + h
        # ResidualVectorQuant (cosine sim, codebook_size=16, commitment_weight=0.25)
        residual = h
        ids_q = []
        for q in range(Q):
            cb = l2norm(codebooks[l, q])
            rn = l2norm(residual)
            sim = rn @ cb.T                      # [N, K] cosine distances
            idx = jnp.argmax(sim, axis=-1)       # [N]
            quant = jnp.take(cb, idx, axis=0)    # gather codes
            commit = jnp.mean((jax.lax.stop_gradient(quant) - residual) ** 2) * 0.25
            total_commit = total_commit + commit
            residual = residual - quant
            ids_q.append(idx)
        id_list.append(jnp.stack(ids_q, axis=1))  # torch.stack(_, dim=1)
    id_cat = jnp.concatenate(id_list, axis=1).astype(jnp.float32)  # [N, L*Q]
    # global_add_pool over graph ids
    graph_id = jax.ops.segment_sum(id_cat, batch_idx, num_segments=G)
    # post_mp head: global mean pool + linear
    counts = jnp.maximum(jax.ops.segment_sum(jnp.ones((N,), jnp.float32), batch_idx, num_segments=G), 1.0)
    pooled = jax.ops.segment_sum(h, batch_idx, num_segments=G) / counts[:, None]
    out = pooled @ W_head + b_head
    return out, total_commit, graph_id

if __name__ == "__main__":
    import jax
    _d = setup_inputs()
    print(jax.jit(kernel)(*tuple(_d.values())))

</pallas_src>

<mosaic_0001>
#map = affine_map<(d0, d1) -> (0)>
#map1 = affine_map<(d0, d1) -> (0, 0)>
#map2 = affine_map<(d0, d1) -> (0, 0, 0)>
module attributes {stable_mosaic.version = 14 : i64} {
  func.func @k(%arg0: i32, %arg1: i32, %arg2: memref<323584xi32, #tpu.memory_space<hbm>>, %arg3: memref<128x128xf32, #tpu.memory_space<hbm>>, %arg4: memref<640x128xf32, #tpu.memory_space<hbm>>, %arg5: memref<2x10240x128xf32, #tpu.memory_space<hbm>>, %arg6: memref<128xi32, #tpu.memory_space<vmem>>, %arg7: memref<128x128xf32, #tpu.memory_space<vmem>>, %arg8: memref<10240x128xf32, #tpu.memory_space<vmem_shared>>) attributes {dimension_semantics = [#tpu.dimension_semantics<core_parallel>, #tpu.dimension_semantics<subcore_parallel>], iteration_bounds = array<i64: 2, 16>, scalar_prefetch = 0 : i64, scratch_operands = 3 : i64, tpu.core_type = #tpu.core_type<sc_vector_subcore>, window_params = [{transform_indices = #map}, {transform_indices = #map1}, {transform_indices = #map1}, {transform_indices = #map2}]} {
    %mul3A = arith.constant 2 : i32
    %mul3A_0 = arith.muli %arg1, %mul3A : i32
    %add3A = arith.addi %mul3A_0, %arg0 : i32
    "tpu.region"() ({
      %run_scoped3A = tpu.sem_alloc : memref<!tpu.dma_semaphore, #tpu.memory_space<semaphore_mem>>
      tpu.enqueue_dma source(%arg3 : memref<128x128xf32, #tpu.memory_space<hbm>>) target(%arg7 : memref<128x128xf32, #tpu.memory_space<vmem>>) target_semaphore(%run_scoped3A : memref<!tpu.dma_semaphore, #tpu.memory_space<semaphore_mem>>)
      tpu.wait_dma2 semaphore(%run_scoped3A : memref<!tpu.dma_semaphore, #tpu.memory_space<semaphore_mem>>) src(%arg3 : memref<128x128xf32, #tpu.memory_space<hbm>>) dst(%arg7 : memref<128x128xf32, #tpu.memory_space<vmem>>)
      tpu.yield
    }) : () -> ()
    %mul3A_1 = arith.constant 640 : i32
    %mul3A_2 = arith.muli %arg1, %mul3A_1 : i32
    "tpu.region"() ({
      %run_scoped3A = tpu.sem_alloc : memref<!tpu.dma_semaphore, #tpu.memory_space<semaphore_mem>>
      %dma_start3A = arith.constant 0 : i32
      %dma_start3A_15 = tpu.memref_slice %arg8[%mul3A_2, %dma_start3A] : memref<10240x128xf32, #tpu.memory_space<vmem_shared>> -> memref<640x128xf32, #tpu.memory_space<vmem_shared>>
      tpu.enqueue_dma source(%arg4 : memref<640x128xf32, #tpu.memory_space<hbm>>) target(%dma_start3A_15 : memref<640x128xf32, #tpu.memory_space<vmem_shared>>) target_semaphore(%run_scoped3A : memref<!tpu.dma_semaphore, #tpu.memory_space<semaphore_mem>>)
      %dma_wait3A = arith.constant 0 : i32
      %dma_wait3A_16 = tpu.memref_slice %arg8[%mul3A_2, %dma_wait3A] : memref<10240x128xf32, #tpu.memory_space<vmem_shared>> -> memref<640x128xf32, #tpu.memory_space<vmem_shared>>
      tpu.wait_dma2 semaphore(%run_scoped3A : memref<!tpu.dma_semaphore, #tpu.memory_space<semaphore_mem>>) src(%arg4 : memref<640x128xf32, #tpu.memory_space<hbm>>) dst(%dma_wait3A_16 : memref<640x128xf32, #tpu.memory_space<vmem_shared>>)
      tpu.yield
    }) : () -> ()
    %barrier3A = arith.constant 0 : index
    tpu.barrier barrier_id(%barrier3A)
    %mul3A_3 = arith.constant 10112 : i32
    %mul3A_4 = arith.muli %add3A, %mul3A_3 : i32
    %scan3A = arith.constant 0 : i32
    %scan3A_5 = arith.constant 0 : i32
    %scan3A_6 = arith.constant 79 : i32
    %scan3A_7 = arith.addi %scan3A_5, %scan3A_6 : i32
    %scan3A_8 = arith.constant 1 : i32
    scf.for %scan3A_15 = %scan3A_5 to %scan3A_7 step %scan3A_8  : i32 {
      %mul3A_16 = arith.constant 128 : i32
      %mul3A_17 = arith.muli %scan3A_15, %mul3A_16 : i32
      %add3A_18 = arith.addi %mul3A_4, %mul3A_17 : i32
      "tpu.region"() ({
        %run_scoped3A = tpu.sem_alloc : memref<!tpu.dma_semaphore, #tpu.memory_space<semaphore_mem>>
        %dma_start3A = tpu.memref_slice %arg2[%add3A_18] : memref<323584xi32, #tpu.memory_space<hbm>> -> memref<128xi32, #tpu.memory_space<hbm>>
        %dma_start3A_19 = tpu.memref_slice %arg2[%add3A_18] : memref<323584xi32, #tpu.memory_space<hbm>> -> memref<128xi32, #tpu.memory_space<hbm>>
        tpu.enqueue_dma source(%dma_start3A_19 : memref<128xi32, #tpu.memory_space<hbm>>) target(%arg6 : memref<128xi32, #tpu.memory_space<vmem>>) target_semaphore(%run_scoped3A : memref<!tpu.dma_semaphore, #tpu.memory_space<semaphore_mem>>)
        %dma_wait3A = tpu.memref_slice %arg2[%add3A_18] : memref<323584xi32, #tpu.memory_space<hbm>> -> memref<128xi32, #tpu.memory_space<hbm>>
        %dma_wait3A_20 = tpu.memref_slice %arg2[%add3A_18] : memref<323584xi32, #tpu.memory_space<hbm>> -> memref<128xi32, #tpu.memory_space<hbm>>
        tpu.wait_dma2 semaphore(%run_scoped3A : memref<!tpu.dma_semaphore, #tpu.memory_space<semaphore_mem>>) src(%dma_wait3A_20 : memref<128xi32, #tpu.memory_space<hbm>>) dst(%arg6 : memref<128xi32, #tpu.memory_space<vmem>>)
        tpu.yield
      }) : () -> ()
      "tpu.region"() ({
        %run_scoped3A = tpu.sem_alloc : memref<!tpu.dma_semaphore, #tpu.memory_space<semaphore_mem>>
        %dma_start3A = arith.constant 0 : i32
        %dma_start3A_19 = arith.constant 0 : i32
        %dma_start3A_20 = tpu.memref_slice %arg8[%dma_start3A, %dma_start3A_19] : memref<10240x128xf32, #tpu.memory_space<vmem_shared>> -> memref<10240x128xf32, #tpu.memory_space<vmem_shared>>
        tpu.enqueue_indirect_dma source(%arg7 : memref<128x128xf32, #tpu.memory_space<vmem>>) target(%dma_start3A_20 : memref<10240x128xf32, #tpu.memory_space<vmem_shared>>) offsets(%arg6 : memref<128xi32, #tpu.memory_space<vmem>>) semaphore(%run_scoped3A : memref<!tpu.dma_semaphore, #tpu.memory_space<semaphore_mem>>) {add = true}
        %dma_wait3A = arith.constant 0 : i32
        %dma_wait3A_21 = arith.constant 0 : i32
        %dma_wait3A_22 = tpu.memref_slice %arg8[%dma_wait3A, %dma_wait3A_21] : memref<10240x128xf32, #tpu.memory_space<vmem_shared>> -> memref<10240x128xf32, #tpu.memory_space<vmem_shared>>
        tpu.wait_indirect_dma semaphore(%run_scoped3A : memref<!tpu.dma_semaphore, #tpu.memory_space<semaphore_mem>>) src(%arg7 : memref<128x128xf32, #tpu.memory_space<vmem>>) dst(%dma_wait3A_22 : memref<10240x128xf32, #tpu.memory_space<vmem_shared>>)
        tpu.yield
      }) : () -> ()
    }
    %scan3A_9 = arith.constant 79 : i32
    %barrier3A_10 = arith.constant 0 : index
    tpu.barrier barrier_id(%barrier3A_10)
    %mul3A_11 = arith.constant 640 : i32
    %mul3A_12 = arith.muli %arg1, %mul3A_11 : i32
    %mul3A_13 = arith.constant 640 : i32
    %mul3A_14 = arith.muli %arg1, %mul3A_13 : i32
    "tpu.region"() ({
      %run_scoped3A = tpu.sem_alloc : memref<!tpu.dma_semaphore, #tpu.memory_space<semaphore_mem>>
      %dma_start3A = arith.constant 0 : i32
      %dma_start3A_15 = arith.constant 0 : i32
      %dma_start3A_16 = tpu.memref_slice %arg5[%arg0, %dma_start3A, %dma_start3A_15] : memref<2x10240x128xf32, #tpu.memory_space<hbm>> -> memref<1x10240x128xf32, #tpu.memory_space<hbm>>
      %dma_start3A_17 = tpu.memref_squeeze %dma_start3A_16 : memref<1x10240x128xf32, #tpu.memory_space<hbm>> -> memref<10240x128xf32, #tpu.memory_space<hbm>>
      %dma_start3A_18 = arith.constant 0 : i32
      %dma_start3A_19 = tpu.memref_slice %dma_start3A_17[%mul3A_14, %dma_start3A_18] : memref<10240x128xf32, #tpu.memory_space<hbm>> -> memref<640x128xf32, #tpu.memory_space<hbm>>
      %dma_start3A_20 = arith.constant 0 : i32
      %dma_start3A_21 = tpu.memref_slice %arg8[%mul3A_12, %dma_start3A_20] : memref<10240x128xf32, #tpu.memory_space<vmem_shared>> -> memref<640x128xf32, #tpu.memory_space<vmem_shared>>
      tpu.enqueue_dma source(%dma_start3A_21 : memref<640x128xf32, #tpu.memory_space<vmem_shared>>) target(%dma_start3A_19 : memref<640x128xf32, #tpu.memory_space<hbm>>) target_semaphore(%run_scoped3A : memref<!tpu.dma_semaphore, #tpu.memory_space<semaphore_mem>>)
      %dma_wait3A = arith.constant 0 : i32
      %dma_wait3A_22 = arith.constant 0 : i32
      %dma_wait3A_23 = tpu.memref_slice %arg5[%arg0, %dma_wait3A, %dma_wait3A_22] : memref<2x10240x128xf32, #tpu.memory_space<hbm>> -> memref<1x10240x128xf32, #tpu.memory_space<hbm>>
      %dma_wait3A_24 = tpu.memref_squeeze %dma_wait3A_23 : memref<1x10240x128xf32, #tpu.memory_space<hbm>> -> memref<10240x128xf32, #tpu.memory_space<hbm>>
      %dma_wait3A_25 = arith.constant 0 : i32
      %dma_wait3A_26 = tpu.memref_slice %dma_wait3A_24[%mul3A_14, %dma_wait3A_25] : memref<10240x128xf32, #tpu.memory_space<hbm>> -> memref<640x128xf32, #tpu.memory_space<hbm>>
      %dma_wait3A_27 = arith.constant 0 : i32
      %dma_wait3A_28 = tpu.memref_slice %arg8[%mul3A_12, %dma_wait3A_27] : memref<10240x128xf32, #tpu.memory_space<vmem_shared>> -> memref<640x128xf32, #tpu.memory_space<vmem_shared>>
      tpu.wait_dma2 semaphore(%run_scoped3A : memref<!tpu.dma_semaphore, #tpu.memory_space<semaphore_mem>>) src(%dma_wait3A_28 : memref<640x128xf32, #tpu.memory_space<vmem_shared>>) dst(%dma_wait3A_26 : memref<640x128xf32, #tpu.memory_space<hbm>>)
      tpu.yield
    }) : () -> ()
    return
  }
}

#map = affine_map<(d0, d1) -> (0, 0)>
#map1 = affine_map<(d0, d1) -> (0)>
#map2 = affine_map<(d0, d1) -> (0, 0, 0)>
module attributes {stable_mosaic.version = 14 : i64} {
  func.func @k(%arg0: i32, %arg1: i32, %arg2: memref<10000x128xf32, #tpu.memory_space<hbm>>, %arg3: memref<323584xi32, #tpu.memory_space<hbm>>, %arg4: memref<323584xi32, #tpu.memory_space<hbm>>, %arg5: memref<640x128xf32, #tpu.memory_space<hbm>>, %arg6: memref<2x10240x128xf32, #tpu.memory_space<hbm>>, %arg7: memref<128xi32, #tpu.memory_space<vmem>>, %arg8: memref<128xi32, #tpu.memory_space<vmem>>, %arg9: memref<128x128xf32, #tpu.memory_space<vmem>>, %arg10: memref<10240x128xf32, #tpu.memory_space<vmem_shared>>, %arg11: memref<!tpu.dma_semaphore, #tpu.memory_space<semaphore_mem>>) attributes {dimension_semantics = [#tpu.dimension_semantics<core_parallel>, #tpu.dimension_semantics<subcore_parallel>], iteration_bounds = array<i64: 2, 16>, scalar_prefetch = 0 : i64, scratch_operands = 5 : i64, tpu.core_type = #tpu.core_type<sc_vector_subcore>, window_params = [{transform_indices = #map}, {transform_indices = #map1}, {transform_indices = #map1}, {transform_indices = #map}, {transform_indices = #map2}]} {
    %mul3A = arith.constant 2 : i32
    %mul3A_0 = arith.muli %arg1, %mul3A : i32
    %add3A = arith.addi %mul3A_0, %arg0 : i32
    %mul3A_1 = arith.constant 640 : i32
    %mul3A_2 = arith.muli %arg1, %mul3A_1 : i32
    "tpu.region"() ({
      %run_scoped3A = tpu.sem_alloc : memref<!tpu.dma_semaphore, #tpu.memory_space<semaphore_mem>>
      %dma_start3A = arith.constant 0 : i32
      %dma_start3A_15 = tpu.memref_slice %arg10[%mul3A_2, %dma_start3A] : memref<10240x128xf32, #tpu.memory_space<vmem_shared>> -> memref<640x128xf32, #tpu.memory_space<vmem_shared>>
      tpu.enqueue_dma source(%arg5 : memref<640x128xf32, #tpu.memory_space<hbm>>) target(%dma_start3A_15 : memref<640x128xf32, #tpu.memory_space<vmem_shared>>) target_semaphore(%run_scoped3A : memref<!tpu.dma_semaphore, #tpu.memory_space<semaphore_mem>>)
      %dma_wait3A = arith.constant 0 : i32
      %dma_wait3A_16 = tpu.memref_slice %arg10[%mul3A_2, %dma_wait3A] : memref<10240x128xf32, #tpu.memory_space<vmem_shared>> -> memref<640x128xf32, #tpu.memory_space<vmem_shared>>
      tpu.wait_dma2 semaphore(%run_scoped3A : memref<!tpu.dma_semaphore, #tpu.memory_space<semaphore_mem>>) src(%arg5 : memref<640x128xf32, #tpu.memory_space<hbm>>) dst(%dma_wait3A_16 : memref<640x128xf32, #tpu.memory_space<vmem_shared>>)
      tpu.yield
    }) : () -> ()
    %barrier3A = arith.constant 0 : index
    tpu.barrier barrier_id(%barrier3A)
    %mul3A_3 = arith.constant 10112 : i32
    %mul3A_4 = arith.muli %add3A, %mul3A_3 : i32
    %scan3A = arith.constant 0 : i32
    %scan3A_5 = arith.constant 0 : i32
    %scan3A_6 = arith.constant 79 : i32
    %scan3A_7 = arith.addi %scan3A_5, %scan3A_6 : i32
    %scan3A_8 = arith.constant 1 : i32
    scf.for %scan3A_15 = %scan3A_5 to %scan3A_7 step %scan3A_8  : i32 {
      %mul3A_16 = arith.constant 128 : i32
      %mul3A_17 = arith.muli %scan3A_15, %mul3A_16 : i32
      %add3A_18 = arith.addi %mul3A_4, %mul3A_17 : i32
      "tpu.region"() ({
        %run_scoped3A = tpu.sem_alloc : memref<!tpu.dma_semaphore, #tpu.memory_space<semaphore_mem>>
        %dma_start3A_23 = tpu.memref_slice %arg3[%add3A_18] : memref<323584xi32, #tpu.memory_space<hbm>> -> memref<128xi32, #tpu.memory_space<hbm>>
        %dma_start3A_24 = tpu.memref_slice %arg3[%add3A_18] : memref<323584xi32, #tpu.memory_space<hbm>> -> memref<128xi32, #tpu.memory_space<hbm>>
        tpu.enqueue_dma source(%dma_start3A_24 : memref<128xi32, #tpu.memory_space<hbm>>) target(%arg7 : memref<128xi32, #tpu.memory_space<vmem>>) target_semaphore(%run_scoped3A : memref<!tpu.dma_semaphore, #tpu.memory_space<semaphore_mem>>)
        %dma_wait3A_25 = tpu.memref_slice %arg3[%add3A_18] : memref<323584xi32, #tpu.memory_space<hbm>> -> memref<128xi32, #tpu.memory_space<hbm>>
        %dma_wait3A_26 = tpu.memref_slice %arg3[%add3A_18] : memref<323584xi32, #tpu.memory_space<hbm>> -> memref<128xi32, #tpu.memory_space<hbm>>
        tpu.wait_dma2 semaphore(%run_scoped3A : memref<!tpu.dma_semaphore, #tpu.memory_space<semaphore_mem>>) src(%dma_wait3A_26 : memref<128xi32, #tpu.memory_space<hbm>>) dst(%arg7 : memref<128xi32, #tpu.memory_space<vmem>>)
        tpu.yield
      }) : () -> ()
      "tpu.region"() ({
        %run_scoped3A = tpu.sem_alloc : memref<!tpu.dma_semaphore, #tpu.memory_space<semaphore_mem>>
        %dma_start3A_23 = tpu.memref_slice %arg4[%add3A_18] : memref<323584xi32, #tpu.memory_space<hbm>> -> memref<128xi32, #tpu.memory_space<hbm>>
        %dma_start3A_24 = tpu.memref_slice %arg4[%add3A_18] : memref<323584xi32, #tpu.memory_space<hbm>> -> memref<128xi32, #tpu.memory_space<hbm>>
        tpu.enqueue_dma source(%dma_start3A_24 : memref<128xi32, #tpu.memory_space<hbm>>) target(%arg8 : memref<128xi32, #tpu.memory_space<vmem>>) target_semaphore(%run_scoped3A : memref<!tpu.dma_semaphore, #tpu.memory_space<semaphore_mem>>)
        %dma_wait3A_25 = tpu.memref_slice %arg4[%add3A_18] : memref<323584xi32, #tpu.memory_space<hbm>> -> memref<128xi32, #tpu.memory_space<hbm>>
        %dma_wait3A_26 = tpu.memref_slice %arg4[%add3A_18] : memref<323584xi32, #tpu.memory_space<hbm>> -> memref<128xi32, #tpu.memory_space<hbm>>
        tpu.wait_dma2 semaphore(%run_scoped3A : memref<!tpu.dma_semaphore, #tpu.memory_space<semaphore_mem>>) src(%dma_wait3A_26 : memref<128xi32, #tpu.memory_space<hbm>>) dst(%arg8 : memref<128xi32, #tpu.memory_space<vmem>>)
        tpu.yield
      }) : () -> ()
      %dma_start3A = arith.constant 0 : i32
      %dma_start3A_19 = arith.constant 0 : i32
      %dma_start3A_20 = tpu.memref_slice %arg2[%dma_start3A, %dma_start3A_19] : memref<10000x128xf32, #tpu.memory_space<hbm>> -> memref<10000x128xf32, #tpu.memory_space<hbm>>
      tpu.enqueue_indirect_dma source(%dma_start3A_20 : memref<10000x128xf32, #tpu.memory_space<hbm>>) target(%arg9 : memref<128x128xf32, #tpu.memory_space<vmem>>) offsets(%arg7 : memref<128xi32, #tpu.memory_space<vmem>>) semaphore(%arg11 : memref<!tpu.dma_semaphore, #tpu.memory_space<semaphore_mem>>)
      %dma_wait3A = arith.constant 0 : i32
      %dma_wait3A_21 = arith.constant 0 : i32
      %dma_wait3A_22 = tpu.memref_slice %arg2[%dma_wait3A, %dma_wait3A_21] : memref<10000x128xf32, #tpu.memory_space<hbm>> -> memref<10000x128xf32, #tpu.memory_space<hbm>>
      tpu.wait_indirect_dma semaphore(%arg11 : memref<!tpu.dma_semaphore, #tpu.memory_space<semaphore_mem>>) src(%dma_wait3A_22 : memref<10000x128xf32, #tpu.memory_space<hbm>>) dst(%arg9 : memref<128x128xf32, #tpu.memory_space<vmem>>)
      "tpu.region"() ({
        %run_scoped3A = tpu.sem_alloc : memref<!tpu.dma_semaphore, #tpu.memory_space<semaphore_mem>>
        %dma_start3A_23 = arith.constant 0 : i32
        %dma_start3A_24 = arith.constant 0 : i32
        %dma_start3A_25 = tpu.memref_slice %arg10[%dma_start3A_23, %dma_start3A_24] : memref<10240x128xf32, #tpu.memory_space<vmem_shared>> -> memref<10240x128xf32, #tpu.memory_space<vmem_shared>>
        tpu.enqueue_indirect_dma source(%arg9 : memref<128x128xf32, #tpu.memory_space<vmem>>) target(%dma_start3A_25 : memref<10240x128xf32, #tpu.memory_space<vmem_shared>>) offsets(%arg8 : memref<128xi32, #tpu.memory_space<vmem>>) semaphore(%run_scoped3A : memref<!tpu.dma_semaphore, #tpu.memory_space<semaphore_mem>>) {add = true}
        %dma_wait3A_26 = arith.constant 0 : i32
        %dma_wait3A_27 = arith.constant 0 : i32
        %dma_wait3A_28 = tpu.memref_slice %arg10[%dma_wait3A_26, %dma_wait3A_27] : memref<10240x128xf32, #tpu.memory_space<vmem_shared>> -> memref<10240x128xf32, #tpu.memory_space<vmem_shared>>
        tpu.wait_indirect_dma semaphore(%run_scoped3A : memref<!tpu.dma_semaphore, #tpu.memory_space<semaphore_mem>>) src(%arg9 : memref<128x128xf32, #tpu.memory_space<vmem>>) dst(%dma_wait3A_28 : memref<10240x128xf32, #tpu.memory_space<vmem_shared>>)
        tpu.yield
      }) : () -> ()
    }
    %scan3A_9 = arith.constant 79 : i32
    %barrier3A_10 = arith.constant 0 : index
    tpu.barrier barrier_id(%barrier3A_10)
    %mul3A_11 = arith.constant 640 : i32
    %mul3A_12 = arith.muli %arg1, %mul3A_11 : i32
    %mul3A_13 = arith.constant 640 : i32
    %mul3A_14 = arith.muli %arg1, %mul3A_13 : i32
    "tpu.region"() ({
      %run_scoped3A = tpu.sem_alloc : memref<!tpu.dma_semaphore, #tpu.memory_space<semaphore_mem>>
      %dma_start3A = arith.constant 0 : i32
      %dma_start3A_15 = arith.constant 0 : i32
      %dma_start3A_16 = tpu.memref_slice %arg6[%arg0, %dma_start3A, %dma_start3A_15] : memref<2x10240x128xf32, #tpu.memory_space<hbm>> -> memref<1x10240x128xf32, #tpu.memory_space<hbm>>
      %dma_start3A_17 = tpu.memref_squeeze %dma_start3A_16 : memref<1x10240x128xf32, #tpu.memory_space<hbm>> -> memref<10240x128xf32, #tpu.memory_space<hbm>>
      %dma_start3A_18 = arith.constant 0 : i32
      %dma_start3A_19 = tpu.memref_slice %dma_start3A_17[%mul3A_14, %dma_start3A_18] : memref<10240x128xf32, #tpu.memory_space<hbm>> -> memref<640x128xf32, #tpu.memory_space<hbm>>
      %dma_start3A_20 = arith.constant 0 : i32
      %dma_start3A_21 = tpu.memref_slice %arg10[%mul3A_12, %dma_start3A_20] : memref<10240x128xf32, #tpu.memory_space<vmem_shared>> -> memref<640x128xf32, #tpu.memory_space<vmem_shared>>
      tpu.enqueue_dma source(%dma_start3A_21 : memref<640x128xf32, #tpu.memory_space<vmem_shared>>) target(%dma_start3A_19 : memref<640x128xf32, #tpu.memory_space<hbm>>) target_semaphore(%run_scoped3A : memref<!tpu.dma_semaphore, #tpu.memory_space<semaphore_mem>>)
      %dma_wait3A = arith.constant 0 : i32
      %dma_wait3A_22 = arith.constant 0 : i32
      %dma_wait3A_23 = tpu.memref_slice %arg6[%arg0, %dma_wait3A, %dma_wait3A_22] : memref<2x10240x128xf32, #tpu.memory_space<hbm>> -> memref<1x10240x128xf32, #tpu.memory_space<hbm>>
      %dma_wait3A_24 = tpu.memref_squeeze %dma_wait3A_23 : memref<1x10240x128xf32, #tpu.memory_space<hbm>> -> memref<10240x128xf32, #tpu.memory_space<hbm>>
      %dma_wait3A_25 = arith.constant 0 : i32
      %dma_wait3A_26 = tpu.memref_slice %dma_wait3A_24[%mul3A_14, %dma_wait3A_25] : memref<10240x128xf32, #tpu.memory_space<hbm>> -> memref<640x128xf32, #tpu.memory_space<hbm>>
      %dma_wait3A_27 = arith.constant 0 : i32
      %dma_wait3A_28 = tpu.memref_slice %arg10[%mul3A_12, %dma_wait3A_27] : memref<10240x128xf32, #tpu.memory_space<vmem_shared>> -> memref<640x128xf32, #tpu.memory_space<vmem_shared>>
      tpu.wait_dma2 semaphore(%run_scoped3A : memref<!tpu.dma_semaphore, #tpu.memory_space<semaphore_mem>>) src(%dma_wait3A_28 : memref<640x128xf32, #tpu.memory_space<vmem_shared>>) dst(%dma_wait3A_26 : memref<640x128xf32, #tpu.memory_space<hbm>>)
      tpu.yield
    }) : () -> ()
    return
  }
}

#map = affine_map<(d0, d1) -> (0, 0)>
#map1 = affine_map<(d0, d1) -> (0)>
#map2 = affine_map<(d0, d1) -> (0, 0, 0)>
module attributes {stable_mosaic.version = 14 : i64} {
  func.func @k(%arg0: i32, %arg1: i32, %arg2: memref<10000x128xf32, #tpu.memory_space<hbm>>, %arg3: memref<323584xi32, #tpu.memory_space<hbm>>, %arg4: memref<323584xi32, #tpu.memory_space<hbm>>, %arg5: memref<640x128xf32, #tpu.memory_space<hbm>>, %arg6: memref<2x10240x128xf32, #tpu.memory_space<hbm>>, %arg7: memref<128xi32, #tpu.memory_space<vmem>>, %arg8: memref<128xi32, #tpu.memory_space<vmem>>, %arg9: memref<128x128xf32, #tpu.memory_space<vmem>>, %arg10: memref<10240x128xf32, #tpu.memory_space<vmem_shared>>, %arg11: memref<!tpu.dma_semaphore, #tpu.memory_space<semaphore_mem>>) attributes {dimension_semantics = [#tpu.dimension_semantics<core_parallel>, #tpu.dimension_semantics<subcore_parallel>], iteration_bounds = array<i64: 2, 16>, scalar_prefetch = 0 : i64, scratch_operands = 5 : i64, tpu.core_type = #tpu.core_type<sc_vector_subcore>, window_params = [{transform_indices = #map}, {transform_indices = #map1}, {transform_indices = #map1}, {transform_indices = #map}, {transform_indices = #map2}]} {
    %mul3A = arith.constant 2 : i32
    %mul3A_0 = arith.muli %arg1, %mul3A : i32
    %add3A = arith.addi %mul3A_0, %arg0 : i32
    %mul3A_1 = arith.constant 640 : i32
    %mul3A_2 = arith.muli %arg1, %mul3A_1 : i32
    "tpu.region"() ({
      %run_scoped3A = tpu.sem_alloc : memref<!tpu.dma_semaphore, #tpu.memory_space<semaphore_mem>>
      %dma_start3A = arith.constant 0 : i32
      %dma_start3A_15 = tpu.memref_slice %arg10[%mul3A_2, %dma_start3A] : memref<10240x128xf32, #tpu.memory_space<vmem_shared>> -> memref<640x128xf32, #tpu.memory_space<vmem_shared>>
      tpu.enqueue_dma source(%arg5 : memref<640x128xf32, #tpu.memory_space<hbm>>) target(%dma_start3A_15 : memref<640x128xf32, #tpu.memory_space<vmem_shared>>) target_semaphore(%run_scoped3A : memref<!tpu.dma_semaphore, #tpu.memory_space<semaphore_mem>>)
      %dma_wait3A = arith.constant 0 : i32
      %dma_wait3A_16 = tpu.memref_slice %arg10[%mul3A_2, %dma_wait3A] : memref<10240x128xf32, #tpu.memory_space<vmem_shared>> -> memref<640x128xf32, #tpu.memory_space<vmem_shared>>
      tpu.wait_dma2 semaphore(%run_scoped3A : memref<!tpu.dma_semaphore, #tpu.memory_space<semaphore_mem>>) src(%arg5 : memref<640x128xf32, #tpu.memory_space<hbm>>) dst(%dma_wait3A_16 : memref<640x128xf32, #tpu.memory_space<vmem_shared>>)
      tpu.yield
    }) : () -> ()
    %barrier3A = arith.constant 0 : index
    tpu.barrier barrier_id(%barrier3A)
    %mul3A_3 = arith.constant 10112 : i32
    %mul3A_4 = arith.muli %add3A, %mul3A_3 : i32
    %scan3A = arith.constant 0 : i32
    %scan3A_5 = arith.constant 0 : i32
    %scan3A_6 = arith.constant 79 : i32
    %scan3A_7 = arith.addi %scan3A_5, %scan3A_6 : i32
    %scan3A_8 = arith.constant 1 : i32
    scf.for %scan3A_15 = %scan3A_5 to %scan3A_7 step %scan3A_8  : i32 {
      %mul3A_16 = arith.constant 128 : i32
      %mul3A_17 = arith.muli %scan3A_15, %mul3A_16 : i32
      %add3A_18 = arith.addi %mul3A_4, %mul3A_17 : i32
      "tpu.region"() ({
        %run_scoped3A = tpu.sem_alloc : memref<!tpu.dma_semaphore, #tpu.memory_space<semaphore_mem>>
        %dma_start3A_23 = tpu.memref_slice %arg3[%add3A_18] : memref<323584xi32, #tpu.memory_space<hbm>> -> memref<128xi32, #tpu.memory_space<hbm>>
        %dma_start3A_24 = tpu.memref_slice %arg3[%add3A_18] : memref<323584xi32, #tpu.memory_space<hbm>> -> memref<128xi32, #tpu.memory_space<hbm>>
        tpu.enqueue_dma source(%dma_start3A_24 : memref<128xi32, #tpu.memory_space<hbm>>) target(%arg7 : memref<128xi32, #tpu.memory_space<vmem>>) target_semaphore(%run_scoped3A : memref<!tpu.dma_semaphore, #tpu.memory_space<semaphore_mem>>)
        %dma_wait3A_25 = tpu.memref_slice %arg3[%add3A_18] : memref<323584xi32, #tpu.memory_space<hbm>> -> memref<128xi32, #tpu.memory_space<hbm>>
        %dma_wait3A_26 = tpu.memref_slice %arg3[%add3A_18] : memref<323584xi32, #tpu.memory_space<hbm>> -> memref<128xi32, #tpu.memory_space<hbm>>
        tpu.wait_dma2 semaphore(%run_scoped3A : memref<!tpu.dma_semaphore, #tpu.memory_space<semaphore_mem>>) src(%dma_wait3A_26 : memref<128xi32, #tpu.memory_space<hbm>>) dst(%arg7 : memref<128xi32, #tpu.memory_space<vmem>>)
        tpu.yield
      }) : () -> ()
      "tpu.region"() ({
        %run_scoped3A = tpu.sem_alloc : memref<!tpu.dma_semaphore, #tpu.memory_space<semaphore_mem>>
        %dma_start3A_23 = tpu.memref_slice %arg4[%add3A_18] : memref<323584xi32, #tpu.memory_space<hbm>> -> memref<128xi32, #tpu.memory_space<hbm>>
        %dma_start3A_24 = tpu.memref_slice %arg4[%add3A_18] : memref<323584xi32, #tpu.memory_space<hbm>> -> memref<128xi32, #tpu.memory_space<hbm>>
        tpu.enqueue_dma source(%dma_start3A_24 : memref<128xi32, #tpu.memory_space<hbm>>) target(%arg8 : memref<128xi32, #tpu.memory_space<vmem>>) target_semaphore(%run_scoped3A : memref<!tpu.dma_semaphore, #tpu.memory_space<semaphore_mem>>)
        %dma_wait3A_25 = tpu.memref_slice %arg4[%add3A_18] : memref<323584xi32, #tpu.memory_space<hbm>> -> memref<128xi32, #tpu.memory_space<hbm>>
        %dma_wait3A_26 = tpu.memref_slice %arg4[%add3A_18] : memref<323584xi32, #tpu.memory_space<hbm>> -> memref<128xi32, #tpu.memory_space<hbm>>
        tpu.wait_dma2 semaphore(%run_scoped3A : memref<!tpu.dma_semaphore, #tpu.memory_space<semaphore_mem>>) src(%dma_wait3A_26 : memref<128xi32, #tpu.memory_space<hbm>>) dst(%arg8 : memref<128xi32, #tpu.memory_space<vmem>>)
        tpu.yield
      }) : () -> ()
      %dma_start3A = arith.constant 0 : i32
      %dma_start3A_19 = arith.constant 0 : i32
      %dma_start3A_20 = tpu.memref_slice %arg2[%dma_start3A, %dma_start3A_19] : memref<10000x128xf32, #tpu.memory_space<hbm>> -> memref<10000x128xf32, #tpu.memory_space<hbm>>
      tpu.enqueue_indirect_dma source(%dma_start3A_20 : memref<10000x128xf32, #tpu.memory_space<hbm>>) target(%arg9 : memref<128x128xf32, #tpu.memory_space<vmem>>) offsets(%arg7 : memref<128xi32, #tpu.memory_space<vmem>>) semaphore(%arg11 : memref<!tpu.dma_semaphore, #tpu.memory_space<semaphore_mem>>)
      %dma_wait3A = arith.constant 0 : i32
      %dma_wait3A_21 = arith.constant 0 : i32
      %dma_wait3A_22 = tpu.memref_slice %arg2[%dma_wait3A, %dma_wait3A_21] : memref<10000x128xf32, #tpu.memory_space<hbm>> -> memref<10000x128xf32, #tpu.memory_space<hbm>>
      tpu.wait_indirect_dma semaphore(%arg11 : memref<!tpu.dma_semaphore, #tpu.memory_space<semaphore_mem>>) src(%dma_wait3A_22 : memref<10000x128xf32, #tpu.memory_space<hbm>>) dst(%arg9 : memref<128x128xf32, #tpu.memory_space<vmem>>)
      "tpu.region"() ({
        %run_scoped3A = tpu.sem_alloc : memref<!tpu.dma_semaphore, #tpu.memory_space<semaphore_mem>>
        %dma_start3A_23 = arith.constant 0 : i32
        %dma_start3A_24 = arith.constant 0 : i32
        %dma_start3A_25 = tpu.memref_slice %arg10[%dma_start3A_23, %dma_start3A_24] : memref<10240x128xf32, #tpu.memory_space<vmem_shared>> -> memref<10240x128xf32, #tpu.memory_space<vmem_shared>>
        tpu.enqueue_indirect_dma source(%arg9 : memref<128x128xf32, #tpu.memory_space<vmem>>) target(%dma_start3A_25 : memref<10240x128xf32, #tpu.memory_space<vmem_shared>>) offsets(%arg8 : memref<128xi32, #tpu.memory_space<vmem>>) semaphore(%run_scoped3A : memref<!tpu.dma_semaphore, #tpu.memory_space<semaphore_mem>>) {add = true}
        %dma_wait3A_26 = arith.constant 0 : i32
        %dma_wait3A_27 = arith.constant 0 : i32
        %dma_wait3A_28 = tpu.memref_slice %arg10[%dma_wait3A_26, %dma_wait3A_27] : memref<10240x128xf32, #tpu.memory_space<vmem_shared>> -> memref<10240x128xf32, #tpu.memory_space<vmem_shared>>
        tpu.wait_indirect_dma semaphore(%run_scoped3A : memref<!tpu.dma_semaphore, #tpu.memory_space<semaphore_mem>>) src(%arg9 : memref<128x128xf32, #tpu.memory_space<vmem>>) dst(%dma_wait3A_28 : memref<10240x128xf32, #tpu.memory_space<vmem_shared>>)
        tpu.yield
      }) : () -> ()
    }
    %scan3A_9 = arith.constant 79 : i32
    %barrier3A_10 = arith.constant 0 : index
    tpu.barrier barrier_id(%barrier3A_10)
    %mul3A_11 = arith.constant 640 : i32
    %mul3A_12 = arith.muli %arg1, %mul3A_11 : i32
    %mul3A_13 = arith.constant 640 : i32
    %mul3A_14 = arith.muli %arg1, %mul3A_13 : i32
    "tpu.region"() ({
      %run_scoped3A = tpu.sem_alloc : memref<!tpu.dma_semaphore, #tpu.memory_space<semaphore_mem>>
      %dma_start3A = arith.constant 0 : i32
      %dma_start3A_15 = arith.constant 0 : i32
      %dma_start3A_16 = tpu.memref_slice %arg6[%arg0, %dma_start3A, %dma_start3A_15] : memref<2x10240x128xf32, #tpu.memory_space<hbm>> -> memref<1x10240x128xf32, #tpu.memory_space<hbm>>
      %dma_start3A_17 = tpu.memref_squeeze %dma_start3A_16 : memref<1x10240x128xf32, #tpu.memory_space<hbm>> -> memref<10240x128xf32, #tpu.memory_space<hbm>>
      %dma_start3A_18 = arith.constant 0 : i32
      %dma_start3A_19 = tpu.memref_slice %dma_start3A_17[%mul3A_14, %dma_start3A_18] : memref<10240x128xf32, #tpu.memory_space<hbm>> -> memref<640x128xf32, #tpu.memory_space<hbm>>
      %dma_start3A_20 = arith.constant 0 : i32
      %dma_start3A_21 = tpu.memref_slice %arg10[%mul3A_12, %dma_start3A_20] : memref<10240x128xf32, #tpu.memory_space<vmem_shared>> -> memref<640x128xf32, #tpu.memory_space<vmem_shared>>
      tpu.enqueue_dma source(%dma_start3A_21 : memref<640x128xf32, #tpu.memory_space<vmem_shared>>) target(%dma_start3A_19 : memref<640x128xf32, #tpu.memory_space<hbm>>) target_semaphore(%run_scoped3A : memref<!tpu.dma_semaphore, #tpu.memory_space<semaphore_mem>>)
      %dma_wait3A = arith.constant 0 : i32
      %dma_wait3A_22 = arith.constant 0 : i32
      %dma_wait3A_23 = tpu.memref_slice %arg6[%arg0, %dma_wait3A, %dma_wait3A_22] : memref<2x10240x128xf32, #tpu.memory_space<hbm>> -> memref<1x10240x128xf32, #tpu.memory_space<hbm>>
      %dma_wait3A_24 = tpu.memref_squeeze %dma_wait3A_23 : memref<1x10240x128xf32, #tpu.memory_space<hbm>> -> memref<10240x128xf32, #tpu.memory_space<hbm>>
      %dma_wait3A_25 = arith.constant 0 : i32
      %dma_wait3A_26 = tpu.memref_slice %dma_wait3A_24[%mul3A_14, %dma_wait3A_25] : memref<10240x128xf32, #tpu.memory_space<hbm>> -> memref<640x128xf32, #tpu.memory_space<hbm>>
      %dma_wait3A_27 = arith.constant 0 : i32
      %dma_wait3A_28 = tpu.memref_slice %arg10[%mul3A_12, %dma_wait3A_27] : memref<10240x128xf32, #tpu.memory_space<vmem_shared>> -> memref<640x128xf32, #tpu.memory_space<vmem_shared>>
      tpu.wait_dma2 semaphore(%run_scoped3A : memref<!tpu.dma_semaphore, #tpu.memory_space<semaphore_mem>>) src(%dma_wait3A_28 : memref<640x128xf32, #tpu.memory_space<vmem_shared>>) dst(%dma_wait3A_26 : memref<640x128xf32, #tpu.memory_space<hbm>>)
      tpu.yield
    }) : () -> ()
    return
  }
}

#map = affine_map<(d0, d1) -> (0, 0)>
#map1 = affine_map<(d0, d1) -> (0)>
#map2 = affine_map<(d0, d1) -> (0, 0, 0)>
module attributes {stable_mosaic.version = 14 : i64} {
  func.func @k(%arg0: i32, %arg1: i32, %arg2: memref<10000x128xf32, #tpu.memory_space<hbm>>, %arg3: memref<323584xi32, #tpu.memory_space<hbm>>, %arg4: memref<323584xi32, #tpu.memory_space<hbm>>, %arg5: memref<640x128xf32, #tpu.memory_space<hbm>>, %arg6: memref<2x10240x128xf32, #tpu.memory_space<hbm>>, %arg7: memref<128xi32, #tpu.memory_space<vmem>>, %arg8: memref<128xi32, #tpu.memory_space<vmem>>, %arg9: memref<128x128xf32, #tpu.memory_space<vmem>>, %arg10: memref<10240x128xf32, #tpu.memory_space<vmem_shared>>, %arg11: memref<!tpu.dma_semaphore, #tpu.memory_space<semaphore_mem>>) attributes {dimension_semantics = [#tpu.dimension_semantics<core_parallel>, #tpu.dimension_semantics<subcore_parallel>], iteration_bounds = array<i64: 2, 16>, scalar_prefetch = 0 : i64, scratch_operands = 5 : i64, tpu.core_type = #tpu.core_type<sc_vector_subcore>, window_params = [{transform_indices = #map}, {transform_indices = #map1}, {transform_indices = #map1}, {transform_indices = #map}, {transform_indices = #map2}]} {
    %mul3A = arith.constant 2 : i32
    %mul3A_0 = arith.muli %arg1, %mul3A : i32
    %add3A = arith.addi %mul3A_0, %arg0 : i32
    %mul3A_1 = arith.constant 640 : i32
    %mul3A_2 = arith.muli %arg1, %mul3A_1 : i32
    "tpu.region"() ({
      %run_scoped3A = tpu.sem_alloc : memref<!tpu.dma_semaphore, #tpu.memory_space<semaphore_mem>>
      %dma_start3A = arith.constant 0 : i32
      %dma_start3A_15 = tpu.memref_slice %arg10[%mul3A_2, %dma_start3A] : memref<10240x128xf32, #tpu.memory_space<vmem_shared>> -> memref<640x128xf32, #tpu.memory_space<vmem_shared>>
      tpu.enqueue_dma source(%arg5 : memref<640x128xf32, #tpu.memory_space<hbm>>) target(%dma_start3A_15 : memref<640x128xf32, #tpu.memory_space<vmem_shared>>) target_semaphore(%run_scoped3A : memref<!tpu.dma_semaphore, #tpu.memory_space<semaphore_mem>>)
      %dma_wait3A = arith.constant 0 : i32
      %dma_wait3A_16 = tpu.memref_slice %arg10[%mul3A_2, %dma_wait3A] : memref<10240x128xf32, #tpu.memory_space<vmem_shared>> -> memref<640x128xf32, #tpu.memory_space<vmem_shared>>
      tpu.wait_dma2 semaphore(%run_scoped3A : memref<!tpu.dma_semaphore, #tpu.memory_space<semaphore_mem>>) src(%arg5 : memref<640x128xf32, #tpu.memory_space<hbm>>) dst(%dma_wait3A_16 : memref<640x128xf32, #tpu.memory_space<vmem_shared>>)
      tpu.yield
    }) : () -> ()
    %barrier3A = arith.constant 0 : index
    tpu.barrier barrier_id(%barrier3A)
    %mul3A_3 = arith.constant 10112 : i32
    %mul3A_4 = arith.muli %add3A, %mul3A_3 : i32
    %scan3A = arith.constant 0 : i32
    %scan3A_5 = arith.constant 0 : i32
    %scan3A_6 = arith.constant 79 : i32
    %scan3A_7 = arith.addi %scan3A_5, %scan3A_6 : i32
    %scan3A_8 = arith.constant 1 : i32
    scf.for %scan3A_15 = %scan3A_5 to %scan3A_7 step %scan3A_8  : i32 {
      %mul3A_16 = arith.constant 128 : i32
      %mul3A_17 = arith.muli %scan3A_15, %mul3A_16 : i32
      %add3A_18 = arith.addi %mul3A_4, %mul3A_17 : i32
      "tpu.region"() ({
        %run_scoped3A = tpu.sem_alloc : memref<!tpu.dma_semaphore, #tpu.memory_space<semaphore_mem>>
        %dma_start3A_23 = tpu.memref_slice %arg3[%add3A_18] : memref<323584xi32, #tpu.memory_space<hbm>> -> memref<128xi32, #tpu.memory_space<hbm>>
        %dma_start3A_24 = tpu.memref_slice %arg3[%add3A_18] : memref<323584xi32, #tpu.memory_space<hbm>> -> memref<128xi32, #tpu.memory_space<hbm>>
        tpu.enqueue_dma source(%dma_start3A_24 : memref<128xi32, #tpu.memory_space<hbm>>) target(%arg7 : memref<128xi32, #tpu.memory_space<vmem>>) target_semaphore(%run_scoped3A : memref<!tpu.dma_semaphore, #tpu.memory_space<semaphore_mem>>)
        %dma_wait3A_25 = tpu.memref_slice %arg3[%add3A_18] : memref<323584xi32, #tpu.memory_space<hbm>> -> memref<128xi32, #tpu.memory_space<hbm>>
        %dma_wait3A_26 = tpu.memref_slice %arg3[%add3A_18] : memref<323584xi32, #tpu.memory_space<hbm>> -> memref<128xi32, #tpu.memory_space<hbm>>
        tpu.wait_dma2 semaphore(%run_scoped3A : memref<!tpu.dma_semaphore, #tpu.memory_space<semaphore_mem>>) src(%dma_wait3A_26 : memref<128xi32, #tpu.memory_space<hbm>>) dst(%arg7 : memref<128xi32, #tpu.memory_space<vmem>>)
        tpu.yield
      }) : () -> ()
      "tpu.region"() ({
        %run_scoped3A = tpu.sem_alloc : memref<!tpu.dma_semaphore, #tpu.memory_space<semaphore_mem>>
        %dma_start3A_23 = tpu.memref_slice %arg4[%add3A_18] : memref<323584xi32, #tpu.memory_space<hbm>> -> memref<128xi32, #tpu.memory_space<hbm>>
        %dma_start3A_24 = tpu.memref_slice %arg4[%add3A_18] : memref<323584xi32, #tpu.memory_space<hbm>> -> memref<128xi32, #tpu.memory_space<hbm>>
        tpu.enqueue_dma source(%dma_start3A_24 : memref<128xi32, #tpu.memory_space<hbm>>) target(%arg8 : memref<128xi32, #tpu.memory_space<vmem>>) target_semaphore(%run_scoped3A : memref<!tpu.dma_semaphore, #tpu.memory_space<semaphore_mem>>)
        %dma_wait3A_25 = tpu.memref_slice %arg4[%add3A_18] : memref<323584xi32, #tpu.memory_space<hbm>> -> memref<128xi32, #tpu.memory_space<hbm>>
        %dma_wait3A_26 = tpu.memref_slice %arg4[%add3A_18] : memref<323584xi32, #tpu.memory_space<hbm>> -> memref<128xi32, #tpu.memory_space<hbm>>
        tpu.wait_dma2 semaphore(%run_scoped3A : memref<!tpu.dma_semaphore, #tpu.memory_space<semaphore_mem>>) src(%dma_wait3A_26 : memref<128xi32, #tpu.memory_space<hbm>>) dst(%arg8 : memref<128xi32, #tpu.memory_space<vmem>>)
        tpu.yield
      }) : () -> ()
      %dma_start3A = arith.constant 0 : i32
      %dma_start3A_19 = arith.constant 0 : i32
      %dma_start3A_20 = tpu.memref_slice %arg2[%dma_start3A, %dma_start3A_19] : memref<10000x128xf32, #tpu.memory_space<hbm>> -> memref<10000x128xf32, #tpu.memory_space<hbm>>
      tpu.enqueue_indirect_dma source(%dma_start3A_20 : memref<10000x128xf32, #tpu.memory_space<hbm>>) target(%arg9 : memref<128x128xf32, #tpu.memory_space<vmem>>) offsets(%arg7 : memref<128xi32, #tpu.memory_space<vmem>>) semaphore(%arg11 : memref<!tpu.dma_semaphore, #tpu.memory_space<semaphore_mem>>)
      %dma_wait3A = arith.constant 0 : i32
      %dma_wait3A_21 = arith.constant 0 : i32
      %dma_wait3A_22 = tpu.memref_slice %arg2[%dma_wait3A, %dma_wait3A_21] : memref<10000x128xf32, #tpu.memory_space<hbm>> -> memref<10000x128xf32, #tpu.memory_space<hbm>>
      tpu.wait_indirect_dma semaphore(%arg11 : memref<!tpu.dma_semaphore, #tpu.memory_space<semaphore_mem>>) src(%dma_wait3A_22 : memref<10000x128xf32, #tpu.memory_space<hbm>>) dst(%arg9 : memref<128x128xf32, #tpu.memory_space<vmem>>)
      "tpu.region"() ({
        %run_scoped3A = tpu.sem_alloc : memref<!tpu.dma_semaphore, #tpu.memory_space<semaphore_mem>>
        %dma_start3A_23 = arith.constant 0 : i32
        %dma_start3A_24 = arith.constant 0 : i32
        %dma_start3A_25 = tpu.memref_slice %arg10[%dma_start3A_23, %dma_start3A_24] : memref<10240x128xf32, #tpu.memory_space<vmem_shared>> -> memref<10240x128xf32, #tpu.memory_space<vmem_shared>>
        tpu.enqueue_indirect_dma source(%arg9 : memref<128x128xf32, #tpu.memory_space<vmem>>) target(%dma_start3A_25 : memref<10240x128xf32, #tpu.memory_space<vmem_shared>>) offsets(%arg8 : memref<128xi32, #tpu.memory_space<vmem>>) semaphore(%run_scoped3A : memref<!tpu.dma_semaphore, #tpu.memory_space<semaphore_mem>>) {add = true}
        %dma_wait3A_26 = arith.constant 0 : i32
        %dma_wait3A_27 = arith.constant 0 : i32
        %dma_wait3A_28 = tpu.memref_slice %arg10[%dma_wait3A_26, %dma_wait3A_27] : memref<10240x128xf32, #tpu.memory_space<vmem_shared>> -> memref<10240x128xf32, #tpu.memory_space<vmem_shared>>
        tpu.wait_indirect_dma semaphore(%run_scoped3A : memref<!tpu.dma_semaphore, #tpu.memory_space<semaphore_mem>>) src(%arg9 : memref<128x128xf32, #tpu.memory_space<vmem>>) dst(%dma_wait3A_28 : memref<10240x128xf32, #tpu.memory_space<vmem_shared>>)
        tpu.yield
      }) : () -> ()
    }
    %scan3A_9 = arith.constant 79 : i32
    %barrier3A_10 = arith.constant 0 : index
    tpu.barrier barrier_id(%barrier3A_10)
    %mul3A_11 = arith.constant 640 : i32
    %mul3A_12 = arith.muli %arg1, %mul3A_11 : i32
    %mul3A_13 = arith.constant 640 : i32
    %mul3A_14 = arith.muli %arg1, %mul3A_13 : i32
    "tpu.region"() ({
      %run_scoped3A = tpu.sem_alloc : memref<!tpu.dma_semaphore, #tpu.memory_space<semaphore_mem>>
      %dma_start3A = arith.constant 0 : i32
      %dma_start3A_15 = arith.constant 0 : i32
      %dma_start3A_16 = tpu.memref_slice %arg6[%arg0, %dma_start3A, %dma_start3A_15] : memref<2x10240x128xf32, #tpu.memory_space<hbm>> -> memref<1x10240x128xf32, #tpu.memory_space<hbm>>
      %dma_start3A_17 = tpu.memref_squeeze %dma_start3A_16 : memref<1x10240x128xf32, #tpu.memory_space<hbm>> -> memref<10240x128xf32, #tpu.memory_space<hbm>>
      %dma_start3A_18 = arith.constant 0 : i32
      %dma_start3A_19 = tpu.memref_slice %dma_start3A_17[%mul3A_14, %dma_start3A_18] : memref<10240x128xf32, #tpu.memory_space<hbm>> -> memref<640x128xf32, #tpu.memory_space<hbm>>
      %dma_start3A_20 = arith.constant 0 : i32
      %dma_start3A_21 = tpu.memref_slice %arg10[%mul3A_12, %dma_start3A_20] : memref<10240x128xf32, #tpu.memory_space<vmem_shared>> -> memref<640x128xf32, #tpu.memory_space<vmem_shared>>
      tpu.enqueue_dma source(%dma_start3A_21 : memref<640x128xf32, #tpu.memory_space<vmem_shared>>) target(%dma_start3A_19 : memref<640x128xf32, #tpu.memory_space<hbm>>) target_semaphore(%run_scoped3A : memref<!tpu.dma_semaphore, #tpu.memory_space<semaphore_mem>>)
      %dma_wait3A = arith.constant 0 : i32
      %dma_wait3A_22 = arith.constant 0 : i32
      %dma_wait3A_23 = tpu.memref_slice %arg6[%arg0, %dma_wait3A, %dma_wait3A_22] : memref<2x10240x128xf32, #tpu.memory_space<hbm>> -> memref<1x10240x128xf32, #tpu.memory_space<hbm>>
      %dma_wait3A_24 = tpu.memref_squeeze %dma_wait3A_23 : memref<1x10240x128xf32, #tpu.memory_space<hbm>> -> memref<10240x128xf32, #tpu.memory_space<hbm>>
      %dma_wait3A_25 = arith.constant 0 : i32
      %dma_wait3A_26 = tpu.memref_slice %dma_wait3A_24[%mul3A_14, %dma_wait3A_25] : memref<10240x128xf32, #tpu.memory_space<hbm>> -> memref<640x128xf32, #tpu.memory_space<hbm>>
      %dma_wait3A_27 = arith.constant 0 : i32
      %dma_wait3A_28 = tpu.memref_slice %arg10[%mul3A_12, %dma_wait3A_27] : memref<10240x128xf32, #tpu.memory_space<vmem_shared>> -> memref<640x128xf32, #tpu.memory_space<vmem_shared>>
      tpu.wait_dma2 semaphore(%run_scoped3A : memref<!tpu.dma_semaphore, #tpu.memory_space<semaphore_mem>>) src(%dma_wait3A_28 : memref<640x128xf32, #tpu.memory_space<vmem_shared>>) dst(%dma_wait3A_26 : memref<640x128xf32, #tpu.memory_space<hbm>>)
      tpu.yield
    }) : () -> ()
    return
  }
}

#map = affine_map<(d0, d1) -> (0, 0)>
#map1 = affine_map<(d0, d1) -> (0)>
#map2 = affine_map<(d0, d1) -> (0, 0, 0)>
module attributes {stable_mosaic.version = 14 : i64} {
  func.func @k(%arg0: i32, %arg1: i32, %arg2: memref<10000x128xf32, #tpu.memory_space<hbm>>, %arg3: memref<323584xi32, #tpu.memory_space<hbm>>, %arg4: memref<323584xi32, #tpu.memory_space<hbm>>, %arg5: memref<640x128xf32, #tpu.memory_space<hbm>>, %arg6: memref<2x10240x128xf32, #tpu.memory_space<hbm>>, %arg7: memref<128xi32, #tpu.memory_space<vmem>>, %arg8: memref<128xi32, #tpu.memory_space<vmem>>, %arg9: memref<128x128xf32, #tpu.memory_space<vmem>>, %arg10: memref<10240x128xf32, #tpu.memory_space<vmem_shared>>, %arg11: memref<!tpu.dma_semaphore, #tpu.memory_space<semaphore_mem>>) attributes {dimension_semantics = [#tpu.dimension_semantics<core_parallel>, #tpu.dimension_semantics<subcore_parallel>], iteration_bounds = array<i64: 2, 16>, scalar_prefetch = 0 : i64, scratch_operands = 5 : i64, tpu.core_type = #tpu.core_type<sc_vector_subcore>, window_params = [{transform_indices = #map}, {transform_indices = #map1}, {transform_indices = #map1}, {transform_indices = #map}, {transform_indices = #map2}]} {
    %mul3A = arith.constant 2 : i32
    %mul3A_0 = arith.muli %arg1, %mul3A : i32
    %add3A = arith.addi %mul3A_0, %arg0 : i32
    %mul3A_1 = arith.constant 640 : i32
    %mul3A_2 = arith.muli %arg1, %mul3A_1 : i32
    "tpu.region"() ({
      %run_scoped3A = tpu.sem_alloc : memref<!tpu.dma_semaphore, #tpu.memory_space<semaphore_mem>>
      %dma_start3A = arith.constant 0 : i32
      %dma_start3A_15 = tpu.memref_slice %arg10[%mul3A_2, %dma_start3A] : memref<10240x128xf32, #tpu.memory_space<vmem_shared>> -> memref<640x128xf32, #tpu.memory_space<vmem_shared>>
      tpu.enqueue_dma source(%arg5 : memref<640x128xf32, #tpu.memory_space<hbm>>) target(%dma_start3A_15 : memref<640x128xf32, #tpu.memory_space<vmem_shared>>) target_semaphore(%run_scoped3A : memref<!tpu.dma_semaphore, #tpu.memory_space<semaphore_mem>>)
      %dma_wait3A = arith.constant 0 : i32
      %dma_wait3A_16 = tpu.memref_slice %arg10[%mul3A_2, %dma_wait3A] : memref<10240x128xf32, #tpu.memory_space<vmem_shared>> -> memref<640x128xf32, #tpu.memory_space<vmem_shared>>
      tpu.wait_dma2 semaphore(%run_scoped3A : memref<!tpu.dma_semaphore, #tpu.memory_space<semaphore_mem>>) src(%arg5 : memref<640x128xf32, #tpu.memory_space<hbm>>) dst(%dma_wait3A_16 : memref<640x128xf32, #tpu.memory_space<vmem_shared>>)
      tpu.yield
    }) : () -> ()
    %barrier3A = arith.constant 0 : index
    tpu.barrier barrier_id(%barrier3A)
    %mul3A_3 = arith.constant 10112 : i32
    %mul3A_4 = arith.muli %add3A, %mul3A_3 : i32
    %scan3A = arith.constant 0 : i32
    %scan3A_5 = arith.constant 0 : i32
    %scan3A_6 = arith.constant 79 : i32
    %scan3A_7 = arith.addi %scan3A_5, %scan3A_6 : i32
    %scan3A_8 = arith.constant 1 : i32
    scf.for %scan3A_15 = %scan3A_5 to %scan3A_7 step %scan3A_8  : i32 {
      %mul3A_16 = arith.constant 128 : i32
      %mul3A_17 = arith.muli %scan3A_15, %mul3A_16 : i32
      %add3A_18 = arith.addi %mul3A_4, %mul3A_17 : i32
      "tpu.region"() ({
        %run_scoped3A = tpu.sem_alloc : memref<!tpu.dma_semaphore, #tpu.memory_space<semaphore_mem>>
        %dma_start3A_23 = tpu.memref_slice %arg3[%add3A_18] : memref<323584xi32, #tpu.memory_space<hbm>> -> memref<128xi32, #tpu.memory_space<hbm>>
        %dma_start3A_24 = tpu.memref_slice %arg3[%add3A_18] : memref<323584xi32, #tpu.memory_space<hbm>> -> memref<128xi32, #tpu.memory_space<hbm>>
        tpu.enqueue_dma source(%dma_start3A_24 : memref<128xi32, #tpu.memory_space<hbm>>) target(%arg7 : memref<128xi32, #tpu.memory_space<vmem>>) target_semaphore(%run_scoped3A : memref<!tpu.dma_semaphore, #tpu.memory_space<semaphore_mem>>)
        %dma_wait3A_25 = tpu.memref_slice %arg3[%add3A_18] : memref<323584xi32, #tpu.memory_space<hbm>> -> memref<128xi32, #tpu.memory_space<hbm>>
        %dma_wait3A_26 = tpu.memref_slice %arg3[%add3A_18] : memref<323584xi32, #tpu.memory_space<hbm>> -> memref<128xi32, #tpu.memory_space<hbm>>
        tpu.wait_dma2 semaphore(%run_scoped3A : memref<!tpu.dma_semaphore, #tpu.memory_space<semaphore_mem>>) src(%dma_wait3A_26 : memref<128xi32, #tpu.memory_space<hbm>>) dst(%arg7 : memref<128xi32, #tpu.memory_space<vmem>>)
        tpu.yield
      }) : () -> ()
      "tpu.region"() ({
        %run_scoped3A = tpu.sem_alloc : memref<!tpu.dma_semaphore, #tpu.memory_space<semaphore_mem>>
        %dma_start3A_23 = tpu.memref_slice %arg4[%add3A_18] : memref<323584xi32, #tpu.memory_space<hbm>> -> memref<128xi32, #tpu.memory_space<hbm>>
        %dma_start3A_24 = tpu.memref_slice %arg4[%add3A_18] : memref<323584xi32, #tpu.memory_space<hbm>> -> memref<128xi32, #tpu.memory_space<hbm>>
        tpu.enqueue_dma source(%dma_start3A_24 : memref<128xi32, #tpu.memory_space<hbm>>) target(%arg8 : memref<128xi32, #tpu.memory_space<vmem>>) target_semaphore(%run_scoped3A : memref<!tpu.dma_semaphore, #tpu.memory_space<semaphore_mem>>)
        %dma_wait3A_25 = tpu.memref_slice %arg4[%add3A_18] : memref<323584xi32, #tpu.memory_space<hbm>> -> memref<128xi32, #tpu.memory_space<hbm>>
        %dma_wait3A_26 = tpu.memref_slice %arg4[%add3A_18] : memref<323584xi32, #tpu.memory_space<hbm>> -> memref<128xi32, #tpu.memory_space<hbm>>
        tpu.wait_dma2 semaphore(%run_scoped3A : memref<!tpu.dma_semaphore, #tpu.memory_space<semaphore_mem>>) src(%dma_wait3A_26 : memref<128xi32, #tpu.memory_space<hbm>>) dst(%arg8 : memref<128xi32, #tpu.memory_space<vmem>>)
        tpu.yield
      }) : () -> ()
      %dma_start3A = arith.constant 0 : i32
      %dma_start3A_19 = arith.constant 0 : i32
      %dma_start3A_20 = tpu.memref_slice %arg2[%dma_start3A, %dma_start3A_19] : memref<10000x128xf32, #tpu.memory_space<hbm>> -> memref<10000x128xf32, #tpu.memory_space<hbm>>
      tpu.enqueue_indirect_dma source(%dma_start3A_20 : memref<10000x128xf32, #tpu.memory_space<hbm>>) target(%arg9 : memref<128x128xf32, #tpu.memory_space<vmem>>) offsets(%arg7 : memref<128xi32, #tpu.memory_space<vmem>>) semaphore(%arg11 : memref<!tpu.dma_semaphore, #tpu.memory_space<semaphore_mem>>)
      %dma_wait3A = arith.constant 0 : i32
      %dma_wait3A_21 = arith.constant 0 : i32
      %dma_wait3A_22 = tpu.memref_slice %arg2[%dma_wait3A, %dma_wait3A_21] : memref<10000x128xf32, #tpu.memory_space<hbm>> -> memref<10000x128xf32, #tpu.memory_space<hbm>>
      tpu.wait_indirect_dma semaphore(%arg11 : memref<!tpu.dma_semaphore, #tpu.memory_space<semaphore_mem>>) src(%dma_wait3A_22 : memref<10000x128xf32, #tpu.memory_space<hbm>>) dst(%arg9 : memref<128x128xf32, #tpu.memory_space<vmem>>)
      "tpu.region"() ({
        %run_scoped3A = tpu.sem_alloc : memref<!tpu.dma_semaphore, #tpu.memory_space<semaphore_mem>>
        %dma_start3A_23 = arith.constant 0 : i32
        %dma_start3A_24 = arith.constant 0 : i32
        %dma_start3A_25 = tpu.memref_slice %arg10[%dma_start3A_23, %dma_start3A_24] : memref<10240x128xf32, #tpu.memory_space<vmem_shared>> -> memref<10240x128xf32, #tpu.memory_space<vmem_shared>>
        tpu.enqueue_indirect_dma source(%arg9 : memref<128x128xf32, #tpu.memory_space<vmem>>) target(%dma_start3A_25 : memref<10240x128xf32, #tpu.memory_space<vmem_shared>>) offsets(%arg8 : memref<128xi32, #tpu.memory_space<vmem>>) semaphore(%run_scoped3A : memref<!tpu.dma_semaphore, #tpu.memory_space<semaphore_mem>>) {add = true}
        %dma_wait3A_26 = arith.constant 0 : i32
        %dma_wait3A_27 = arith.constant 0 : i32
        %dma_wait3A_28 = tpu.memref_slice %arg10[%dma_wait3A_26, %dma_wait3A_27] : memref<10240x128xf32, #tpu.memory_space<vmem_shared>> -> memref<10240x128xf32, #tpu.memory_space<vmem_shared>>
        tpu.wait_indirect_dma semaphore(%run_scoped3A : memref<!tpu.dma_semaphore, #tpu.memory_space<semaphore_mem>>) src(%arg9 : memref<128x128xf32, #tpu.memory_space<vmem>>) dst(%dma_wait3A_28 : memref<10240x128xf32, #tpu.memory_space<vmem_shared>>)
        tpu.yield
      }) : () -> ()
    }
    %scan3A_9 = arith.constant 79 : i32
    %barrier3A_10 = arith.constant 0 : index
    tpu.barrier barrier_id(%barrier3A_10)
    %mul3A_11 = arith.constant 640 : i32
    %mul3A_12 = arith.muli %arg1, %mul3A_11 : i32
    %mul3A_13 = arith.constant 640 : i32
    %mul3A_14 = arith.muli %arg1, %mul3A_13 : i32
    "tpu.region"() ({
      %run_scoped3A = tpu.sem_alloc : memref<!tpu.dma_semaphore, #tpu.memory_space<semaphore_mem>>
      %dma_start3A = arith.constant 0 : i32
      %dma_start3A_15 = arith.constant 0 : i32
      %dma_start3A_16 = tpu.memref_slice %arg6[%arg0, %dma_start3A, %dma_start3A_15] : memref<2x10240x128xf32, #tpu.memory_space<hbm>> -> memref<1x10240x128xf32, #tpu.memory_space<hbm>>
      %dma_start3A_17 = tpu.memref_squeeze %dma_start3A_16 : memref<1x10240x128xf32, #tpu.memory_space<hbm>> -> memref<10240x128xf32, #tpu.memory_space<hbm>>
      %dma_start3A_18 = arith.constant 0 : i32
      %dma_start3A_19 = tpu.memref_slice %dma_start3A_17[%mul3A_14, %dma_start3A_18] : memref<10240x128xf32, #tpu.memory_space<hbm>> -> memref<640x128xf32, #tpu.memory_space<hbm>>
      %dma_start3A_20 = arith.constant 0 : i32
      %dma_start3A_21 = tpu.memref_slice %arg10[%mul3A_12, %dma_start3A_20] : memref<10240x128xf32, #tpu.memory_space<vmem_shared>> -> memref<640x128xf32, #tpu.memory_space<vmem_shared>>
      tpu.enqueue_dma source(%dma_start3A_21 : memref<640x128xf32, #tpu.memory_space<vmem_shared>>) target(%dma_start3A_19 : memref<640x128xf32, #tpu.memory_space<hbm>>) target_semaphore(%run_scoped3A : memref<!tpu.dma_semaphore, #tpu.memory_space<semaphore_mem>>)
      %dma_wait3A = arith.constant 0 : i32
      %dma_wait3A_22 = arith.constant 0 : i32
      %dma_wait3A_23 = tpu.memref_slice %arg6[%arg0, %dma_wait3A, %dma_wait3A_22] : memref<2x10240x128xf32, #tpu.memory_space<hbm>> -> memref<1x10240x128xf32, #tpu.memory_space<hbm>>
      %dma_wait3A_24 = tpu.memref_squeeze %dma_wait3A_23 : memref<1x10240x128xf32, #tpu.memory_space<hbm>> -> memref<10240x128xf32, #tpu.memory_space<hbm>>
      %dma_wait3A_25 = arith.constant 0 : i32
      %dma_wait3A_26 = tpu.memref_slice %dma_wait3A_24[%mul3A_14, %dma_wait3A_25] : memref<10240x128xf32, #tpu.memory_space<hbm>> -> memref<640x128xf32, #tpu.memory_space<hbm>>
      %dma_wait3A_27 = arith.constant 0 : i32
      %dma_wait3A_28 = tpu.memref_slice %arg10[%mul3A_12, %dma_wait3A_27] : memref<10240x128xf32, #tpu.memory_space<vmem_shared>> -> memref<640x128xf32, #tpu.memory_space<vmem_shared>>
      tpu.wait_dma2 semaphore(%run_scoped3A : memref<!tpu.dma_semaphore, #tpu.memory_space<semaphore_mem>>) src(%dma_wait3A_28 : memref<640x128xf32, #tpu.memory_space<vmem_shared>>) dst(%dma_wait3A_26 : memref<640x128xf32, #tpu.memory_space<hbm>>)
      tpu.yield
    }) : () -> ()
    return
  }
}

module attributes {stable_mosaic.version = 14 : i64} {
  func.func @_enc_body(%arg0: i32, %arg1: memref<2000x128xf32, #tpu.memory_space<vmem>>, %arg2: memref<128x128xf32, #tpu.memory_space<vmem>>, %arg3: memref<1x128xf32, #tpu.memory_space<vmem>>, %arg4: memref<2000x128xf32, #tpu.memory_space<vmem>>, %arg5: memref<2000x128xf32, #tpu.memory_space<vmem>>, %arg6: memref<2000x128xf32, #tpu.memory_space<vmem>>, %arg7: memref<2000x128xf32, #tpu.memory_space<vmem>>, %arg8: memref<2000x128xf32, #tpu.memory_space<vmem>>) attributes {dimension_semantics = [#tpu.dimension_semantics<arbitrary>], iteration_bounds = array<i64: 5>, scalar_prefetch = 0 : i64, scratch_operands = 0 : i64, tpu.core_type = #tpu.core_type<tc>, window_params = [{transform_indices = @transform_0, window_bounds = array<i64: 2000, 128>}, {pipeline_mode = #tpu.pipeline_mode<synchronous>, transform_indices = @transform_1, window_bounds = array<i64: 128, 128>}, {pipeline_mode = #tpu.pipeline_mode<synchronous>, transform_indices = @transform_2, window_bounds = array<i64: 1, 128>}, {transform_indices = @transform_3, window_bounds = array<i64: 2000, 128>}, {transform_indices = @transform_4, window_bounds = array<i64: 2000, 128>}, {transform_indices = @transform_5, window_bounds = array<i64: 2000, 128>}, {transform_indices = @transform_6, window_bounds = array<i64: 2000, 128>}, {transform_indices = @transform_7, window_bounds = array<i64: 2000, 128>}]} {
    %get3A = arith.constant 0 : index
    %get3A_0 = arith.constant 0 : index
    %get3A_1 = vector.load %arg4[%get3A, %get3A_0] : memref<2000x128xf32, #tpu.memory_space<vmem>>, vector<2000x1xf32>
    %get3A_2 = arith.constant 0 : index
    %get3A_3 = arith.constant 0 : index
    %get3A_4 = vector.load %arg5[%get3A_2, %get3A_3] : memref<2000x128xf32, #tpu.memory_space<vmem>>, vector<2000x1xf32>
    %add3A = arith.addf %get3A_1, %get3A_4 : vector<2000x1xf32>
    %max3A = arith.constant 1.000000e+00 : f32
    %max3A_5 = vector.broadcast %max3A : f32 to vector<2000x1xf32>
    %max3A_6 = arith.maximumf %add3A, %max3A_5 : vector<2000x1xf32>
    %sqrt3A = math.sqrt %max3A_6 : vector<2000x1xf32>
    %div3A = arith.constant 1.000000e+00 : f32
    %div3A_7 = vector.broadcast %div3A : f32 to vector<2000x1xf32>
    %div3A_8 = arith.divf %div3A_7, %sqrt3A : vector<2000x1xf32>
    %broadcast_in_dim3A = vector.shape_cast %div3A_8 : vector<2000x1xf32> to vector<2000x1xf32>
    %broadcast_in_dim3A_9 = vector.broadcast %broadcast_in_dim3A : vector<2000x1xf32> to vector<2000x128xf32>
    %get3A_10 = arith.constant 0 : index
    %get3A_11 = arith.constant 0 : index
    %get3A_12 = vector.load %arg1[%get3A_10, %get3A_11] : memref<2000x128xf32, #tpu.memory_space<vmem>>, vector<2000x128xf32>
    %get3A_13 = arith.constant 0 : index
    %get3A_14 = arith.constant 0 : index
    %get3A_15 = vector.load %arg2[%get3A_13, %get3A_14] : memref<128x128xf32, #tpu.memory_space<vmem>>, vector<128x128xf32>
    %dot_general3A = arith.constant dense<0.000000e+00> : vector<2000x128xf32>
    %dot_general3A_16 = tpu.matmul %get3A_12, %get3A_15, %dot_general3A {dimension_numbers = #tpu.dot_dimension_numbers<[1], [0], [0], [1], [0, 0, 1, 1], [], []>, transpose_lhs_hint = false} : vector<2000x128xf32>, vector<128x128xf32>, vector<2000x128xf32> -> vector<2000x128xf32>
    %get3A_17 = arith.constant 0 : index
    %get3A_18 = arith.constant 0 : index
    %get3A_19 = vector.load %arg3[%get3A_17, %get3A_18] : memref<1x128xf32, #tpu.memory_space<vmem>>, vector<1x128xf32>
    %add3A_20 = vector.broadcast %get3A_19 : vector<1x128xf32> to vector<2000x128xf32>
    %add3A_21 = arith.addf %dot_general3A_16, %add3A_20 : vector<2000x128xf32>
    %swap3A = arith.constant 0 : index
    %swap3A_22 = arith.constant 0 : index
    %swap3A_23 = vector.load %arg6[%swap3A, %swap3A_22] : memref<2000x128xf32, #tpu.memory_space<vmem>>, vector<2000x128xf32>
    tpu.vector_store %arg6[%swap3A, %swap3A_22], %add3A_21 {strides = array<i32>} : memref<2000x128xf32, #tpu.memory_space<vmem>>, vector<2000x128xf32>,
    %swap3A_24 = arith.constant 0 : index
    %swap3A_25 = arith.constant 0 : index
    %swap3A_26 = vector.load %arg8[%swap3A_24, %swap3A_25] : memref<2000x128xf32, #tpu.memory_space<vmem>>, vector<2000x128xf32>
    tpu.vector_store %arg8[%swap3A_24, %swap3A_25], %broadcast_in_dim3A_9 {strides = array<i32>} : memref<2000x128xf32, #tpu.memory_space<vmem>>, vector<2000x128xf32>,
    %mul3A = arith.mulf %add3A_21, %broadcast_in_dim3A_9 : vector<2000x128xf32>
    %swap3A_27 = arith.constant 0 : index
    %swap3A_28 = arith.constant 0 : index
    %swap3A_29 = vector.load %arg7[%swap3A_27, %swap3A_28] : memref<2000x128xf32, #tpu.memory_space<vmem>>, vector<2000x128xf32>
    tpu.vector_store %arg7[%swap3A_27, %swap3A_28], %mul3A {strides = array<i32>} : memref<2000x128xf32, #tpu.memory_space<vmem>>, vector<2000x128xf32>,
    return
  }
  func.func @transform_0(%arg0: i32) -> (i32, i32) {
    %c0_i32 = arith.constant 0 : i32
    %c0_i32_0 = arith.constant 0 : i32
    return %arg0, %c0_i32 : i32, i32
  }
  func.func @transform_1(%arg0: i32) -> (i32, i32) {
    %c0_i32 = arith.constant 0 : i32
    %c0_i32_0 = arith.constant 0 : i32
    %c0_i32_1 = arith.constant 0 : i32
    return %c0_i32, %c0_i32_0 : i32, i32
  }
  func.func @transform_2(%arg0: i32) -> (i32, i32) {
    %c0_i32 = arith.constant 0 : i32
    %c0_i32_0 = arith.constant 0 : i32
    %c0_i32_1 = arith.constant 0 : i32
    return %c0_i32, %c0_i32_0 : i32, i32
  }
  func.func @transform_3(%arg0: i32) -> (i32, i32) {
    %c0_i32 = arith.constant 0 : i32
    %c0_i32_0 = arith.constant 0 : i32
    return %arg0, %c0_i32 : i32, i32
  }
  func.func @transform_4(%arg0: i32) -> (i32, i32) {
    %c0_i32 = arith.constant 0 : i32
    %c0_i32_0 = arith.constant 0 : i32
    return %arg0, %c0_i32 : i32, i32
  }
  func.func @transform_5(%arg0: i32) -> (i32, i32) {
    %c0_i32 = arith.constant 0 : i32
    %c0_i32_0 = arith.constant 0 : i32
    return %arg0, %c0_i32 : i32, i32
  }
  func.func @transform_6(%arg0: i32) -> (i32, i32) {
    %c0_i32 = arith.constant 0 : i32
    %c0_i32_0 = arith.constant 0 : i32
    return %arg0, %c0_i32 : i32, i32
  }
  func.func @transform_7(%arg0: i32) -> (i32, i32) {
    %c0_i32 = arith.constant 0 : i32
    %c0_i32_0 = arith.constant 0 : i32
    return %arg0, %c0_i32 : i32, i32
  }
}

module attributes {stable_mosaic.version = 14 : i64} {
  func.func @_layer_body(%arg0: i32, %arg1: memref<2000x128xf32, #tpu.memory_space<vmem>>, %arg2: memref<2000x128xf32, #tpu.memory_space<vmem>>, %arg3: memref<2000x128xf32, #tpu.memory_space<vmem>>, %arg4: memref<2000x128xf32, #tpu.memory_space<vmem>>, %arg5: memref<128x128xf32, #tpu.memory_space<vmem>>, %arg6: memref<1x128xf32, #tpu.memory_space<vmem>>, %arg7: memref<3x16x128xf32, #tpu.memory_space<vmem>>, %arg8: memref<2000x128xf32, #tpu.memory_space<vmem>>, %arg9: memref<2000x128xf32, #tpu.memory_space<vmem>>, %arg10: memref<2000x3xf32, #tpu.memory_space<vmem>>, %arg11: memref<1x1xf32, #tpu.memory_space<vmem>>) attributes {dimension_semantics = [#tpu.dimension_semantics<arbitrary>], iteration_bounds = array<i64: 5>, scalar_prefetch = 0 : i64, scratch_operands = 0 : i64, tpu.core_type = #tpu.core_type<tc>, window_params = [{transform_indices = @transform_0, window_bounds = array<i64: 2000, 128>}, {transform_indices = @transform_1, window_bounds = array<i64: 2000, 128>}, {transform_indices = @transform_2, window_bounds = array<i64: 2000, 128>}, {transform_indices = @transform_3, window_bounds = array<i64: 2000, 128>}, {pipeline_mode = #tpu.pipeline_mode<synchronous>, transform_indices = @transform_4, window_bounds = array<i64: 128, 128>}, {pipeline_mode = #tpu.pipeline_mode<synchronous>, transform_indices = @transform_5, window_bounds = array<i64: 1, 128>}, {pipeline_mode = #tpu.pipeline_mode<synchronous>, transform_indices = @transform_6, window_bounds = array<i64: 3, 16, 128>}, {transform_indices = @transform_7, window_bounds = array<i64: 2000, 128>}, {transform_indices = @transform_8, window_bounds = array<i64: 2000, 128>}, {transform_indices = @transform_9, window_bounds = array<i64: 2000, 3>}, {pipeline_mode = #tpu.pipeline_mode<synchronous>, transform_indices = @transform_10, window_bounds = array<i64: 1, 1>}]} {
    %get3A = arith.constant 0 : index
    %get3A_0 = arith.constant 0 : index
    %get3A_1 = vector.load %arg4[%get3A, %get3A_0] : memref<2000x128xf32, #tpu.memory_space<vmem>>, vector<2000x128xf32>
    %get3A_2 = arith.constant 0 : index
    %get3A_3 = arith.constant 0 : index
    %get3A_4 = vector.load %arg1[%get3A_2, %get3A_3] : memref<2000x128xf32, #tpu.memory_space<vmem>>, vector<2000x128xf32>
    %get3A_5 = arith.constant 0 : index
    %get3A_6 = arith.constant 0 : index
    %get3A_7 = vector.load %arg2[%get3A_5, %get3A_6] : memref<2000x128xf32, #tpu.memory_space<vmem>>, vector<2000x128xf32>
    %add3A = arith.addf %get3A_4, %get3A_7 : vector<2000x128xf32>
    %mul3A = arith.mulf %add3A, %get3A_1 : vector<2000x128xf32>
    %get3A_8 = arith.constant 0 : index
    %get3A_9 = arith.constant 0 : index
    %get3A_10 = vector.load %arg5[%get3A_8, %get3A_9] : memref<128x128xf32, #tpu.memory_space<vmem>>, vector<128x128xf32>
    %dot_general3A = arith.constant dense<0.000000e+00> : vector<2000x128xf32>
    %dot_general3A_11 = tpu.matmul %mul3A, %get3A_10, %dot_general3A {dimension_numbers = #tpu.dot_dimension_numbers<[1], [0], [0], [1], [0, 0, 1, 1], [], []>, transpose_lhs_hint = false} : vector<2000x128xf32>, vector<128x128xf32>, vector<2000x128xf32> -> vector<2000x128xf32>
    %get3A_12 = arith.constant 0 : index
    %get3A_13 = arith.constant 0 : index
    %get3A_14 = vector.load %arg6[%get3A_12, %get3A_13] : memref<1x128xf32, #tpu.memory_space<vmem>>, vector<1x128xf32>
    %add3A_15 = vector.broadcast %get3A_14 : vector<1x128xf32> to vector<2000x128xf32>
    %add3A_16 = arith.addf %dot_general3A_11, %add3A_15 : vector<2000x128xf32>
    %max3A = arith.constant 0.000000e+00 : f32
    %max3A_17 = vector.broadcast %max3A : f32 to vector<2000x128xf32>
    %max3A_18 = arith.maximumf %add3A_16, %max3A_17 : vector<2000x128xf32>
    %get3A_19 = arith.constant 0 : index
    %get3A_20 = arith.constant 0 : index
    %get3A_21 = vector.load %arg3[%get3A_19, %get3A_20] : memref<2000x128xf32, #tpu.memory_space<vmem>>, vector<2000x128xf32>
    %add3A_22 = arith.addf %max3A_18, %get3A_21 : vector<2000x128xf32>
    %swap3A = arith.constant 0 : index
    %swap3A_23 = arith.constant 0 : index
    %swap3A_24 = vector.load %arg8[%swap3A, %swap3A_23] : memref<2000x128xf32, #tpu.memory_space<vmem>>, vector<2000x128xf32>
    tpu.vector_store %arg8[%swap3A, %swap3A_23], %add3A_22 {strides = array<i32>} : memref<2000x128xf32, #tpu.memory_space<vmem>>, vector<2000x128xf32>,
    %mul3A_25 = arith.mulf %add3A_22, %get3A_1 : vector<2000x128xf32>
    %swap3A_26 = arith.constant 0 : index
    %swap3A_27 = arith.constant 0 : index
    %swap3A_28 = vector.load %arg9[%swap3A_26, %swap3A_27] : memref<2000x128xf32, #tpu.memory_space<vmem>>, vector<2000x128xf32>
    tpu.vector_store %arg9[%swap3A_26, %swap3A_27], %mul3A_25 {strides = array<i32>} : memref<2000x128xf32, #tpu.memory_space<vmem>>, vector<2000x128xf32>,
    %eq3A = arith.constant 0 : i32
    %eq3A_29 = arith.cmpi eq, %arg0, %eq3A : i32
    %convert_element_type3A = arith.extui %eq3A_29 : i1 to i32
    %cond3A = arith.constant 0 : i32
    %cond3A_30 = arith.cmpi ne, %convert_element_type3A, %cond3A : i32
    scf.if %cond3A_30 {
      %broadcast_in_dim3A_166 = arith.constant 0.000000e+00 : f32
      %broadcast_in_dim3A_167 = vector.broadcast %broadcast_in_dim3A_166 : f32 to vector<1x1xf32>
      %swap3A_168 = arith.constant 0 : index
      %swap3A_169 = arith.constant 0 : index
      %swap3A_170 = vector.load %arg11[%swap3A_168, %swap3A_169] : memref<1x1xf32, #tpu.memory_space<vmem>>, vector<1x1xf32>
      tpu.vector_store %arg11[%swap3A_168, %swap3A_169], %broadcast_in_dim3A_167 {strides = array<i32>} : memref<1x1xf32, #tpu.memory_space<vmem>>, vector<1x1xf32>,
    } else {
    }
    %iota3A = tpu.iota {dimensions = array<i32: 1>} : vector<2000x16xi32>
    %get3A_31 = arith.constant 0 : index
    %get3A_32 = arith.constant 0 : index
    %get3A_33 = arith.constant 0 : index
    %get3A_34 = vector.load %arg7[%get3A_31, %get3A_32, %get3A_33] : memref<3x16x128xf32, #tpu.memory_space<vmem>>, vector<1x16x128xf32>
    %get3A_35 = vector.shape_cast %get3A_34 : vector<1x16x128xf32> to vector<16x128xf32>
    %mul3A_36 = arith.mulf %get3A_35, %get3A_35 : vector<16x128xf32>
    %reduce_sum3A = arith.constant dense<0.000000e+00> : vector<16xf32>
    %reduce_sum3A_37 = vector.multi_reduction <add>, %mul3A_36, %reduce_sum3A [1] : vector<16x128xf32> to vector<16xf32>
    %broadcast_in_dim3A = vector.shape_cast %reduce_sum3A_37 : vector<16xf32> to vector<16x1xf32>
    %sqrt3A = math.sqrt %broadcast_in_dim3A : vector<16x1xf32>
    %add3A_38 = arith.constant 9.99999993E-9 : f32
    %add3A_39 = vector.broadcast %add3A_38 : f32 to vector<16x1xf32>
    %add3A_40 = arith.addf %sqrt3A, %add3A_39 : vector<16x1xf32>
    %div3A = vector.broadcast %add3A_40 : vector<16x1xf32> to vector<16x128xf32>
    %div3A_41 = arith.divf %get3A_35, %div3A : vector<16x128xf32>
    %dot_general3A_42 = arith.constant dense<0.000000e+00> : vector<2000x16xf32>
    %dot_general3A_43 = tpu.matmul %add3A_22, %div3A_41, %dot_general3A_42 {dimension_numbers = #tpu.dot_dimension_numbers<[1], [1], [0], [0], [0, 0, 1, 0], [], []>, transpose_lhs_hint = false} : vector<2000x128xf32>, vector<16x128xf32>, vector<2000x16xf32> -> vector<2000x16xf32>
    %reduce_max3A = arith.constant dense<0xFF800000> : vector<2000xf32>
    %reduce_max3A_44 = vector.multi_reduction <maximumf>, %dot_general3A_43, %reduce_max3A [1] : vector<2000x16xf32> to vector<2000xf32>
    %broadcast_in_dim3A_45 = vector.shape_cast %reduce_max3A_44 : vector<2000xf32> to vector<2000x1xf32>
    %ge3A = vector.broadcast %broadcast_in_dim3A_45 : vector<2000x1xf32> to vector<2000x16xf32>
    %ge3A_46 = arith.cmpf oge, %dot_general3A_43, %ge3A : vector<2000x16xf32>
    %jit3A = arith.constant 16 : i32
    %broadcast_in_dim3A_47 = vector.broadcast %jit3A : i32 to vector<2000x16xi32>
    %select_n3A = arith.select %ge3A_46, %iota3A, %broadcast_in_dim3A_47 : vector<2000x16xi1>, vector<2000x16xi32>
    %reduce_min3A = arith.constant dense<2147483647> : vector<2000xi32>
    %reduce_min3A_48 = vector.multi_reduction <minsi>, %select_n3A, %reduce_min3A [1] : vector<2000x16xi32> to vector<2000xi32>
    %broadcast_in_dim3A_49 = vector.shape_cast %reduce_min3A_48 : vector<2000xi32> to vector<2000x1xi32>
    %eq3A_50 = vector.broadcast %broadcast_in_dim3A_49 : vector<2000x1xi32> to vector<2000x16xi32>
    %eq3A_51 = arith.cmpi eq, %iota3A, %eq3A_50 : vector<2000x16xi32>
    %convert_element_type3A_52 = arith.extui %eq3A_51 : vector<2000x16xi1> to vector<2000x16xi32>
    %convert_element_type3A_53 = arith.sitofp %convert_element_type3A_52 : vector<2000x16xi32> to vector<2000x16xf32>
    %dot_general3A_54 = arith.constant dense<0.000000e+00> : vector<2000x128xf32>
    %dot_general3A_55 = tpu.matmul %convert_element_type3A_53, %div3A_41, %dot_general3A_54 {dimension_numbers = #tpu.dot_dimension_numbers<[1], [0], [0], [1], [0, 0, 1, 1], [], []>, transpose_lhs_hint = false} : vector<2000x16xf32>, vector<16x128xf32>, vector<2000x128xf32> -> vector<2000x128xf32>
    %sub3A = arith.subf %dot_general3A_55, %add3A_22 : vector<2000x128xf32>
    %mul3A_56 = arith.mulf %sub3A, %sub3A : vector<2000x128xf32>
    %reduce_sum3A_57 = vector.shape_cast %mul3A_56 : vector<2000x128xf32> to vector<1x2000x128xf32>
    %reduce_sum3A_58 = arith.constant dense<0.000000e+00> : vector<1xf32>
    %reduce_sum3A_59 = vector.multi_reduction <add>, %reduce_sum3A_57, %reduce_sum3A_58 [1, 2] : vector<1x2000x128xf32> to vector<1xf32>
    %reduce_sum3A_60 = vector.shape_cast %reduce_sum3A_59 : vector<1xf32> to vector<1x1x1xf32>
    %reduce_sum3A_61 = vector.extract %reduce_sum3A_60[0, 0, 0] : f32 from vector<1x1x1xf32>
    %add3A_62 = arith.constant 0.000000e+00 : f32
    %add3A_63 = arith.addf %add3A_62, %reduce_sum3A_61 : f32
    %sub3A_64 = arith.subf %add3A_22, %dot_general3A_55 : vector<2000x128xf32>
    %convert_element_type3A_65 = arith.sitofp %broadcast_in_dim3A_49 : vector<2000x1xi32> to vector<2000x1xf32>
    %get3A_66 = arith.constant 1 : index
    %get3A_67 = arith.constant 0 : index
    %get3A_68 = arith.constant 0 : index
    %get3A_69 = vector.load %arg7[%get3A_66, %get3A_67, %get3A_68] : memref<3x16x128xf32, #tpu.memory_space<vmem>>, vector<1x16x128xf32>
    %get3A_70 = vector.shape_cast %get3A_69 : vector<1x16x128xf32> to vector<16x128xf32>
    %mul3A_71 = arith.mulf %get3A_70, %get3A_70 : vector<16x128xf32>
    %reduce_sum3A_72 = arith.constant dense<0.000000e+00> : vector<16xf32>
    %reduce_sum3A_73 = vector.multi_reduction <add>, %mul3A_71, %reduce_sum3A_72 [1] : vector<16x128xf32> to vector<16xf32>
    %broadcast_in_dim3A_74 = vector.shape_cast %reduce_sum3A_73 : vector<16xf32> to vector<16x1xf32>
    %sqrt3A_75 = math.sqrt %broadcast_in_dim3A_74 : vector<16x1xf32>
    %add3A_76 = arith.constant 9.99999993E-9 : f32
    %add3A_77 = vector.broadcast %add3A_76 : f32 to vector<16x1xf32>
    %add3A_78 = arith.addf %sqrt3A_75, %add3A_77 : vector<16x1xf32>
    %div3A_79 = vector.broadcast %add3A_78 : vector<16x1xf32> to vector<16x128xf32>
    %div3A_80 = arith.divf %get3A_70, %div3A_79 : vector<16x128xf32>
    %dot_general3A_81 = arith.constant dense<0.000000e+00> : vector<2000x16xf32>
    %dot_general3A_82 = tpu.matmul %sub3A_64, %div3A_80, %dot_general3A_81 {dimension_numbers = #tpu.dot_dimension_numbers<[1], [1], [0], [0], [0, 0, 1, 0], [], []>, transpose_lhs_hint = false} : vector<2000x128xf32>, vector<16x128xf32>, vector<2000x16xf32> -> vector<2000x16xf32>
    %reduce_max3A_83 = arith.constant dense<0xFF800000> : vector<2000xf32>
    %reduce_max3A_84 = vector.multi_reduction <maximumf>, %dot_general3A_82, %reduce_max3A_83 [1] : vector<2000x16xf32> to vector<2000xf32>
    %broadcast_in_dim3A_85 = vector.shape_cast %reduce_max3A_84 : vector<2000xf32> to vector<2000x1xf32>
    %ge3A_86 = vector.broadcast %broadcast_in_dim3A_85 : vector<2000x1xf32> to vector<2000x16xf32>
    %ge3A_87 = arith.cmpf oge, %dot_general3A_82, %ge3A_86 : vector<2000x16xf32>
    %jit3A_88 = arith.constant 16 : i32
    %broadcast_in_dim3A_89 = vector.broadcast %jit3A_88 : i32 to vector<2000x16xi32>
    %select_n3A_90 = arith.select %ge3A_87, %iota3A, %broadcast_in_dim3A_89 : vector<2000x16xi1>, vector<2000x16xi32>
    %reduce_min3A_91 = arith.constant dense<2147483647> : vector<2000xi32>
    %reduce_min3A_92 = vector.multi_reduction <minsi>, %select_n3A_90, %reduce_min3A_91 [1] : vector<2000x16xi32> to vector<2000xi32>
    %broadcast_in_dim3A_93 = vector.shape_cast %reduce_min3A_92 : vector<2000xi32> to vector<2000x1xi32>
    %eq3A_94 = vector.broadcast %broadcast_in_dim3A_93 : vector<2000x1xi32> to vector<2000x16xi32>
    %eq3A_95 = arith.cmpi eq, %iota3A, %eq3A_94 : vector<2000x16xi32>
    %convert_element_type3A_96 = arith.extui %eq3A_95 : vector<2000x16xi1> to vector<2000x16xi32>
    %convert_element_type3A_97 = arith.sitofp %convert_element_type3A_96 : vector<2000x16xi32> to vector<2000x16xf32>
    %dot_general3A_98 = arith.constant dense<0.000000e+00> : vector<2000x128xf32>
    %dot_general3A_99 = tpu.matmul %convert_element_type3A_97, %div3A_80, %dot_general3A_98 {dimension_numbers = #tpu.dot_dimension_numbers<[1], [0], [0], [1], [0, 0, 1, 1], [], []>, transpose_lhs_hint = false} : vector<2000x16xf32>, vector<16x128xf32>, vector<2000x128xf32> -> vector<2000x128xf32>
    %sub3A_100 = arith.subf %dot_general3A_99, %sub3A_64 : vector<2000x128xf32>
    %mul3A_101 = arith.mulf %sub3A_100, %sub3A_100 : vector<2000x128xf32>
    %reduce_sum3A_102 = vector.shape_cast %mul3A_101 : vector<2000x128xf32> to vector<1x2000x128xf32>
    %reduce_sum3A_103 = arith.constant dense<0.000000e+00> : vector<1xf32>
    %reduce_sum3A_104 = vector.multi_reduction <add>, %reduce_sum3A_102, %reduce_sum3A_103 [1, 2] : vector<1x2000x128xf32> to vector<1xf32>
    %reduce_sum3A_105 = vector.shape_cast %reduce_sum3A_104 : vector<1xf32> to vector<1x1x1xf32>
    %reduce_sum3A_106 = vector.extract %reduce_sum3A_105[0, 0, 0] : f32 from vector<1x1x1xf32>
    %add3A_107 = arith.addf %add3A_63, %reduce_sum3A_106 : f32
    %sub3A_108 = arith.subf %sub3A_64, %dot_general3A_99 : vector<2000x128xf32>
    %convert_element_type3A_109 = arith.sitofp %broadcast_in_dim3A_93 : vector<2000x1xi32> to vector<2000x1xf32>
    %get3A_110 = arith.constant 2 : index
    %get3A_111 = arith.constant 0 : index
    %get3A_112 = arith.constant 0 : index
    %get3A_113 = vector.load %arg7[%get3A_110, %get3A_111, %get3A_112] : memref<3x16x128xf32, #tpu.memory_space<vmem>>, vector<1x16x128xf32>
    %get3A_114 = vector.shape_cast %get3A_113 : vector<1x16x128xf32> to vector<16x128xf32>
    %mul3A_115 = arith.mulf %get3A_114, %get3A_114 : vector<16x128xf32>
    %reduce_sum3A_116 = arith.constant dense<0.000000e+00> : vector<16xf32>
    %reduce_sum3A_117 = vector.multi_reduction <add>, %mul3A_115, %reduce_sum3A_116 [1] : vector<16x128xf32> to vector<16xf32>
    %broadcast_in_dim3A_118 = vector.shape_cast %reduce_sum3A_117 : vector<16xf32> to vector<16x1xf32>
    %sqrt3A_119 = math.sqrt %broadcast_in_dim3A_118 : vector<16x1xf32>
    %add3A_120 = arith.constant 9.99999993E-9 : f32
    %add3A_121 = vector.broadcast %add3A_120 : f32 to vector<16x1xf32>
    %add3A_122 = arith.addf %sqrt3A_119, %add3A_121 : vector<16x1xf32>
    %div3A_123 = vector.broadcast %add3A_122 : vector<16x1xf32> to vector<16x128xf32>
    %div3A_124 = arith.divf %get3A_114, %div3A_123 : vector<16x128xf32>
    %dot_general3A_125 = arith.constant dense<0.000000e+00> : vector<2000x16xf32>
    %dot_general3A_126 = tpu.matmul %sub3A_108, %div3A_124, %dot_general3A_125 {dimension_numbers = #tpu.dot_dimension_numbers<[1], [1], [0], [0], [0, 0, 1, 0], [], []>, transpose_lhs_hint = false} : vector<2000x128xf32>, vector<16x128xf32>, vector<2000x16xf32> -> vector<2000x16xf32>
    %reduce_max3A_127 = arith.constant dense<0xFF800000> : vector<2000xf32>
    %reduce_max3A_128 = vector.multi_reduction <maximumf>, %dot_general3A_126, %reduce_max3A_127 [1] : vector<2000x16xf32> to vector<2000xf32>
    %broadcast_in_dim3A_129 = vector.shape_cast %reduce_max3A_128 : vector<2000xf32> to vector<2000x1xf32>
    %ge3A_130 = vector.broadcast %broadcast_in_dim3A_129 : vector<2000x1xf32> to vector<2000x16xf32>
    %ge3A_131 = arith.cmpf oge, %dot_general3A_126, %ge3A_130 : vector<2000x16xf32>
    %jit3A_132 = arith.constant 16 : i32
    %broadcast_in_dim3A_133 = vector.broadcast %jit3A_132 : i32 to vector<2000x16xi32>
    %select_n3A_134 = arith.select %ge3A_131, %iota3A, %broadcast_in_dim3A_133 : vector<2000x16xi1>, vector<2000x16xi32>
    %reduce_min3A_135 = arith.constant dense<2147483647> : vector<2000xi32>
    %reduce_min3A_136 = vector.multi_reduction <minsi>, %select_n3A_134, %reduce_min3A_135 [1] : vector<2000x16xi32> to vector<2000xi32>
    %broadcast_in_dim3A_137 = vector.shape_cast %reduce_min3A_136 : vector<2000xi32> to vector<2000x1xi32>
    %eq3A_138 = vector.broadcast %broadcast_in_dim3A_137 : vector<2000x1xi32> to vector<2000x16xi32>
    %eq3A_139 = arith.cmpi eq, %iota3A, %eq3A_138 : vector<2000x16xi32>
    %convert_element_type3A_140 = arith.extui %eq3A_139 : vector<2000x16xi1> to vector<2000x16xi32>
    %convert_element_type3A_141 = arith.sitofp %convert_element_type3A_140 : vector<2000x16xi32> to vector<2000x16xf32>
    %dot_general3A_142 = arith.constant dense<0.000000e+00> : vector<2000x128xf32>
    %dot_general3A_143 = tpu.matmul %convert_element_type3A_141, %div3A_124, %dot_general3A_142 {dimension_numbers = #tpu.dot_dimension_numbers<[1], [0], [0], [1], [0, 0, 1, 1], [], []>, transpose_lhs_hint = false} : vector<2000x16xf32>, vector<16x128xf32>, vector<2000x128xf32> -> vector<2000x128xf32>
    %sub3A_144 = arith.subf %dot_general3A_143, %sub3A_108 : vector<2000x128xf32>
    %mul3A_145 = arith.mulf %sub3A_144, %sub3A_144 : vector<2000x128xf32>
    %reduce_sum3A_146 = vector.shape_cast %mul3A_145 : vector<2000x128xf32> to vector<1x2000x128xf32>
    %reduce_sum3A_147 = arith.constant dense<0.000000e+00> : vector<1xf32>
    %reduce_sum3A_148 = vector.multi_reduction <add>, %reduce_sum3A_146, %reduce_sum3A_147 [1, 2] : vector<1x2000x128xf32> to vector<1xf32>
    %reduce_sum3A_149 = vector.shape_cast %reduce_sum3A_148 : vector<1xf32> to vector<1x1x1xf32>
    %reduce_sum3A_150 = vector.extract %reduce_sum3A_149[0, 0, 0] : f32 from vector<1x1x1xf32>
    %add3A_151 = arith.addf %add3A_107, %reduce_sum3A_150 : f32
    %convert_element_type3A_152 = arith.sitofp %broadcast_in_dim3A_137 : vector<2000x1xi32> to vector<2000x1xf32>
    %concatenate3A = tpu.concatenate %convert_element_type3A_65, %convert_element_type3A_109, %convert_element_type3A_152 in 1 : vector<2000x1xf32>, vector<2000x1xf32>, vector<2000x1xf32> -> vector<2000x3xf32>
    %swap3A_153 = arith.constant 0 : index
    %swap3A_154 = arith.constant 0 : index
    %swap3A_155 = vector.load %arg10[%swap3A_153, %swap3A_154] : memref<2000x3xf32, #tpu.memory_space<vmem>>, vector<2000x3xf32>
    tpu.vector_store %arg10[%swap3A_153, %swap3A_154], %concatenate3A {strides = array<i32>} : memref<2000x3xf32, #tpu.memory_space<vmem>>, vector<2000x3xf32>,
    %get3A_156 = arith.constant 0 : index
    %get3A_157 = arith.constant 0 : index
    %get3A_158 = vector.load %arg11[%get3A_156, %get3A_157] : memref<1x1xf32, #tpu.memory_space<vmem>>, vector<1x1xf32>
    %mul3A_159 = arith.constant 1.95312495E-7 : f32
    %mul3A_160 = arith.mulf %add3A_151, %mul3A_159 : f32
    %add3A_161 = vector.broadcast %mul3A_160 : f32 to vector<1x1xf32>
    %add3A_162 = arith.addf %get3A_158, %add3A_161 : vector<1x1xf32>
    %swap3A_163 = arith.constant 0 : index
    %swap3A_164 = arith.constant 0 : index
    %swap3A_165 = vector.load %arg11[%swap3A_163, %swap3A_164] : memref<1x1xf32, #tpu.memory_space<vmem>>, vector<1x1xf32>
    tpu.vector_store %arg11[%swap3A_163, %swap3A_164], %add3A_162 {strides = array<i32>} : memref<1x1xf32, #tpu.memory_space<vmem>>, vector<1x1xf32>,
    return
  }
  func.func @transform_0(%arg0: i32) -> (i32, i32) {
    %c0_i32 = arith.constant 0 : i32
    %c0_i32_0 = arith.constant 0 : i32
    return %arg0, %c0_i32 : i32, i32
  }
  func.func @transform_1(%arg0: i32) -> (i32, i32) {
    %c0_i32 = arith.constant 0 : i32
    %c0_i32_0 = arith.constant 0 : i32
    return %arg0, %c0_i32 : i32, i32
  }
  func.func @transform_2(%arg0: i32) -> (i32, i32) {
    %c0_i32 = arith.constant 0 : i32
    %c0_i32_0 = arith.constant 0 : i32
    return %arg0, %c0_i32 : i32, i32
  }
  func.func @transform_3(%arg0: i32) -> (i32, i32) {
    %c0_i32 = arith.constant 0 : i32
    %c0_i32_0 = arith.constant 0 : i32
    return %arg0, %c0_i32 : i32, i32
  }
  func.func @transform_4(%arg0: i32) -> (i32, i32) {
    %c0_i32 = arith.constant 0 : i32
    %c0_i32_0 = arith.constant 0 : i32
    %c0_i32_1 = arith.constant 0 : i32
    return %c0_i32, %c0_i32_0 : i32, i32
  }
  func.func @transform_5(%arg0: i32) -> (i32, i32) {
    %c0_i32 = arith.constant 0 : i32
    %c0_i32_0 = arith.constant 0 : i32
    %c0_i32_1 = arith.constant 0 : i32
    return %c0_i32, %c0_i32_0 : i32, i32
  }
  func.func @transform_6(%arg0: i32) -> (i32, i32, i32) {
    %c0_i32 = arith.constant 0 : i32
    %c0_i32_0 = arith.constant 0 : i32
    %c0_i32_1 = arith.constant 0 : i32
    %c0_i32_2 = arith.constant 0 : i32
    return %c0_i32, %c0_i32_0, %c0_i32_1 : i32, i32, i32
  }
  func.func @transform_7(%arg0: i32) -> (i32, i32) {
    %c0_i32 = arith.constant 0 : i32
    %c0_i32_0 = arith.constant 0 : i32
    return %arg0, %c0_i32 : i32, i32
  }
  func.func @transform_8(%arg0: i32) -> (i32, i32) {
    %c0_i32 = arith.constant 0 : i32
    %c0_i32_0 = arith.constant 0 : i32
    return %arg0, %c0_i32 : i32, i32
  }
  func.func @transform_9(%arg0: i32) -> (i32, i32) {
    %c0_i32 = arith.constant 0 : i32
    %c0_i32_0 = arith.constant 0 : i32
    return %arg0, %c0_i32 : i32, i32
  }
  func.func @transform_10(%arg0: i32) -> (i32, i32) {
    %c0_i32 = arith.constant 0 : i32
    %c0_i32_0 = arith.constant 0 : i32
    %c0_i32_1 = arith.constant 0 : i32
    return %c0_i32, %c0_i32_0 : i32, i32
  }
}

module attributes {stable_mosaic.version = 14 : i64} {
  func.func @_layer_body(%arg0: i32, %arg1: memref<2000x128xf32, #tpu.memory_space<vmem>>, %arg2: memref<2000x128xf32, #tpu.memory_space<vmem>>, %arg3: memref<2000x128xf32, #tpu.memory_space<vmem>>, %arg4: memref<2000x128xf32, #tpu.memory_space<vmem>>, %arg5: memref<128x128xf32, #tpu.memory_space<vmem>>, %arg6: memref<1x128xf32, #tpu.memory_space<vmem>>, %arg7: memref<3x16x128xf32, #tpu.memory_space<vmem>>, %arg8: memref<2000x128xf32, #tpu.memory_space<vmem>>, %arg9: memref<2000x128xf32, #tpu.memory_space<vmem>>, %arg10: memref<2000x3xf32, #tpu.memory_space<vmem>>, %arg11: memref<1x1xf32, #tpu.memory_space<vmem>>) attributes {dimension_semantics = [#tpu.dimension_semantics<arbitrary>], iteration_bounds = array<i64: 5>, scalar_prefetch = 0 : i64, scratch_operands = 0 : i64, tpu.core_type = #tpu.core_type<tc>, window_params = [{transform_indices = @transform_0, window_bounds = array<i64: 2000, 128>}, {transform_indices = @transform_1, window_bounds = array<i64: 2000, 128>}, {transform_indices = @transform_2, window_bounds = array<i64: 2000, 128>}, {transform_indices = @transform_3, window_bounds = array<i64: 2000, 128>}, {pipeline_mode = #tpu.pipeline_mode<synchronous>, transform_indices = @transform_4, window_bounds = array<i64: 128, 128>}, {pipeline_mode = #tpu.pipeline_mode<synchronous>, transform_indices = @transform_5, window_bounds = array<i64: 1, 128>}, {pipeline_mode = #tpu.pipeline_mode<synchronous>, transform_indices = @transform_6, window_bounds = array<i64: 3, 16, 128>}, {transform_indices = @transform_7, window_bounds = array<i64: 2000, 128>}, {transform_indices = @transform_8, window_bounds = array<i64: 2000, 128>}, {transform_indices = @transform_9, window_bounds = array<i64: 2000, 3>}, {pipeline_mode = #tpu.pipeline_mode<synchronous>, transform_indices = @transform_10, window_bounds = array<i64: 1, 1>}]} {
    %get3A = arith.constant 0 : index
    %get3A_0 = arith.constant 0 : index
    %get3A_1 = vector.load %arg4[%get3A, %get3A_0] : memref<2000x128xf32, #tpu.memory_space<vmem>>, vector<2000x128xf32>
    %get3A_2 = arith.constant 0 : index
    %get3A_3 = arith.constant 0 : index
    %get3A_4 = vector.load %arg1[%get3A_2, %get3A_3] : memref<2000x128xf32, #tpu.memory_space<vmem>>, vector<2000x128xf32>
    %get3A_5 = arith.constant 0 : index
    %get3A_6 = arith.constant 0 : index
    %get3A_7 = vector.load %arg2[%get3A_5, %get3A_6] : memref<2000x128xf32, #tpu.memory_space<vmem>>, vector<2000x128xf32>
    %add3A = arith.addf %get3A_4, %get3A_7 : vector<2000x128xf32>
    %mul3A = arith.mulf %add3A, %get3A_1 : vector<2000x128xf32>
    %get3A_8 = arith.constant 0 : index
    %get3A_9 = arith.constant 0 : index
    %get3A_10 = vector.load %arg5[%get3A_8, %get3A_9] : memref<128x128xf32, #tpu.memory_space<vmem>>, vector<128x128xf32>
    %dot_general3A = arith.constant dense<0.000000e+00> : vector<2000x128xf32>
    %dot_general3A_11 = tpu.matmul %mul3A, %get3A_10, %dot_general3A {dimension_numbers = #tpu.dot_dimension_numbers<[1], [0], [0], [1], [0, 0, 1, 1], [], []>, transpose_lhs_hint = false} : vector<2000x128xf32>, vector<128x128xf32>, vector<2000x128xf32> -> vector<2000x128xf32>
    %get3A_12 = arith.constant 0 : index
    %get3A_13 = arith.constant 0 : index
    %get3A_14 = vector.load %arg6[%get3A_12, %get3A_13] : memref<1x128xf32, #tpu.memory_space<vmem>>, vector<1x128xf32>
    %add3A_15 = vector.broadcast %get3A_14 : vector<1x128xf32> to vector<2000x128xf32>
    %add3A_16 = arith.addf %dot_general3A_11, %add3A_15 : vector<2000x128xf32>
    %max3A = arith.constant 0.000000e+00 : f32
    %max3A_17 = vector.broadcast %max3A : f32 to vector<2000x128xf32>
    %max3A_18 = arith.maximumf %add3A_16, %max3A_17 : vector<2000x128xf32>
    %get3A_19 = arith.constant 0 : index
    %get3A_20 = arith.constant 0 : index
    %get3A_21 = vector.load %arg3[%get3A_19, %get3A_20] : memref<2000x128xf32, #tpu.memory_space<vmem>>, vector<2000x128xf32>
    %add3A_22 = arith.addf %max3A_18, %get3A_21 : vector<2000x128xf32>
    %swap3A = arith.constant 0 : index
    %swap3A_23 = arith.constant 0 : index
    %swap3A_24 = vector.load %arg8[%swap3A, %swap3A_23] : memref<2000x128xf32, #tpu.memory_space<vmem>>, vector<2000x128xf32>
    tpu.vector_store %arg8[%swap3A, %swap3A_23], %add3A_22 {strides = array<i32>} : memref<2000x128xf32, #tpu.memory_space<vmem>>, vector<2000x128xf32>,
    %mul3A_25 = arith.mulf %add3A_22, %get3A_1 : vector<2000x128xf32>
    %swap3A_26 = arith.constant 0 : index
    %swap3A_27 = arith.constant 0 : index
    %swap3A_28 = vector.load %arg9[%swap3A_26, %swap3A_27] : memref<2000x128xf32, #tpu.memory_space<vmem>>, vector<2000x128xf32>
    tpu.vector_store %arg9[%swap3A_26, %swap3A_27], %mul3A_25 {strides = array<i32>} : memref<2000x128xf32, #tpu.memory_space<vmem>>, vector<2000x128xf32>,
    %eq3A = arith.constant 0 : i32
    %eq3A_29 = arith.cmpi eq, %arg0, %eq3A : i32
    %convert_element_type3A = arith.extui %eq3A_29 : i1 to i32
    %cond3A = arith.constant 0 : i32
    %cond3A_30 = arith.cmpi ne, %convert_element_type3A, %cond3A : i32
    scf.if %cond3A_30 {
      %broadcast_in_dim3A_166 = arith.constant 0.000000e+00 : f32
      %broadcast_in_dim3A_167 = vector.broadcast %broadcast_in_dim3A_166 : f32 to vector<1x1xf32>
      %swap3A_168 = arith.constant 0 : index
      %swap3A_169 = arith.constant 0 : index
      %swap3A_170 = vector.load %arg11[%swap3A_168, %swap3A_169] : memref<1x1xf32, #tpu.memory_space<vmem>>, vector<1x1xf32>
      tpu.vector_store %arg11[%swap3A_168, %swap3A_169], %broadcast_in_dim3A_167 {strides = array<i32>} : memref<1x1xf32, #tpu.memory_space<vmem>>, vector<1x1xf32>,
    } else {
    }
    %iota3A = tpu.iota {dimensions = array<i32: 1>} : vector<2000x16xi32>
    %get3A_31 = arith.constant 0 : index
    %get3A_32 = arith.constant 0 : index
    %get3A_33 = arith.constant 0 : index
    %get3A_34 = vector.load %arg7[%get3A_31, %get3A_32, %get3A_33] : memref<3x16x128xf32, #tpu.memory_space<vmem>>, vector<1x16x128xf32>
    %get3A_35 = vector.shape_cast %get3A_34 : vector<1x16x128xf32> to vector<16x128xf32>
    %mul3A_36 = arith.mulf %get3A_35, %get3A_35 : vector<16x128xf32>
    %reduce_sum3A = arith.constant dense<0.000000e+00> : vector<16xf32>
    %reduce_sum3A_37 = vector.multi_reduction <add>, %mul3A_36, %reduce_sum3A [1] : vector<16x128xf32> to vector<16xf32>
    %broadcast_in_dim3A = vector.shape_cast %reduce_sum3A_37 : vector<16xf32> to vector<16x1xf32>
    %sqrt3A = math.sqrt %broadcast_in_dim3A : vector<16x1xf32>
    %add3A_38 = arith.constant 9.99999993E-9 : f32
    %add3A_39 = vector.broadcast %add3A_38 : f32 to vector<16x1xf32>
    %add3A_40 = arith.addf %sqrt3A, %add3A_39 : vector<16x1xf32>
    %div3A = vector.broadcast %add3A_40 : vector<16x1xf32> to vector<16x128xf32>
    %div3A_41 = arith.divf %get3A_35, %div3A : vector<16x128xf32>
    %dot_general3A_42 = arith.constant dense<0.000000e+00> : vector<2000x16xf32>
    %dot_general3A_43 = tpu.matmul %add3A_22, %div3A_41, %dot_general3A_42 {dimension_numbers = #tpu.dot_dimension_numbers<[1], [1], [0], [0], [0, 0, 1, 0], [], []>, transpose_lhs_hint = false} : vector<2000x128xf32>, vector<16x128xf32>, vector<2000x16xf32> -> vector<2000x16xf32>
    %reduce_max3A = arith.constant dense<0xFF800000> : vector<2000xf32>
    %reduce_max3A_44 = vector.multi_reduction <maximumf>, %dot_general3A_43, %reduce_max3A [1] : vector<2000x16xf32> to vector<2000xf32>
    %broadcast_in_dim3A_45 = vector.shape_cast %reduce_max3A_44 : vector<2000xf32> to vector<2000x1xf32>
    %ge3A = vector.broadcast %broadcast_in_dim3A_45 : vector<2000x1xf32> to vector<2000x16xf32>
    %ge3A_46 = arith.cmpf oge, %dot_general3A_43, %ge3A : vector<2000x16xf32>
    %jit3A = arith.constant 16 : i32
    %broadcast_in_dim3A_47 = vector.broadcast %jit3A : i32 to vector<2000x16xi32>
    %select_n3A = arith.select %ge3A_46, %iota3A, %broadcast_in_dim3A_47 : vector<2000x16xi1>, vector<2000x16xi32>
    %reduce_min3A = arith.constant dense<2147483647> : vector<2000xi32>
    %reduce_min3A_48 = vector.multi_reduction <minsi>, %select_n3A, %reduce_min3A [1] : vector<2000x16xi32> to vector<2000xi32>
    %broadcast_in_dim3A_49 = vector.shape_cast %reduce_min3A_48 : vector<2000xi32> to vector<2000x1xi32>
    %eq3A_50 = vector.broadcast %broadcast_in_dim3A_49 : vector<2000x1xi32> to vector<2000x16xi32>
    %eq3A_51 = arith.cmpi eq, %iota3A, %eq3A_50 : vector<2000x16xi32>
    %convert_element_type3A_52 = arith.extui %eq3A_51 : vector<2000x16xi1> to vector<2000x16xi32>
    %convert_element_type3A_53 = arith.sitofp %convert_element_type3A_52 : vector<2000x16xi32> to vector<2000x16xf32>
    %dot_general3A_54 = arith.constant dense<0.000000e+00> : vector<2000x128xf32>
    %dot_general3A_55 = tpu.matmul %convert_element_type3A_53, %div3A_41, %dot_general3A_54 {dimension_numbers = #tpu.dot_dimension_numbers<[1], [0], [0], [1], [0, 0, 1, 1], [], []>, transpose_lhs_hint = false} : vector<2000x16xf32>, vector<16x128xf32>, vector<2000x128xf32> -> vector<2000x128xf32>
    %sub3A = arith.subf %dot_general3A_55, %add3A_22 : vector<2000x128xf32>
    %mul3A_56 = arith.mulf %sub3A, %sub3A : vector<2000x128xf32>
    %reduce_sum3A_57 = vector.shape_cast %mul3A_56 : vector<2000x128xf32> to vector<1x2000x128xf32>
    %reduce_sum3A_58 = arith.constant dense<0.000000e+00> : vector<1xf32>
    %reduce_sum3A_59 = vector.multi_reduction <add>, %reduce_sum3A_57, %reduce_sum3A_58 [1, 2] : vector<1x2000x128xf32> to vector<1xf32>
    %reduce_sum3A_60 = vector.shape_cast %reduce_sum3A_59 : vector<1xf32> to vector<1x1x1xf32>
    %reduce_sum3A_61 = vector.extract %reduce_sum3A_60[0, 0, 0] : f32 from vector<1x1x1xf32>
    %add3A_62 = arith.constant 0.000000e+00 : f32
    %add3A_63 = arith.addf %add3A_62, %reduce_sum3A_61 : f32
    %sub3A_64 = arith.subf %add3A_22, %dot_general3A_55 : vector<2000x128xf32>
    %convert_element_type3A_65 = arith.sitofp %broadcast_in_dim3A_49 : vector<2000x1xi32> to vector<2000x1xf32>
    %get3A_66 = arith.constant 1 : index
    %get3A_67 = arith.constant 0 : index
    %get3A_68 = arith.constant 0 : index
    %get3A_69 = vector.load %arg7[%get3A_66, %get3A_67, %get3A_68] : memref<3x16x128xf32, #tpu.memory_space<vmem>>, vector<1x16x128xf32>
    %get3A_70 = vector.shape_cast %get3A_69 : vector<1x16x128xf32> to vector<16x128xf32>
    %mul3A_71 = arith.mulf %get3A_70, %get3A_70 : vector<16x128xf32>
    %reduce_sum3A_72 = arith.constant dense<0.000000e+00> : vector<16xf32>
    %reduce_sum3A_73 = vector.multi_reduction <add>, %mul3A_71, %reduce_sum3A_72 [1] : vector<16x128xf32> to vector<16xf32>
    %broadcast_in_dim3A_74 = vector.shape_cast %reduce_sum3A_73 : vector<16xf32> to vector<16x1xf32>
    %sqrt3A_75 = math.sqrt %broadcast_in_dim3A_74 : vector<16x1xf32>
    %add3A_76 = arith.constant 9.99999993E-9 : f32
    %add3A_77 = vector.broadcast %add3A_76 : f32 to vector<16x1xf32>
    %add3A_78 = arith.addf %sqrt3A_75, %add3A_77 : vector<16x1xf32>
    %div3A_79 = vector.broadcast %add3A_78 : vector<16x1xf32> to vector<16x128xf32>
    %div3A_80 = arith.divf %get3A_70, %div3A_79 : vector<16x128xf32>
    %dot_general3A_81 = arith.constant dense<0.000000e+00> : vector<2000x16xf32>
    %dot_general3A_82 = tpu.matmul %sub3A_64, %div3A_80, %dot_general3A_81 {dimension_numbers = #tpu.dot_dimension_numbers<[1], [1], [0], [0], [0, 0, 1, 0], [], []>, transpose_lhs_hint = false} : vector<2000x128xf32>, vector<16x128xf32>, vector<2000x16xf32> -> vector<2000x16xf32>
    %reduce_max3A_83 = arith.constant dense<0xFF800000> : vector<2000xf32>
    %reduce_max3A_84 = vector.multi_reduction <maximumf>, %dot_general3A_82, %reduce_max3A_83 [1] : vector<2000x16xf32> to vector<2000xf32>
    %broadcast_in_dim3A_85 = vector.shape_cast %reduce_max3A_84 : vector<2000xf32> to vector<2000x1xf32>
    %ge3A_86 = vector.broadcast %broadcast_in_dim3A_85 : vector<2000x1xf32> to vector<2000x16xf32>
    %ge3A_87 = arith.cmpf oge, %dot_general3A_82, %ge3A_86 : vector<2000x16xf32>
    %jit3A_88 = arith.constant 16 : i32
    %broadcast_in_dim3A_89 = vector.broadcast %jit3A_88 : i32 to vector<2000x16xi32>
    %select_n3A_90 = arith.select %ge3A_87, %iota3A, %broadcast_in_dim3A_89 : vector<2000x16xi1>, vector<2000x16xi32>
    %reduce_min3A_91 = arith.constant dense<2147483647> : vector<2000xi32>
    %reduce_min3A_92 = vector.multi_reduction <minsi>, %select_n3A_90, %reduce_min3A_91 [1] : vector<2000x16xi32> to vector<2000xi32>
    %broadcast_in_dim3A_93 = vector.shape_cast %reduce_min3A_92 : vector<2000xi32> to vector<2000x1xi32>
    %eq3A_94 = vector.broadcast %broadcast_in_dim3A_93 : vector<2000x1xi32> to vector<2000x16xi32>
    %eq3A_95 = arith.cmpi eq, %iota3A, %eq3A_94 : vector<2000x16xi32>
    %convert_element_type3A_96 = arith.extui %eq3A_95 : vector<2000x16xi1> to vector<2000x16xi32>
    %convert_element_type3A_97 = arith.sitofp %convert_element_type3A_96 : vector<2000x16xi32> to vector<2000x16xf32>
    %dot_general3A_98 = arith.constant dense<0.000000e+00> : vector<2000x128xf32>
    %dot_general3A_99 = tpu.matmul %convert_element_type3A_97, %div3A_80, %dot_general3A_98 {dimension_numbers = #tpu.dot_dimension_numbers<[1], [0], [0], [1], [0, 0, 1, 1], [], []>, transpose_lhs_hint = false} : vector<2000x16xf32>, vector<16x128xf32>, vector<2000x128xf32> -> vector<2000x128xf32>
    %sub3A_100 = arith.subf %dot_general3A_99, %sub3A_64 : vector<2000x128xf32>
    %mul3A_101 = arith.mulf %sub3A_100, %sub3A_100 : vector<2000x128xf32>
    %reduce_sum3A_102 = vector.shape_cast %mul3A_101 : vector<2000x128xf32> to vector<1x2000x128xf32>
    %reduce_sum3A_103 = arith.constant dense<0.000000e+00> : vector<1xf32>
    %reduce_sum3A_104 = vector.multi_reduction <add>, %reduce_sum3A_102, %reduce_sum3A_103 [1, 2] : vector<1x2000x128xf32> to vector<1xf32>
    %reduce_sum3A_105 = vector.shape_cast %reduce_sum3A_104 : vector<1xf32> to vector<1x1x1xf32>
    %reduce_sum3A_106 = vector.extract %reduce_sum3A_105[0, 0, 0] : f32 from vector<1x1x1xf32>
    %add3A_107 = arith.addf %add3A_63, %reduce_sum3A_106 : f32
    %sub3A_108 = arith.subf %sub3A_64, %dot_general3A_99 : vector<2000x128xf32>
    %convert_element_type3A_109 = arith.sitofp %broadcast_in_dim3A_93 : vector<2000x1xi32> to vector<2000x1xf32>
    %get3A_110 = arith.constant 2 : index
    %get3A_111 = arith.constant 0 : index
    %get3A_112 = arith.constant 0 : index
    %get3A_113 = vector.load %arg7[%get3A_110, %get3A_111, %get3A_112] : memref<3x16x128xf32, #tpu.memory_space<vmem>>, vector<1x16x128xf32>
    %get3A_114 = vector.shape_cast %get3A_113 : vector<1x16x128xf32> to vector<16x128xf32>
    %mul3A_115 = arith.mulf %get3A_114, %get3A_114 : vector<16x128xf32>
    %reduce_sum3A_116 = arith.constant dense<0.000000e+00> : vector<16xf32>
    %reduce_sum3A_117 = vector.multi_reduction <add>, %mul3A_115, %reduce_sum3A_116 [1] : vector<16x128xf32> to vector<16xf32>
    %broadcast_in_dim3A_118 = vector.shape_cast %reduce_sum3A_117 : vector<16xf32> to vector<16x1xf32>
    %sqrt3A_119 = math.sqrt %broadcast_in_dim3A_118 : vector<16x1xf32>
    %add3A_120 = arith.constant 9.99999993E-9 : f32
    %add3A_121 = vector.broadcast %add3A_120 : f32 to vector<16x1xf32>
    %add3A_122 = arith.addf %sqrt3A_119, %add3A_121 : vector<16x1xf32>
    %div3A_123 = vector.broadcast %add3A_122 : vector<16x1xf32> to vector<16x128xf32>
    %div3A_124 = arith.divf %get3A_114, %div3A_123 : vector<16x128xf32>
    %dot_general3A_125 = arith.constant dense<0.000000e+00> : vector<2000x16xf32>
    %dot_general3A_126 = tpu.matmul %sub3A_108, %div3A_124, %dot_general3A_125 {dimension_numbers = #tpu.dot_dimension_numbers<[1], [1], [0], [0], [0, 0, 1, 0], [], []>, transpose_lhs_hint = false} : vector<2000x128xf32>, vector<16x128xf32>, vector<2000x16xf32> -> vector<2000x16xf32>
    %reduce_max3A_127 = arith.constant dense<0xFF800000> : vector<2000xf32>
    %reduce_max3A_128 = vector.multi_reduction <maximumf>, %dot_general3A_126, %reduce_max3A_127 [1] : vector<2000x16xf32> to vector<2000xf32>
    %broadcast_in_dim3A_129 = vector.shape_cast %reduce_max3A_128 : vector<2000xf32> to vector<2000x1xf32>
    %ge3A_130 = vector.broadcast %broadcast_in_dim3A_129 : vector<2000x1xf32> to vector<2000x16xf32>
    %ge3A_131 = arith.cmpf oge, %dot_general3A_126, %ge3A_130 : vector<2000x16xf32>
    %jit3A_132 = arith.constant 16 : i32
    %broadcast_in_dim3A_133 = vector.broadcast %jit3A_132 : i32 to vector<2000x16xi32>
    %select_n3A_134 = arith.select %ge3A_131, %iota3A, %broadcast_in_dim3A_133 : vector<2000x16xi1>, vector<2000x16xi32>
    %reduce_min3A_135 = arith.constant dense<2147483647> : vector<2000xi32>
    %reduce_min3A_136 = vector.multi_reduction <minsi>, %select_n3A_134, %reduce_min3A_135 [1] : vector<2000x16xi32> to vector<2000xi32>
    %broadcast_in_dim3A_137 = vector.shape_cast %reduce_min3A_136 : vector<2000xi32> to vector<2000x1xi32>
    %eq3A_138 = vector.broadcast %broadcast_in_dim3A_137 : vector<2000x1xi32> to vector<2000x16xi32>
    %eq3A_139 = arith.cmpi eq, %iota3A, %eq3A_138 : vector<2000x16xi32>
    %convert_element_type3A_140 = arith.extui %eq3A_139 : vector<2000x16xi1> to vector<2000x16xi32>
    %convert_element_type3A_141 = arith.sitofp %convert_element_type3A_140 : vector<2000x16xi32> to vector<2000x16xf32>
    %dot_general3A_142 = arith.constant dense<0.000000e+00> : vector<2000x128xf32>
    %dot_general3A_143 = tpu.matmul %convert_element_type3A_141, %div3A_124, %dot_general3A_142 {dimension_numbers = #tpu.dot_dimension_numbers<[1], [0], [0], [1], [0, 0, 1, 1], [], []>, transpose_lhs_hint = false} : vector<2000x16xf32>, vector<16x128xf32>, vector<2000x128xf32> -> vector<2000x128xf32>
    %sub3A_144 = arith.subf %dot_general3A_143, %sub3A_108 : vector<2000x128xf32>
    %mul3A_145 = arith.mulf %sub3A_144, %sub3A_144 : vector<2000x128xf32>
    %reduce_sum3A_146 = vector.shape_cast %mul3A_145 : vector<2000x128xf32> to vector<1x2000x128xf32>
    %reduce_sum3A_147 = arith.constant dense<0.000000e+00> : vector<1xf32>
    %reduce_sum3A_148 = vector.multi_reduction <add>, %reduce_sum3A_146, %reduce_sum3A_147 [1, 2] : vector<1x2000x128xf32> to vector<1xf32>
    %reduce_sum3A_149 = vector.shape_cast %reduce_sum3A_148 : vector<1xf32> to vector<1x1x1xf32>
    %reduce_sum3A_150 = vector.extract %reduce_sum3A_149[0, 0, 0] : f32 from vector<1x1x1xf32>
    %add3A_151 = arith.addf %add3A_107, %reduce_sum3A_150 : f32
    %convert_element_type3A_152 = arith.sitofp %broadcast_in_dim3A_137 : vector<2000x1xi32> to vector<2000x1xf32>
    %concatenate3A = tpu.concatenate %convert_element_type3A_65, %convert_element_type3A_109, %convert_element_type3A_152 in 1 : vector<2000x1xf32>, vector<2000x1xf32>, vector<2000x1xf32> -> vector<2000x3xf32>
    %swap3A_153 = arith.constant 0 : index
    %swap3A_154 = arith.constant 0 : index
    %swap3A_155 = vector.load %arg10[%swap3A_153, %swap3A_154] : memref<2000x3xf32, #tpu.memory_space<vmem>>, vector<2000x3xf32>
    tpu.vector_store %arg10[%swap3A_153, %swap3A_154], %concatenate3A {strides = array<i32>} : memref<2000x3xf32, #tpu.memory_space<vmem>>, vector<2000x3xf32>,
    %get3A_156 = arith.constant 0 : index
    %get3A_157 = arith.constant 0 : index
    %get3A_158 = vector.load %arg11[%get3A_156, %get3A_157] : memref<1x1xf32, #tpu.memory_space<vmem>>, vector<1x1xf32>
    %mul3A_159 = arith.constant 1.95312495E-7 : f32
    %mul3A_160 = arith.mulf %add3A_151, %mul3A_159 : f32
    %add3A_161 = vector.broadcast %mul3A_160 : f32 to vector<1x1xf32>
    %add3A_162 = arith.addf %get3A_158, %add3A_161 : vector<1x1xf32>
    %swap3A_163 = arith.constant 0 : index
    %swap3A_164 = arith.constant 0 : index
    %swap3A_165 = vector.load %arg11[%swap3A_163, %swap3A_164] : memref<1x1xf32, #tpu.memory_space<vmem>>, vector<1x1xf32>
    tpu.vector_store %arg11[%swap3A_163, %swap3A_164], %add3A_162 {strides = array<i32>} : memref<1x1xf32, #tpu.memory_space<vmem>>, vector<1x1xf32>,
    return
  }
  func.func @transform_0(%arg0: i32) -> (i32, i32) {
    %c0_i32 = arith.constant 0 : i32
    %c0_i32_0 = arith.constant 0 : i32
    return %arg0, %c0_i32 : i32, i32
  }
  func.func @transform_1(%arg0: i32) -> (i32, i32) {
    %c0_i32 = arith.constant 0 : i32
    %c0_i32_0 = arith.constant 0 : i32
    return %arg0, %c0_i32 : i32, i32
  }
  func.func @transform_2(%arg0: i32) -> (i32, i32) {
    %c0_i32 = arith.constant 0 : i32
    %c0_i32_0 = arith.constant 0 : i32
    return %arg0, %c0_i32 : i32, i32
  }
  func.func @transform_3(%arg0: i32) -> (i32, i32) {
    %c0_i32 = arith.constant 0 : i32
    %c0_i32_0 = arith.constant 0 : i32
    return %arg0, %c0_i32 : i32, i32
  }
  func.func @transform_4(%arg0: i32) -> (i32, i32) {
    %c0_i32 = arith.constant 0 : i32
    %c0_i32_0 = arith.constant 0 : i32
    %c0_i32_1 = arith.constant 0 : i32
    return %c0_i32, %c0_i32_0 : i32, i32
  }
  func.func @transform_5(%arg0: i32) -> (i32, i32) {
    %c0_i32 = arith.constant 0 : i32
    %c0_i32_0 = arith.constant 0 : i32
    %c0_i32_1 = arith.constant 0 : i32
    return %c0_i32, %c0_i32_0 : i32, i32
  }
  func.func @transform_6(%arg0: i32) -> (i32, i32, i32) {
    %c0_i32 = arith.constant 0 : i32
    %c0_i32_0 = arith.constant 0 : i32
    %c0_i32_1 = arith.constant 0 : i32
    %c0_i32_2 = arith.constant 0 : i32
    return %c0_i32, %c0_i32_0, %c0_i32_1 : i32, i32, i32
  }
  func.func @transform_7(%arg0: i32) -> (i32, i32) {
    %c0_i32 = arith.constant 0 : i32
    %c0_i32_0 = arith.constant 0 : i32
    return %arg0, %c0_i32 : i32, i32
  }
  func.func @transform_8(%arg0: i32) -> (i32, i32) {
    %c0_i32 = arith.constant 0 : i32
    %c0_i32_0 = arith.constant 0 : i32
    return %arg0, %c0_i32 : i32, i32
  }
  func.func @transform_9(%arg0: i32) -> (i32, i32) {
    %c0_i32 = arith.constant 0 : i32
    %c0_i32_0 = arith.constant 0 : i32
    return %arg0, %c0_i32 : i32, i32
  }
  func.func @transform_10(%arg0: i32) -> (i32, i32) {
    %c0_i32 = arith.constant 0 : i32
    %c0_i32_0 = arith.constant 0 : i32
    %c0_i32_1 = arith.constant 0 : i32
    return %c0_i32, %c0_i32_0 : i32, i32
  }
}

module attributes {stable_mosaic.version = 14 : i64} {
  func.func @_pool_body(%arg0: i32, %arg1: memref<2000x128xf32, #tpu.memory_space<vmem>>, %arg2: memref<2000x12xf32, #tpu.memory_space<vmem>>, %arg3: memref<2000x1xi32, #tpu.memory_space<vmem>>, %arg4: memref<128x10xf32, #tpu.memory_space<vmem>>, %arg5: memref<1x10xf32, #tpu.memory_space<vmem>>, %arg6: memref<64x10xf32, #tpu.memory_space<vmem>>, %arg7: memref<64x12xf32, #tpu.memory_space<vmem>>, %arg8: memref<64x128xf32, #tpu.memory_space<vmem>>, %arg9: memref<64x12xf32, #tpu.memory_space<vmem>>, %arg10: memref<64x1xf32, #tpu.memory_space<vmem>>) attributes {dimension_semantics = [#tpu.dimension_semantics<arbitrary>], iteration_bounds = array<i64: 5>, scalar_prefetch = 0 : i64, scratch_operands = 3 : i64, tpu.core_type = #tpu.core_type<tc>, window_params = [{transform_indices = @transform_0, window_bounds = array<i64: 2000, 128>}, {transform_indices = @transform_1, window_bounds = array<i64: 2000, 12>}, {transform_indices = @transform_2, window_bounds = array<i64: 2000, 1>}, {pipeline_mode = #tpu.pipeline_mode<synchronous>, transform_indices = @transform_3, window_bounds = array<i64: 128, 10>}, {pipeline_mode = #tpu.pipeline_mode<synchronous>, transform_indices = @transform_4, window_bounds = array<i64: 1, 10>}, {pipeline_mode = #tpu.pipeline_mode<synchronous>, transform_indices = @transform_5, window_bounds = array<i64: 64, 10>}, {pipeline_mode = #tpu.pipeline_mode<synchronous>, transform_indices = @transform_6, window_bounds = array<i64: 64, 12>}]} {
    %eq3A = arith.constant 0 : i32
    %eq3A_0 = arith.cmpi eq, %arg0, %eq3A : i32
    %convert_element_type3A = arith.extui %eq3A_0 : i1 to i32
    %cond3A = arith.constant 0 : i32
    %cond3A_1 = arith.cmpi ne, %convert_element_type3A, %cond3A : i32
    scf.if %cond3A_1 {
      %broadcast_in_dim3A_44 = arith.constant 0.000000e+00 : f32
      %broadcast_in_dim3A_45 = vector.broadcast %broadcast_in_dim3A_44 : f32 to vector<64x128xf32>
      %swap3A_46 = arith.constant 0 : index
      %swap3A_47 = arith.constant 0 : index
      %swap3A_48 = vector.load %arg8[%swap3A_46, %swap3A_47] : memref<64x128xf32, #tpu.memory_space<vmem>>, vector<64x128xf32>
      tpu.vector_store %arg8[%swap3A_46, %swap3A_47], %broadcast_in_dim3A_45 {strides = array<i32>} : memref<64x128xf32, #tpu.memory_space<vmem>>, vector<64x128xf32>,
      %broadcast_in_dim3A_49 = arith.constant 0.000000e+00 : f32
      %broadcast_in_dim3A_50 = vector.broadcast %broadcast_in_dim3A_49 : f32 to vector<64x12xf32>
      %swap3A_51 = arith.constant 0 : index
      %swap3A_52 = arith.constant 0 : index
      %swap3A_53 = vector.load %arg9[%swap3A_51, %swap3A_52] : memref<64x12xf32, #tpu.memory_space<vmem>>, vector<64x12xf32>
      tpu.vector_store %arg9[%swap3A_51, %swap3A_52], %broadcast_in_dim3A_50 {strides = array<i32>} : memref<64x12xf32, #tpu.memory_space<vmem>>, vector<64x12xf32>,
      %broadcast_in_dim3A_54 = arith.constant 0.000000e+00 : f32
      %broadcast_in_dim3A_55 = vector.broadcast %broadcast_in_dim3A_54 : f32 to vector<64x1xf32>
      %swap3A_56 = arith.constant 0 : index
      %swap3A_57 = arith.constant 0 : index
      %swap3A_58 = vector.load %arg10[%swap3A_56, %swap3A_57] : memref<64x1xf32, #tpu.memory_space<vmem>>, vector<64x1xf32>
      tpu.vector_store %arg10[%swap3A_56, %swap3A_57], %broadcast_in_dim3A_55 {strides = array<i32>} : memref<64x1xf32, #tpu.memory_space<vmem>>, vector<64x1xf32>,
    } else {
    }
    %iota3A = tpu.iota {dimensions = array<i32: 1>} : vector<2000x64xi32>
    %get3A = arith.constant 0 : index
    %get3A_2 = arith.constant 0 : index
    %get3A_3 = vector.load %arg3[%get3A, %get3A_2] : memref<2000x1xi32, #tpu.memory_space<vmem>>, vector<2000x1xi32>
    %eq3A_4 = vector.broadcast %get3A_3 : vector<2000x1xi32> to vector<2000x64xi32>
    %eq3A_5 = arith.cmpi eq, %eq3A_4, %iota3A : vector<2000x64xi32>
    %convert_element_type3A_6 = arith.extui %eq3A_5 : vector<2000x64xi1> to vector<2000x64xi32>
    %convert_element_type3A_7 = arith.sitofp %convert_element_type3A_6 : vector<2000x64xi32> to vector<2000x64xf32>
    %get3A_8 = arith.constant 0 : index
    %get3A_9 = arith.constant 0 : index
    %get3A_10 = vector.load %arg8[%get3A_8, %get3A_9] : memref<64x128xf32, #tpu.memory_space<vmem>>, vector<64x128xf32>
    %get3A_11 = arith.constant 0 : index
    %get3A_12 = arith.constant 0 : index
    %get3A_13 = vector.load %arg1[%get3A_11, %get3A_12] : memref<2000x128xf32, #tpu.memory_space<vmem>>, vector<2000x128xf32>
    %dot_general3A = arith.constant dense<0.000000e+00> : vector<64x128xf32>
    %dot_general3A_14 = tpu.matmul %convert_element_type3A_7, %get3A_13, %dot_general3A {dimension_numbers = #tpu.dot_dimension_numbers<[0], [0], [1], [1], [0, 1, 1, 1], [], []>, transpose_lhs_hint = false} : vector<2000x64xf32>, vector<2000x128xf32>, vector<64x128xf32> -> vector<64x128xf32>
    %add3A = arith.addf %get3A_10, %dot_general3A_14 : vector<64x128xf32>
    %swap3A = arith.constant 0 : index
    %swap3A_15 = arith.constant 0 : index
    %swap3A_16 = vector.load %arg8[%swap3A, %swap3A_15] : memref<64x128xf32, #tpu.memory_space<vmem>>, vector<64x128xf32>
    tpu.vector_store %arg8[%swap3A, %swap3A_15], %add3A {strides = array<i32>} : memref<64x128xf32, #tpu.memory_space<vmem>>, vector<64x128xf32>,
    %get3A_17 = arith.constant 0 : index
    %get3A_18 = arith.constant 0 : index
    %get3A_19 = vector.load %arg9[%get3A_17, %get3A_18] : memref<64x12xf32, #tpu.memory_space<vmem>>, vector<64x12xf32>
    %get3A_20 = arith.constant 0 : index
    %get3A_21 = arith.constant 0 : index
    %get3A_22 = vector.load %arg2[%get3A_20, %get3A_21] : memref<2000x12xf32, #tpu.memory_space<vmem>>, vector<2000x12xf32>
    %dot_general3A_23 = arith.constant dense<0.000000e+00> : vector<64x12xf32>
    %dot_general3A_24 = tpu.matmul %convert_element_type3A_7, %get3A_22, %dot_general3A_23 {dimension_numbers = #tpu.dot_dimension_numbers<[0], [0], [1], [1], [0, 1, 1, 1], [], []>, transpose_lhs_hint = false} : vector<2000x64xf32>, vector<2000x12xf32>, vector<64x12xf32> -> vector<64x12xf32>
    %add3A_25 = arith.addf %get3A_19, %dot_general3A_24 : vector<64x12xf32>
    %swap3A_26 = arith.constant 0 : index
    %swap3A_27 = arith.constant 0 : index
    %swap3A_28 = vector.load %arg9[%swap3A_26, %swap3A_27] : memref<64x12xf32, #tpu.memory_space<vmem>>, vector<64x12xf32>
    tpu.vector_store %arg9[%swap3A_26, %swap3A_27], %add3A_25 {strides = array<i32>} : memref<64x12xf32, #tpu.memory_space<vmem>>, vector<64x12xf32>,
    %broadcast_in_dim3A = arith.constant 1.000000e+00 : f32
    %broadcast_in_dim3A_29 = vector.broadcast %broadcast_in_dim3A : f32 to vector<2000x1xf32>
    %get3A_30 = arith.constant 0 : index
    %get3A_31 = arith.constant 0 : index
    %get3A_32 = vector.load %arg10[%get3A_30, %get3A_31] : memref<64x1xf32, #tpu.memory_space<vmem>>, vector<64x1xf32>
    %dot_general3A_33 = arith.constant dense<0.000000e+00> : vector<64x1xf32>
    %dot_general3A_34 = tpu.matmul %convert_element_type3A_7, %broadcast_in_dim3A_29, %dot_general3A_33 {dimension_numbers = #tpu.dot_dimension_numbers<[0], [0], [1], [1], [0, 1, 1, 1], [], []>, transpose_lhs_hint = false} : vector<2000x64xf32>, vector<2000x1xf32>, vector<64x1xf32> -> vector<64x1xf32>
    %add3A_35 = arith.addf %get3A_32, %dot_general3A_34 : vector<64x1xf32>
    %swap3A_36 = arith.constant 0 : index
    %swap3A_37 = arith.constant 0 : index
    %swap3A_38 = vector.load %arg10[%swap3A_36, %swap3A_37] : memref<64x1xf32, #tpu.memory_space<vmem>>, vector<64x1xf32>
    tpu.vector_store %arg10[%swap3A_36, %swap3A_37], %add3A_35 {strides = array<i32>} : memref<64x1xf32, #tpu.memory_space<vmem>>, vector<64x1xf32>,
    %eq3A_39 = arith.constant 4 : i32
    %eq3A_40 = arith.cmpi eq, %arg0, %eq3A_39 : i32
    %convert_element_type3A_41 = arith.extui %eq3A_40 : i1 to i32
    %cond3A_42 = arith.constant 0 : i32
    %cond3A_43 = arith.cmpi ne, %convert_element_type3A_41, %cond3A_42 : i32
    scf.if %cond3A_43 {
      %get3A_44 = arith.constant 0 : index
      %get3A_45 = arith.constant 0 : index
      %get3A_46 = vector.load %arg8[%get3A_44, %get3A_45] : memref<64x128xf32, #tpu.memory_space<vmem>>, vector<64x128xf32>
      %get3A_47 = arith.constant 0 : index
      %get3A_48 = arith.constant 0 : index
      %get3A_49 = vector.load %arg10[%get3A_47, %get3A_48] : memref<64x1xf32, #tpu.memory_space<vmem>>, vector<64x1xf32>
      %max3A = arith.constant 1.000000e+00 : f32
      %max3A_50 = vector.broadcast %max3A : f32 to vector<64x1xf32>
      %max3A_51 = arith.maximumf %get3A_49, %max3A_50 : vector<64x1xf32>
      %div3A = vector.broadcast %max3A_51 : vector<64x1xf32> to vector<64x128xf32>
      %div3A_52 = arith.divf %get3A_46, %div3A : vector<64x128xf32>
      %get3A_53 = arith.constant 0 : index
      %get3A_54 = arith.constant 0 : index
      %get3A_55 = vector.load %arg4[%get3A_53, %get3A_54] : memref<128x10xf32, #tpu.memory_space<vmem>>, vector<128x10xf32>
      %dot_general3A_56 = arith.constant dense<0.000000e+00> : vector<64x10xf32>
      %dot_general3A_57 = tpu.matmul %div3A_52, %get3A_55, %dot_general3A_56 {dimension_numbers = #tpu.dot_dimension_numbers<[1], [0], [0], [1], [0, 0, 1, 1], [], []>, transpose_lhs_hint = false} : vector<64x128xf32>, vector<128x10xf32>, vector<64x10xf32> -> vector<64x10xf32>
      %get3A_58 = arith.constant 0 : index
      %get3A_59 = arith.constant 0 : index
      %get3A_60 = vector.load %arg5[%get3A_58, %get3A_59] : memref<1x10xf32, #tpu.memory_space<vmem>>, vector<1x10xf32>
      %add3A_61 = vector.broadcast %get3A_60 : vector<1x10xf32> to vector<64x10xf32>
      %add3A_62 = arith.addf %dot_general3A_57, %add3A_61 : vector<64x10xf32>
      %swap3A_63 = arith.constant 0 : index
      %swap3A_64 = arith.constant 0 : index
      %swap3A_65 = vector.load %arg6[%swap3A_63, %swap3A_64] : memref<64x10xf32, #tpu.memory_space<vmem>>, vector<64x10xf32>
      tpu.vector_store %arg6[%swap3A_63, %swap3A_64], %add3A_62 {strides = array<i32>} : memref<64x10xf32, #tpu.memory_space<vmem>>, vector<64x10xf32>,
      %get3A_66 = arith.constant 0 : index
      %get3A_67 = arith.constant 0 : index
      %get3A_68 = vector.load %arg9[%get3A_66, %get3A_67] : memref<64x12xf32, #tpu.memory_space<vmem>>, vector<64x12xf32>
      %swap3A_69 = arith.constant 0 : index
      %swap3A_70 = arith.constant 0 : index
      %swap3A_71 = vector.load %arg7[%swap3A_69, %swap3A_70] : memref<64x12xf32, #tpu.memory_space<vmem>>, vector<64x12xf32>
      tpu.vector_store %arg7[%swap3A_69, %swap3A_70], %get3A_68 {strides = array<i32>} : memref<64x12xf32, #tpu.memory_space<vmem>>, vector<64x12xf32>,
    } else {
    }
    return
  }
  func.func @transform_0(%arg0: i32) -> (i32, i32) {
    %c0_i32 = arith.constant 0 : i32
    %c0_i32_0 = arith.constant 0 : i32
    return %arg0, %c0_i32 : i32, i32
  }
  func.func @transform_1(%arg0: i32) -> (i32, i32) {
    %c0_i32 = arith.constant 0 : i32
    %c0_i32_0 = arith.constant 0 : i32
    return %arg0, %c0_i32 : i32, i32
  }
  func.func @transform_2(%arg0: i32) -> (i32, i32) {
    %c0_i32 = arith.constant 0 : i32
    %c0_i32_0 = arith.constant 0 : i32
    return %arg0, %c0_i32 : i32, i32
  }
  func.func @transform_3(%arg0: i32) -> (i32, i32) {
    %c0_i32 = arith.constant 0 : i32
    %c0_i32_0 = arith.constant 0 : i32
    %c0_i32_1 = arith.constant 0 : i32
    return %c0_i32, %c0_i32_0 : i32, i32
  }
  func.func @transform_4(%arg0: i32) -> (i32, i32) {
    %c0_i32 = arith.constant 0 : i32
    %c0_i32_0 = arith.constant 0 : i32
    %c0_i32_1 = arith.constant 0 : i32
    return %c0_i32, %c0_i32_0 : i32, i32
  }
  func.func @transform_5(%arg0: i32) -> (i32, i32) {
    %c0_i32 = arith.constant 0 : i32
    %c0_i32_0 = arith.constant 0 : i32
    %c0_i32_1 = arith.constant 0 : i32
    return %c0_i32, %c0_i32_0 : i32, i32
  }
  func.func @transform_6(%arg0: i32) -> (i32, i32) {
    %c0_i32 = arith.constant 0 : i32
    %c0_i32_0 = arith.constant 0 : i32
    %c0_i32_1 = arith.constant 0 : i32
    return %c0_i32, %c0_i32_0 : i32, i32
  }
}

</mosaic_0001>

<sc_bundles>
// kernel: kernel.13.cloned.1.call-start
scs
__scs_entry_jumppad:
0x0: {  	(pc) =	sbr.rel $0x88, $3  }
0x1: {  	(tag) =	ssettag $0x0;
	lr =	simm.s32 $0x1  }
0x2: {  	[smem:$0x3F97] =	sst lr;
	_ =	strace $0xD0000000  }
0x3: {  	_ = 	snop  }
0x4: {  	_ = 	snop  }
0x5: {  	_ = 	snop  }
0x6: {  	_ = 	snop  }
0x7: {  	_ = 	snop  }
__scs_overlays_trampoline_lowered:
0x8: {  	[smem:$0x3FA6] =	sst s0  }
0x9: {  	[smem:$0x3FA7] =	sst s1  }
0xa: {  	[smem:$0x3FA8] =	sst s2  }
0xb: {  	[smem:$0x3FA9] =	sst s3  }
0xc: {  	[smem:$0x3FAA] =	sst s4  }
0xd: {  	[smem:$0x3FAB] =	sst s5  }
0xe: {  	[smem:$0x3FAC] =	sst s6  }
0xf: {  	[smem:$0x3FAD] =	sst s7  }
0x10: {  	[smem:$0x3FAE] =	sst s8  }
0x11: {  	[smem:$0x3FAF] =	sst s9;
	s0 =	simm.s32 @!p0 $0x0  }
0x12: {  	s1 =	sld [smem:$0x3F95];
	s0 =	simm.s32 @p0 $0x1  }
0x13: {  	[smem:$0x3FB0] =	sst s0;
	s0 =	simm.s32 @!p1 $0x0  }
0x14: {  	s2 =	sld [smem:$0x3F94];
	s0 =	simm.s32 @p1 $0x1  }
0x15: {  	[smem:$0x3FB1] =	sst s0;
	s0 =	simm.s32 @!p2 $0x0  }
0x16: {  	s3 =	sld [smem:$0x3FDB];
	s0 =	simm.s32 @p2 $0x1  }
0x17: {  	s4 =	simm.s32 $0x1BF5;
	[smem:$0x3FB3] =	sst s0  }
0x18: {  	s0 =	sld [smem:$0x3F96];
	_ =	swait.ge [sflag:s4], $0x0  }
0x19: {  	s7 =	sld [smem:$0x3F97]  }
0x1a: {  	s8 =	sadd.s32 $0xFFFFE003, lr  }
0x1b: {  	s9 =	sadd.s32 $0xFFFFFEF7, lr;
	s5 =	simm.s32 $0xFFFFFFFF;
	p2 =	slt.u32 s8, $0xFFFFF086  }
0x1c: {  	p1 =	slt.u32 s9, $0xF7A;
	s5 =	simm.s32 @!p2 $0x0  }
0x1d: {  	s5 =	simm.s32 @p1 $0x1;
	p0 =	seq.s32 s7, s2  }
0x1e: {  	s7 =	smul.u32 @!p0 $0xF7A, s2;
	p2 =	seq.s32 @!p0 s5, $0x0  }
0x1f: {  	s9 =	smul.u32 $0xF7A, s1;
	s8 =	simm.s32 @!p0 $0x1BF5;
	p2 =	por !p2, p0  }
0x20: {  	[sflag:s8] =	ssyncset.s32 @!p0 $0xFFFFF086;
	s6 =	sadd.s32 @!p0 s3, s7;
	s7 =	simm.s32 @!p0 $0x108  }
0x21: {  	s3 =	sadd.s32 s3, s9;
	s6 =	sadd.s32 @!p0 $0x88, s6;
	s7 =	simm.s32 @p2 $0x1082  }
0x22: {  	[simem:s7], [sflag:s8] =	dma.local @!p0 [hbm:s6], $0xF7A  }
0x23: {  	s9 =	sor.u32 $0xD0000000, s2;
	s6 =	simm.s32 $0x108;
	_ =	swait.ge @!p0 [sflag:s8], $0x0  }
0x24: {  	s3 =	sadd.s32 $0x88, s3;
	s6 =	simm.s32 @!p1 $0x1082;
	[sflag:s4] =	ssyncset.s32 $0xFFFFF086  }
0x25: {  	[simem:s6], [sflag:s4] =	dma.local [hbm:s3], $0xF7A  }
0x26: {  	[smem:$0x3F97] =	sst s1;
	(tag) =	ssettag s2;
	_ =	strace s9  }
0x27: {  	s1 =	sld [smem:$0x3FA7]  }
0x28: {  	s2 =	sld [smem:$0x3FA8]  }
0x29: {  	s4 =	sld [smem:$0x3FAA]  }
0x2a: {  	p0 =	seq.s32 s5, $0x0;
	s5 =	sld [smem:$0x3FAB]  }
0x2b: {  	s6 =	sld [smem:$0x3FAC]  }
0x2c: {  	s7 =	sld [smem:$0x3FAD]  }
0x2d: {  	s3 =	simm.s32 $0x108;
	s8 =	sld [smem:$0x3FAE]  }
0x2e: {  	s3 =	simm.s32 @!p0 $0x1082;
	s9 =	sld [smem:$0x3FAF]  }
0x2f: {  	lr =	sadd.s32 s0, s3;
	s0 =	sld [smem:$0x3FA6]  }
0x30: {  	s3 =	sld [smem:$0x3FA9]  }
0x31: {  	[smem:$0x3FB2] =	sst s10  }
0x32: {  	s10 =	sld [smem:$0x3FB0];
	_ =	sdelay $0x3  }
0x33: {  	p0 =	seq.s32 s10, $0x1;
	s10 =	sld [smem:$0x3FB2];
	_ =	sdelay $0x3  }
0x34: {  	[smem:$0x3FB2] =	sst s10  }
0x35: {  	s10 =	sld [smem:$0x3FB1];
	_ =	sdelay $0x3  }
0x36: {  	p1 =	seq.s32 s10, $0x1;
	s10 =	sld [smem:$0x3FB2];
	_ =	sdelay $0x3  }
0x37: {  	[smem:$0x3FB2] =	sst s10  }
0x38: {  	s10 =	sld [smem:$0x3FB3]  }
0x39: {  	_ = 	snop;
	(pc) =	sbr.ind lr, $3  }
0x3a: {  	_ = 	snop  }
0x3b: {  	_ = 	snop  }
0x3c: {  	p2 =	seq.s32 s10, $0x1;
	s10 =	sld [smem:$0x3FB2]  }
0x3d: {  	_ =	shalt  }
0x3e: {  	_ =	shalt  }
0x3f: {  	_ =	shalt  }
0x40: {  	_ =	shalt  }
0x41: {  	_ =	shalt  }
0x42: {  	_ =	shalt  }
0x43: {  	_ =	shalt  }
0x44: {  	_ =	shalt  }
0x45: {  	_ =	shalt  }
0x46: {  	_ =	shalt  }
0x47: {  	_ =	shalt  }
0x48: {  	_ =	shalt  }
0x49: {  	_ =	shalt  }
0x4a: {  	_ =	shalt  }
0x4b: {  	_ =	shalt  }
0x4c: {  	_ =	shalt  }
0x4d: {  	_ =	shalt  }
0x4e: {  	_ =	shalt  }
0x4f: {  	_ =	shalt  }
0x50: {  	_ =	shalt  }
0x51: {  	_ =	shalt  }
0x52: {  	_ =	shalt  }
0x53: {  	_ =	shalt  }
0x54: {  	_ =	shalt  }
0x55: {  	_ =	shalt  }
0x56: {  	_ =	shalt  }
0x57: {  	_ =	shalt  }
0x58: {  	_ =	shalt  }
0x59: {  	_ =	shalt  }
0x5a: {  	_ =	shalt  }
0x5b: {  	_ =	shalt  }
0x5c: {  	_ =	shalt  }
0x5d: {  	_ =	shalt  }
0x5e: {  	_ =	shalt  }
0x5f: {  	_ =	shalt  }
0x60: {  	_ =	shalt  }
0x61: {  	_ =	shalt  }
0x62: {  	_ =	shalt  }
0x63: {  	_ =	shalt  }
0x64: {  	_ =	shalt  }
0x65: {  	_ =	shalt  }
0x66: {  	_ =	shalt  }
0x67: {  	_ =	shalt  }
0x68: {  	_ =	shalt  }
0x69: {  	_ =	shalt  }
0x6a: {  	_ =	shalt  }
0x6b: {  	_ =	shalt  }
0x6c: {  	_ =	shalt  }
0x6d: {  	_ =	shalt  }
0x6e: {  	_ =	shalt  }
0x6f: {  	_ =	shalt  }
0x70: {  	_ =	shalt  }
0x71: {  	_ =	shalt  }
0x72: {  	_ =	shalt  }
0x73: {  	_ =	shalt  }
0x74: {  	_ =	shalt  }
0x75: {  	_ =	shalt  }
0x76: {  	_ =	shalt  }
0x77: {  	_ =	shalt  }
0x78: {  	_ =	shalt  }
0x79: {  	_ =	shalt  }
0x7a: {  	_ =	shalt  }
0x7b: {  	_ =	shalt  }
0x7c: {  	_ =	shalt  }
0x7d: {  	_ =	shalt  }
0x7e: {  	_ =	shalt  }
0x7f: {  	_ =	shalt  }
0x80: {  	_ =	shalt  }
0x81: {  	_ =	shalt  }
0x82: {  	_ =	shalt  }
0x83: {  	_ =	shalt  }
0x84: {  	_ =	shalt  }
0x85: {  	_ =	shalt  }
0x86: {  	_ =	shalt  }
0x87: {  	_ =	shalt  }
.Lfunc_end0:
.L_simem_size_0:
called_computation_lowered:
.L_overlay_start_0:
0x88: {  	s2 =	sld [smem:$0x3FD9]  }
0x89: {  	s3 =	sld [smem:$0x3FFE];
	_ =	sdelay $0x1  }
0x8a: {  	s1 =	srdreg.scid  }
0x8b: {  	s0 =	sand.u32 $0x1, s1  }
0x8c: {  	s16 =	sshll.u32 s0, $0xA;
	s2 =	sadd.s32 s3, s2  }
0x8d: {  	s2 =	sadd.s32 s2, s16  }
0x8e: {  	[smem:$0x3FBE] =	sst s2  }
0x8f: {  	_ = 	snop  }
0x90: {  	(tm) =	ssettm $0x1  }
0x91: {  	s17 =	sld [smem:$0x3FFB];
	_ =	sdelay $0x3  }
0x92: {  	_ =	strace s17  }
0x93: {  	s2 =	sld [smem:$0x3FFC];
	_ =	sdelay $0x3  }
0x94: {  	_ =	strace s2  }
0x95: {  	s2 =	sld [smem:$0x3FFD];
	_ =	sdelay $0x3  }
0x96: {  	_ =	strace s2  }
0x97: {  	_ =	strace $0x8FFFFFFF  }
0x98: {  	s18 =	sld [smem:$0x3FDB];
	_ =	sdelay $0x1  }
0x99: {  	s19 =	simm.s32 $_scs_section_size  }
0x9a: {  	s4 =	simm.s32 $_size__tile_overlayer_lowered;
	s5 =	simm.s32 $_tile_overlayer_lowered  }
0x9b: {  	s22 =	simm.s32 $0x1BFF;
	s21 =	sshll.u32 s5, $0x1;
	s2 =	sadd.s32 s19, s18  }
0x9c: {  	s6 =	simm.s32 $0x0;
	s20 =	sshll.u32 s4, $0x1;
	s4 =	sadd.s32 s21, s2  }
0x9d: {  	[timem:s6], [sflag:s22] =	dma.local [hbm:s4], s20  }
0x9e: {  	_ =	swait.ge [sflag:s22], s20  }
0x9f: {  	s3 =	ssub.s32 $0x0, s20;
	[sflag:s22] =	ssyncset.done $0x0  }
0xa0: {  	[sflag:s22] =	ssyncadd.s32 s3;
	_ =	sdelay $0x1  }
0xa1: {  	s23 =	simm.s32 $0x1B8B  }
0xa2: {  	_ =	swait.ge [sflag:s23], $0x1  }
0xa3: {  	[sflag:s23] =	ssyncset.done $0x0  }
0xa4: {  	s25 =	simm.s32 $0x1B8E;
	s24 =	sld [smem:$0x3FFE];
	[sflag:s23] =	ssyncadd.s32 $0xFFFFFFFF  }
0xa5: {  	s26 =	simm.s32 $execute0_lowered;
	[smem:$0x3FD2] =	sst s25  }
0xa6: {  	s4 =	sshll.u32 s26, $0x1;
	_ =	strace $0x80000046;
	[dreg:$0x1] =	wrdreg $0xFFFFFFFF  }
0xa7: {  	s28 =	simm.s32 $_size_execute0_lowered;
	s2 =	sadd.s32 s2, s4;
	[dreg:$0x0] =	wrdreg $0x0  }
0xa8: {  	s4 =	sshll.u32 s28, $0x1;
	[dreg:$0x2] =	wrdreg s2  }
0xa9: {  	[dreg:$0x3] =	wrdreg s4  }
0xaa: {  	[dreg:$0x4] =	wrdreg $0xC0  }
0xab: {  	_ =	task [dreg:s6], $0x5FFFF  }
0xac: {  	[dreg:$0x1] =	wrdreg $0xFFFFFFFF  }
0xad: {  	[dreg:$0x0] =	wrdreg $0x60  }
0xae: {  	[dreg:$0x2] =	wrdreg s24  }
0xaf: {  	[dreg:$0x3] =	wrdreg $0x40800  }
0xb0: {  	[dreg:$0x4] =	wrdreg $0x9  }
0xb1: {  	_ =	task.clear_ibuf [dreg:s6], $0x5FFFF;
	_ =	strace $0x90000046  }
0xb2: {  	s29 =	simm.s32 $0x9;
	_ =	strace $0x80000048  }
0xb3: {  	_ =	swait.ge [sflag:s29], $0x1  }
0xb4: {  	[sflag:s29] =	ssyncadd.s32 $0xFFFFFFFF  }
0xb5: {  	_ =	strace $0x90000048  }
0xb6: {  	_ =	sfence  }
0xb7: {  	s30 =	sld [smem:$0x0];
	_ =	sdelay $0x2  }
0xb8: {  	s31 =	sshll.u32 s1, $0xD;
	s1 =	sshrl.u32 s1, $0x2  }
0xb9: {  	s3 =	sand.u32 $0x4000, s31;
	s1 =	sadd.s32 s1, s30  }
0xba: {  	s0 =	sor.u32 s3, s0;
	s1 =	sshll.u32 s1, $0x11  }
0xbb: {  	s0 =	sor.u32 s1, s0  }
0xbc: {  	s0 =	sadd.s32 $0x8F2B, s0  }
0xbd: {  	[sflag:s0] =	ssyncadd.remote.s32 $0x1  }
0xbe: {  	_ =	sfence.sel $0xFFFF  }
0xbf: {  	[dreg:$0x0] =	wrdreg $0xFFFFFFFF;
	(pc) =	sbr.abs _section_cstart, $3  }
0xc0: {  	[dreg:$0x1] =	wrdreg $0xFFFFFFFF  }
0xc1: {  	_ =	task.clear_ibuf [dreg:s6], $0x2FFFF;
	_ =	strace $0x9FFFFFFF  }
0xc2: {  	(tm) =	ssettm $0x7FFFFFFF  }
0xc3: {  	_ =	shalt  }
tec
execute0_lowered:
.L_overlay_start_1:
0x0: {  	(tag) =	ssettag $0x1  }
0x1: {  	s6 =	rddreg [dreg:$0x0]  }
0x2: {  	s2 =	rddreg [dreg:$0x1]  }
0x3: {  	s1 =	stileid.u32;
	s0 =	rddreg [dreg:$0x2]  }
0x4: {  	s3 =	simm.s32 $0x0;
	s5 =	srdreg.scid;
	s4 =	smul.u32 $0x9E0, s1  }
0x5: {  	[smem:$0x7FF] =	sst s3;
	s8 =	sand.u32 $0x1, s5;
	s9 =	smul.u32 $0x50000, s1  }
0x6: {  	s5 =	sadd.s32 $0xF800, s6;
	s13 =	smul.u32 $0x2800, s1;
	s31 =	sshll.u32 s1, $0x6  }
0x7: {  	_ =	strace $0x80000047;
	s10 =	smul.u32 $0x28000, s8;
	s11 =	ssub.s32 $0x2, s8  }
0x8: {  	s8 =	smul.u32 $0x4F0, s8;
	s7 =	sadd.s32 s4, s6;
	s4 =	sadd.s32 $0xF000, s6  }
0x9: {  	s12 =	sshrl.u32 s11, $0x1;
	s9 =	sshrl.u32 s9, $0x2;
	s6 =	sadd.s32 s10, s6  }
0xa: {  	s28 =	ssub.s32 s11, s12;
	s29 =	sadd.s32 s9, s2;
	s7 =	sadd.s32 s8, s7  }
0xb: {  	s8 =	simm.s32 $0x80;
	s9 =	simm.s32 $0x1;
	s10 =	sor.u32 $0x1C01, s31  }
0xc: {  	s30 =	sadd.s32 $0x12000, s6;
	s6 =	smax.u32 s28, $0x1;
	s7 =	sadd.s32 $0x5200, s7  }
0xd: {  	s11 =	sshrl.u32 s29, $0x3;
	s12 =	sadd.s32 s13, s30;
	s13 =	simm.s32 $0x0  }
.LBB2_1:
0xe: {  	[tilespmem:s8], [sflag:$0x1] =	stream.linear.gather [hbm4b:s4+s3], $0x4000, $0x38;
	[tilespmem:$0x18080] =	vst v63  }
0xf: {  	_ =	swait.ge [sflag:s9], $0x4000  }
0x10: {  	[sflag:s9] =	ssyncset.done $0x0  }
0x11: {  	[sflag:s9] =	ssyncadd.s32 $0xFFFFC000  }
0x12: {  	[spmem:s11], [sflag:s10] =	dma.local [hbm:s5], $0x2800  }
0x13: {  	_ =	swait.ge [sflag:s9], $0x2800  }
0x14: {  	[sflag:s9] =	ssyncset.done $0x0  }
0x15: {  	[sflag:s9] =	ssyncadd.s32 $0xFFFFD800  }
0x16: {  	s14 =	sadd.s32 $0x0, s7;
	[bflag:$0x0] =	sbarrier.arrive $0xFFFF  }
0x17: {  	[tilespmem:s3], [sflag:$0x1] =	stream.linear.gather [hbm4b:s14+s3], $0x80, $0x38;
	[tilespmem:$0x18080] =	vst v63  }
0x18: {  	_ =	swait.ge [sflag:s9], $0x80  }
0x19: {  	[sflag:s9] =	ssyncset.done $0x0  }
0x1a: {  	[sflag:s9] =	ssyncadd.s32 $0xFFFFFF80  }
0x1b: {  	[spmem:s2] =	stream.indirect.scatter.add.f32 [tilespmem:s8], [sflag:$0x1], $0x80, s3, s8, $0xb8;
	[tilespmem:$0x18080] =	vst v63  }
0x1c: {  	_ =	swait.ge [sflag:s9], $0x4000  }
0x1d: {  	s15 =	simm.s32 $0x20;
	s14 =	simm.s32 $0x10;
	[sflag:s9] =	ssyncset.done $0x0  }
.LBB2_2:
0x1e: {  	s16 =	sadd.s32 s14, s7  }
0x1f: {  	[sflag:s9] =	ssyncadd.s32 $0xFFFFC000;
	s14 =	smov.u32 s15;
	s17 =	sadd.s32 $0x10, s15  }
0x20: {  	[tilespmem:s3], [sflag:$0x1] =	stream.linear.gather [hbm4b:s16+s3], $0x80, $0x38;
	[tilespmem:$0x18080] =	vst v63  }
0x21: {  	p0 =	sne.s32 s15, $0x4E0;
	_ =	swait.ge [sflag:s9], $0x80  }
.Ltmp0:
0x22: {  	[sflag:s9] =	ssyncset.done $0x0;
	(pc) =	sbr.rel @p0 .LBB2_2-.Ltmp0, $4  }
0x23: {  	[sflag:s9] =	ssyncadd.s32 $0xFFFFFF80  }
0x24: {  	[spmem:s2] =	stream.indirect.scatter.add.f32 [tilespmem:s8], [sflag:$0x1], $0x80, s3, s8, $0xb8;
	[tilespmem:$0x18080] =	vst v63  }
0x25: {  	_ =	swait.ge [sflag:s9], $0x4000  }
0x26: {  	s15 =	smov.u32 s17;
	[sflag:s9] =	ssyncset.done $0x0  }
0x27: {  	s14 =	sadd.s32 s14, s7;
	[sflag:s9] =	ssyncadd.s32 $0xFFFFC000  }
0x28: {  	[tilespmem:s3], [sflag:$0x1] =	stream.linear.gather [hbm4b:s14+s3], $0x80, $0x38;
	[tilespmem:$0x18080] =	vst v63  }
0x29: {  	_ =	swait.ge [sflag:s9], $0x80  }
0x2a: {  	[sflag:s9] =	ssyncset.done $0x0  }
0x2b: {  	[sflag:s9] =	ssyncadd.s32 $0xFFFFFF80  }
0x2c: {  	[spmem:s2] =	stream.indirect.scatter.add.f32 [tilespmem:s8], [sflag:$0x1], $0x80, s3, s8, $0xb8;
	[tilespmem:$0x18080] =	vst v63  }
0x2d: {  	_ =	swait.ge [sflag:s9], $0x4000  }
0x2e: {  	s13 =	sadd.s32 $0x1, s13;
	[sflag:s9] =	ssyncset.done $0x0  }
0x2f: {  	p0 =	sne.s32 s13, s6;
	[sflag:s9] =	ssyncadd.s32 $0xFFFFC000  }
.Ltmp1:
0x30: {  	[bflag:$0x0] =	sbarrier.arrive $0xFFFF;
	(pc) =	sbr.rel @p0 .LBB2_1-.Ltmp1, $4  }
0x31: {  	[hbm:s12], [sflag:s10] =	dma.local [spmem:s11], $0x2800  }
0x32: {  	_ =	swait.ge [sflag:s9], $0x2800  }
0x33: {  	[sflag:s9] =	ssyncset.done $0x0  }
0x34: {  	[sflag:s9] =	ssyncadd.s32 $0xFFFFD800  }
0x35: {  	_ =	sfence.sel $0x180000  }
0x36: {  	[bflag:$0x0] =	sbarrier.arrive $0xFFFF  }
0x37: {  	p0 =	sne.s32 s1, $0x0;
	_ =	strace $0x90000047  }
0x38: {  	s0 =	sadd.s32 @!p0 $0x100000, s0;
	[bflag:$0x2] =	sbarrier.arrive $0xFFFF  }
0x39: {  	[sflag:s0] =	ssyncadd.tile.s32 @!p0 $0x1;
	_ =	shalt  }
.Lfunc_end2:
_tile_overlayer_lowered:
.L_overlay_start_2:
0x3a: {  	(tag) =	ssettag $0x2  }
0x3b: {  	s0 =	rddreg [dreg:$0x0];
	s2 =	stileid.u32  }
0x3c: {  	s1 =	rddreg [dreg:$0x1];
	p0 =	sne.s32 s2, $0x0  }
0x3d: {  	s3 =	rddreg [dreg:$0x2];
	[bflag:$0x3] =	sbarrier.arrive $0xFFFF;
	s2 =	simm.s32 @!p0 $0x1C01  }
0x3e: {  	[timem:s3], [sflag:s2] =	dma.local @!p0 [hbm:s0], s1  }
0x3f: {  	s0 =	simm.s32 @!p0 $0x1  }
0x40: {  	_ =	swait.ge @!p0 [sflag:s0], s1  }
0x41: {  	s1 =	ssub.s32 @!p0 $0x0, s1;
	[sflag:s0] =	ssyncset.done @!p0 $0x0  }
0x42: {  	[sflag:s0] =	ssyncadd.s32 @!p0 s1  }
0x43: {  	[bflag:$0x3] =	sbarrier.arrive $0xFFFF  }
0x44: {  	_ =	shalt  }

// kernel: kernel.16.cloned.1.call-start
scs
__scs_entry_jumppad:
0x0: {  	(pc) =	sbr.rel $0x88, $3  }
0x1: {  	(tag) =	ssettag $0x0;
	lr =	simm.s32 $0x1  }
0x2: {  	[smem:$0x3F97] =	sst lr;
	_ =	strace $0xD0000000  }
0x3: {  	_ = 	snop  }
0x4: {  	_ = 	snop  }
0x5: {  	_ = 	snop  }
0x6: {  	_ = 	snop  }
0x7: {  	_ = 	snop  }
__scs_overlays_trampoline_lowered:
0x8: {  	[smem:$0x3FA6] =	sst s0  }
0x9: {  	[smem:$0x3FA7] =	sst s1  }
0xa: {  	[smem:$0x3FA8] =	sst s2  }
0xb: {  	[smem:$0x3FA9] =	sst s3  }
0xc: {  	[smem:$0x3FAA] =	sst s4  }
0xd: {  	[smem:$0x3FAB] =	sst s5  }
0xe: {  	[smem:$0x3FAC] =	sst s6  }
0xf: {  	[smem:$0x3FAD] =	sst s7  }
0x10: {  	[smem:$0x3FAE] =	sst s8  }
0x11: {  	[smem:$0x3FAF] =	sst s9;
	s0 =	simm.s32 @!p0 $0x0  }
0x12: {  	s1 =	sld [smem:$0x3F95];
	s0 =	simm.s32 @p0 $0x1  }
0x13: {  	[smem:$0x3FB0] =	sst s0;
	s0 =	simm.s32 @!p1 $0x0  }
0x14: {  	s2 =	sld [smem:$0x3F94];
	s0 =	simm.s32 @p1 $0x1  }
0x15: {  	[smem:$0x3FB1] =	sst s0;
	s0 =	simm.s32 @!p2 $0x0  }
0x16: {  	s3 =	sld [smem:$0x3FDB];
	s0 =	simm.s32 @p2 $0x1  }
0x17: {  	s4 =	simm.s32 $0x1BF5;
	[smem:$0x3FB3] =	sst s0  }
0x18: {  	s0 =	sld [smem:$0x3F96];
	_ =	swait.ge [sflag:s4], $0x0  }
0x19: {  	s7 =	sld [smem:$0x3F97]  }
0x1a: {  	s8 =	sadd.s32 $0xFFFFE003, lr  }
0x1b: {  	s9 =	sadd.s32 $0xFFFFFEF7, lr;
	s5 =	simm.s32 $0xFFFFFFFF;
	p2 =	slt.u32 s8, $0xFFFFF086  }
0x1c: {  	p1 =	slt.u32 s9, $0xF7A;
	s5 =	simm.s32 @!p2 $0x0  }
0x1d: {  	s5 =	simm.s32 @p1 $0x1;
	p0 =	seq.s32 s7, s2  }
0x1e: {  	s7 =	smul.u32 @!p0 $0xF7A, s2;
	p2 =	seq.s32 @!p0 s5, $0x0  }
0x1f: {  	s9 =	smul.u32 $0xF7A, s1;
	s8 =	simm.s32 @!p0 $0x1BF5;
	p2 =	por !p2, p0  }
0x20: {  	[sflag:s8] =	ssyncset.s32 @!p0 $0xFFFFF086;
	s6 =	sadd.s32 @!p0 s3, s7;
	s7 =	simm.s32 @!p0 $0x108  }
0x21: {  	s3 =	sadd.s32 s3, s9;
	s6 =	sadd.s32 @!p0 $0x88, s6;
	s7 =	simm.s32 @p2 $0x1082  }
0x22: {  	[simem:s7], [sflag:s8] =	dma.local @!p0 [hbm:s6], $0xF7A  }
0x23: {  	s9 =	sor.u32 $0xD0000000, s2;
	s6 =	simm.s32 $0x108;
	_ =	swait.ge @!p0 [sflag:s8], $0x0  }
0x24: {  	s3 =	sadd.s32 $0x88, s3;
	s6 =	simm.s32 @!p1 $0x1082;
	[sflag:s4] =	ssyncset.s32 $0xFFFFF086  }
0x25: {  	[simem:s6], [sflag:s4] =	dma.local [hbm:s3], $0xF7A  }
0x26: {  	[smem:$0x3F97] =	sst s1;
	(tag) =	ssettag s2;
	_ =	strace s9  }
0x27: {  	s1 =	sld [smem:$0x3FA7]  }
0x28: {  	s2 =	sld [smem:$0x3FA8]  }
0x29: {  	s4 =	sld [smem:$0x3FAA]  }
0x2a: {  	p0 =	seq.s32 s5, $0x0;
	s5 =	sld [smem:$0x3FAB]  }
0x2b: {  	s6 =	sld [smem:$0x3FAC]  }
0x2c: {  	s7 =	sld [smem:$0x3FAD]  }
0x2d: {  	s3 =	simm.s32 $0x108;
	s8 =	sld [smem:$0x3FAE]  }
0x2e: {  	s3 =	simm.s32 @!p0 $0x1082;
	s9 =	sld [smem:$0x3FAF]  }
0x2f: {  	lr =	sadd.s32 s0, s3;
	s0 =	sld [smem:$0x3FA6]  }
0x30: {  	s3 =	sld [smem:$0x3FA9]  }
0x31: {  	[smem:$0x3FB2] =	sst s10  }
0x32: {  	s10 =	sld [smem:$0x3FB0];
	_ =	sdelay $0x3  }
0x33: {  	p0 =	seq.s32 s10, $0x1;
	s10 =	sld [smem:$0x3FB2];
	_ =	sdelay $0x3  }
0x34: {  	[smem:$0x3FB2] =	sst s10  }
0x35: {  	s10 =	sld [smem:$0x3FB1];
	_ =	sdelay $0x3  }
0x36: {  	p1 =	seq.s32 s10, $0x1;
	s10 =	sld [smem:$0x3FB2];
	_ =	sdelay $0x3  }
0x37: {  	[smem:$0x3FB2] =	sst s10  }
0x38: {  	s10 =	sld [smem:$0x3FB3]  }
0x39: {  	_ = 	snop;
	(pc) =	sbr.ind lr, $3  }
0x3a: {  	_ = 	snop  }
0x3b: {  	_ = 	snop  }
0x3c: {  	p2 =	seq.s32 s10, $0x1;
	s10 =	sld [smem:$0x3FB2]  }
0x3d: {  	_ =	shalt  }
0x3e: {  	_ =	shalt  }
0x3f: {  	_ =	shalt  }
0x40: {  	_ =	shalt  }
0x41: {  	_ =	shalt  }
0x42: {  	_ =	shalt  }
0x43: {  	_ =	shalt  }
0x44: {  	_ =	shalt  }
0x45: {  	_ =	shalt  }
0x46: {  	_ =	shalt  }
0x47: {  	_ =	shalt  }
0x48: {  	_ =	shalt  }
0x49: {  	_ =	shalt  }
0x4a: {  	_ =	shalt  }
0x4b: {  	_ =	shalt  }
0x4c: {  	_ =	shalt  }
0x4d: {  	_ =	shalt  }
0x4e: {  	_ =	shalt  }
0x4f: {  	_ =	shalt  }
0x50: {  	_ =	shalt  }
0x51: {  	_ =	shalt  }
0x52: {  	_ =	shalt  }
0x53: {  	_ =	shalt  }
0x54: {  	_ =	shalt  }
0x55: {  	_ =	shalt  }
0x56: {  	_ =	shalt  }
0x57: {  	_ =	shalt  }
0x58: {  	_ =	shalt  }
0x59: {  	_ =	shalt  }
0x5a: {  	_ =	shalt  }
0x5b: {  	_ =	shalt  }
0x5c: {  	_ =	shalt  }
0x5d: {  	_ =	shalt  }
0x5e: {  	_ =	shalt  }
0x5f: {  	_ =	shalt  }
0x60: {  	_ =	shalt  }
0x61: {  	_ =	shalt  }
0x62: {  	_ =	shalt  }
0x63: {  	_ =	shalt  }
0x64: {  	_ =	shalt  }
0x65: {  	_ =	shalt  }
0x66: {  	_ =	shalt  }
0x67: {  	_ =	shalt  }
0x68: {  	_ =	shalt  }
0x69: {  	_ =	shalt  }
0x6a: {  	_ =	shalt  }
0x6b: {  	_ =	shalt  }
0x6c: {  	_ =	shalt  }
0x6d: {  	_ =	shalt  }
0x6e: {  	_ =	shalt  }
0x6f: {  	_ =	shalt  }
0x70: {  	_ =	shalt  }
0x71: {  	_ =	shalt  }
0x72: {  	_ =	shalt  }
0x73: {  	_ =	shalt  }
0x74: {  	_ =	shalt  }
0x75: {  	_ =	shalt  }
0x76: {  	_ =	shalt  }
0x77: {  	_ =	shalt  }
0x78: {  	_ =	shalt  }
0x79: {  	_ =	shalt  }
0x7a: {  	_ =	shalt  }
0x7b: {  	_ =	shalt  }
0x7c: {  	_ =	shalt  }
0x7d: {  	_ =	shalt  }
0x7e: {  	_ =	shalt  }
0x7f: {  	_ =	shalt  }
0x80: {  	_ =	shalt  }
0x81: {  	_ =	shalt  }
0x82: {  	_ =	shalt  }
0x83: {  	_ =	shalt  }
0x84: {  	_ =	shalt  }
0x85: {  	_ =	shalt  }
0x86: {  	_ =	shalt  }
0x87: {  	_ =	shalt  }
.Lfunc_end0:
.L_simem_size_0:
called_computation.1_lowered:
.L_overlay_start_0:
0x88: {  	s2 =	sld [smem:$0x3FD9]  }
0x89: {  	s3 =	sld [smem:$0x3FFE];
	_ =	sdelay $0x1  }
0x8a: {  	s1 =	srdreg.scid  }
0x8b: {  	s0 =	sand.u32 $0x1, s1  }
0x8c: {  	s16 =	sshll.u32 s0, $0xA;
	s2 =	sadd.s32 s3, s2  }
0x8d: {  	s2 =	sadd.s32 s2, s16  }
0x8e: {  	[smem:$0x3FBE] =	sst s2  }
0x8f: {  	_ = 	snop  }
0x90: {  	(tm) =	ssettm $0x1  }
0x91: {  	s17 =	sld [smem:$0x3FFB];
	_ =	sdelay $0x3  }
0x92: {  	_ =	strace s17  }
0x93: {  	s2 =	sld [smem:$0x3FFC];
	_ =	sdelay $0x3  }
0x94: {  	_ =	strace s2  }
0x95: {  	s2 =	sld [smem:$0x3FFD];
	_ =	sdelay $0x3  }
0x96: {  	_ =	strace s2  }
0x97: {  	_ =	strace $0x8FFFFFFF  }
0x98: {  	s18 =	sld [smem:$0x3FDB];
	_ =	sdelay $0x1  }
0x99: {  	s19 =	simm.s32 $_scs_section_size  }
0x9a: {  	s4 =	simm.s32 $_size__tile_overlayer_lowered;
	s5 =	simm.s32 $_tile_overlayer_lowered  }
0x9b: {  	s22 =	simm.s32 $0x1BFF;
	s21 =	sshll.u32 s5, $0x1;
	s2 =	sadd.s32 s19, s18  }
0x9c: {  	s6 =	simm.s32 $0x0;
	s20 =	sshll.u32 s4, $0x1;
	s4 =	sadd.s32 s21, s2  }
0x9d: {  	[timem:s6], [sflag:s22] =	dma.local [hbm:s4], s20  }
0x9e: {  	_ =	swait.ge [sflag:s22], s20  }
0x9f: {  	s3 =	ssub.s32 $0x0, s20;
	[sflag:s22] =	ssyncset.done $0x0  }
0xa0: {  	[sflag:s22] =	ssyncadd.s32 s3;
	_ =	sdelay $0x1  }
0xa1: {  	s23 =	simm.s32 $0x1B8B  }
0xa2: {  	_ =	swait.ge [sflag:s23], $0x1  }
0xa3: {  	[sflag:s23] =	ssyncset.done $0x0  }
0xa4: {  	s25 =	simm.s32 $0x1B8E;
	s24 =	sld [smem:$0x3FFE];
	[sflag:s23] =	ssyncadd.s32 $0xFFFFFFFF  }
0xa5: {  	s26 =	simm.s32 $execute0_lowered;
	[smem:$0x3FD2] =	sst s25  }
0xa6: {  	s4 =	sshll.u32 s26, $0x1;
	_ =	strace $0x80000049;
	[dreg:$0x1] =	wrdreg $0xFFFFFFFF  }
0xa7: {  	s28 =	simm.s32 $_size_execute0_lowered;
	s2 =	sadd.s32 s2, s4;
	[dreg:$0x0] =	wrdreg $0x0  }
0xa8: {  	s4 =	sshll.u32 s28, $0x1;
	[dreg:$0x2] =	wrdreg s2  }
0xa9: {  	[dreg:$0x3] =	wrdreg s4  }
0xaa: {  	[dreg:$0x4] =	wrdreg $0xC0  }
0xab: {  	_ =	task [dreg:s6], $0x5FFFF  }
0xac: {  	[dreg:$0x1] =	wrdreg $0xFFFFFFFF  }
0xad: {  	[dreg:$0x0] =	wrdreg $0x60  }
0xae: {  	[dreg:$0x2] =	wrdreg s24  }
0xaf: {  	[dreg:$0x3] =	wrdreg $0x41000  }
0xb0: {  	[dreg:$0x4] =	wrdreg $0x9  }
0xb1: {  	_ =	task.clear_ibuf [dreg:s6], $0x5FFFF;
	_ =	strace $0x90000049  }
0xb2: {  	s29 =	simm.s32 $0x9;
	_ =	strace $0x8000004B  }
0xb3: {  	_ =	swait.ge [sflag:s29], $0x1  }
0xb4: {  	[sflag:s29] =	ssyncadd.s32 $0xFFFFFFFF  }
0xb5: {  	_ =	strace $0x9000004B  }
0xb6: {  	_ =	sfence  }
0xb7: {  	s30 =	sld [smem:$0x0];
	_ =	sdelay $0x2  }
0xb8: {  	s31 =	sshll.u32 s1, $0xD;
	s1 =	sshrl.u32 s1, $0x2  }
0xb9: {  	s3 =	sand.u32 $0x4000, s31;
	s1 =	sadd.s32 s1, s30  }
0xba: {  	s0 =	sor.u32 s3, s0;
	s1 =	sshll.u32 s1, $0x11  }
0xbb: {  	s0 =	sor.u32 s1, s0  }
0xbc: {  	s0 =	sadd.s32 $0x8F2B, s0  }
0xbd: {  	[sflag:s0] =	ssyncadd.remote.s32 $0x1  }
0xbe: {  	_ =	sfence.sel $0xFFFF  }
0xbf: {  	[dreg:$0x0] =	wrdreg $0xFFFFFFFF;
	(pc) =	sbr.abs _section_cstart, $3  }
0xc0: {  	[dreg:$0x1] =	wrdreg $0xFFFFFFFF  }
0xc1: {  	_ =	task.clear_ibuf [dreg:s6], $0x2FFFF;
	_ =	strace $0x9FFFFFFF  }
0xc2: {  	(tm) =	ssettm $0x7FFFFFFF  }
0xc3: {  	_ =	shalt  }
tec
execute0_lowered:
.L_overlay_start_1:
0x0: {  	(tag) =	ssettag $0x1  }
0x1: {  	s6 =	rddreg [dreg:$0x0]  }
0x2: {  	s2 =	rddreg [dreg:$0x1]  }
0x3: {  	s0 =	rddreg [dreg:$0x2];
	s1 =	stileid.u32  }
0x4: {  	s3 =	simm.s32 $0x0;
	s4 =	srdreg.scid;
	s5 =	smul.u32 $0x9E0, s1  }
0x5: {  	s14 =	simm.s32 $0x1;
	[smem:$0x7FF] =	sst s3;
	s12 =	smul.u32 $0x50000, s1  }
0x6: {  	s7 =	sand.u32 $0x1, s4;
	s4 =	sadd.s32 $0x12000, s6;
	s16 =	smul.u32 $0x2800, s1  }
0x7: {  	s29 =	sshll.u32 s1, $0x6;
	_ =	strace $0x8000004A;
	s8 =	smul.u32 $0x28000, s7  }
0x8: {  	s9 =	ssub.s32 $0x2, s7;
	s30 =	smul.u32 $0x4F0, s7;
	s10 =	sadd.s32 s5, s6  }
0x9: {  	s11 =	sshrl.u32 s9, $0x1;
	s5 =	sadd.s32 $0xF800, s6;
	s28 =	sshrl.u32 s12, $0x2  }
0xa: {  	s12 =	simm.s32 $0x80;
	s8 =	sadd.s32 s8, s6;
	s9 =	ssub.s32 s9, s11  }
0xb: {  	s13 =	sadd.s32 s28, s2;
	s6 =	sor.u32 $0x1C02, s29;
	s31 =	sadd.s32 s30, s10  }
0xc: {  	s11 =	simm.s32 $0x2;
	s15 =	sadd.s32 $0x93000, s8;
	s7 =	smax.u32 s9, $0x1  }
0xd: {  	s8 =	sadd.s32 $0x5200, s31;
	s9 =	sadd.s32 $0x62000, s31;
	s10 =	sshrl.u32 s13, $0x3  }
0xe: {  	s13 =	simm.s32 $0x100;
	s15 =	sadd.s32 s16, s15;
	s16 =	simm.s32 $0x0  }
.LBB2_1:
0xf: {  	[spmem:s10], [sflag:s6] =	dma.local [hbm:s5], $0x2800  }
0x10: {  	_ =	swait.ge [sflag:s11], $0x2800  }
0x11: {  	[sflag:s11] =	ssyncset.done $0x0  }
0x12: {  	[sflag:s11] =	ssyncadd.s32 $0xFFFFD800  }
0x13: {  	s17 =	sadd.s32 $0x0, s9;
	[bflag:$0x0] =	sbarrier.arrive $0xFFFF  }
0x14: {  	[tilespmem:s3], [sflag:$0x2] =	stream.linear.gather [hbm4b:s17+s3], $0x80, $0x38;
	[tilespmem:$0x18100] =	vst v63  }
0x15: {  	_ =	swait.ge [sflag:s11], $0x80  }
0x16: {  	[sflag:s11] =	ssyncset.done $0x0  }
0x17: {  	s31 =	sadd.s32 $0x0, s8;
	[sflag:s11] =	ssyncadd.s32 $0xFFFFFF80  }
0x18: {  	[tilespmem:s12], [sflag:$0x2] =	stream.linear.gather [hbm4b:s31+s3], $0x80, $0x38;
	[tilespmem:$0x18100] =	vst v63  }
0x19: {  	_ =	swait.ge [sflag:s11], $0x80  }
0x1a: {  	[sflag:s11] =	ssyncset.done $0x0  }
0x1b: {  	[sflag:s11] =	ssyncadd.s32 $0xFFFFFF80  }
0x1c: {  	[tilespmem:s13], [sflag:$0x1] =	stream.indirect.gather [hbm4b:s4+s12], $0x80, s3, s12, $0xb8;
	[tilespmem:$0x18100] =	vst v63  }
0x1d: {  	_ =	swait.ge [sflag:s14], $0x4000  }
0x1e: {  	[sflag:s14] =	ssyncset.done $0x0  }
0x1f: {  	[sflag:s14] =	ssyncadd.s32 $0xFFFFC000  }
0x20: {  	[spmem:s2] =	stream.indirect.scatter.add.f32 [tilespmem:s13], [sflag:$0x2], $0x80, s12, s12, $0xb8;
	[tilespmem:$0x18100] =	vst v63  }
0x21: {  	_ =	swait.ge [sflag:s11], $0x4000  }
0x22: {  	s18 =	simm.s32 $0x20;
	s17 =	simm.s32 $0x10;
	[sflag:s11] =	ssyncset.done $0x0  }
.LBB2_2:
0x23: {  	s19 =	sadd.s32 s17, s9  }
0x24: {  	[sflag:s11] =	ssyncadd.s32 $0xFFFFC000;
	s20 =	smov.u32 s18;
	s21 =	sadd.s32 $0x10, s18  }
0x25: {  	[tilespmem:s3], [sflag:$0x2] =	stream.linear.gather [hbm4b:s19+s3], $0x80, $0x38;
	[tilespmem:$0x18100] =	vst v63  }
0x26: {  	p0 =	sne.s32 s18, $0x4E0;
	_ =	swait.ge [sflag:s11], $0x80  }
0x27: {  	[sflag:s11] =	ssyncset.done $0x0  }
0x28: {  	s18 =	sadd.s32 s17, s8;
	s17 =	smov.u32 s20;
	[sflag:s11] =	ssyncadd.s32 $0xFFFFFF80  }
0x29: {  	[tilespmem:s12], [sflag:$0x2] =	stream.linear.gather [hbm4b:s18+s3], $0x80, $0x38;
	[tilespmem:$0x18100] =	vst v63  }
0x2a: {  	_ =	swait.ge [sflag:s11], $0x80  }
0x2b: {  	[sflag:s11] =	ssyncset.done $0x0  }
0x2c: {  	[sflag:s11] =	ssyncadd.s32 $0xFFFFFF80  }
0x2d: {  	[tilespmem:s13], [sflag:$0x1] =	stream.indirect.gather [hbm4b:s4+s12], $0x80, s3, s12, $0xb8;
	[tilespmem:$0x18100] =	vst v63  }
0x2e: {  	_ =	swait.ge [sflag:s14], $0x4000  }
.Ltmp0:
0x2f: {  	[sflag:s14] =	ssyncset.done $0x0;
	(pc) =	sbr.rel @p0 .LBB2_2-.Ltmp0, $4  }
0x30: {  	[sflag:s14] =	ssyncadd.s32 $0xFFFFC000  }
0x31: {  	[spmem:s2] =	stream.indirect.scatter.add.f32 [tilespmem:s13], [sflag:$0x2], $0x80, s12, s12, $0xb8;
	[tilespmem:$0x18100] =	vst v63  }
0x32: {  	_ =	swait.ge [sflag:s11], $0x4000  }
0x33: {  	s18 =	smov.u32 s21;
	[sflag:s11] =	ssyncset.done $0x0  }
0x34: {  	s18 =	sadd.s32 s17, s9;
	[sflag:s11] =	ssyncadd.s32 $0xFFFFC000  }
0x35: {  	[tilespmem:s3], [sflag:$0x2] =	stream.linear.gather [hbm4b:s18+s3], $0x80, $0x38;
	[tilespmem:$0x18100] =	vst v63  }
0x36: {  	_ =	swait.ge [sflag:s11], $0x80  }
0x37: {  	[sflag:s11] =	ssyncset.done $0x0  }
0x38: {  	s31 =	sadd.s32 s17, s8;
	[sflag:s11] =	ssyncadd.s32 $0xFFFFFF80  }
0x39: {  	[tilespmem:s12], [sflag:$0x2] =	stream.linear.gather [hbm4b:s31+s3], $0x80, $0x38;
	[tilespmem:$0x18100] =	vst v63  }
0x3a: {  	_ =	swait.ge [sflag:s11], $0x80  }
0x3b: {  	[sflag:s11] =	ssyncset.done $0x0  }
0x3c: {  	[sflag:s11] =	ssyncadd.s32 $0xFFFFFF80  }
0x3d: {  	[tilespmem:s13], [sflag:$0x1] =	stream.indirect.gather [hbm4b:s4+s12], $0x80, s3, s12, $0xb8;
	[tilespmem:$0x18100] =	vst v63  }
0x3e: {  	_ =	swait.ge [sflag:s14], $0x4000  }
0x3f: {  	[sflag:s14] =	ssyncset.done $0x0  }
0x40: {  	[sflag:s14] =	ssyncadd.s32 $0xFFFFC000  }
0x41: {  	[spmem:s2] =	stream.indirect.scatter.add.f32 [tilespmem:s13], [sflag:$0x2], $0x80, s12, s12, $0xb8;
	[tilespmem:$0x18100] =	vst v63  }
0x42: {  	_ =	swait.ge [sflag:s11], $0x4000  }
0x43: {  	s16 =	sadd.s32 $0x1, s16;
	[sflag:s11] =	ssyncset.done $0x0  }
0x44: {  	p0 =	sne.s32 s16, s7;
	[sflag:s11] =	ssyncadd.s32 $0xFFFFC000  }
.Ltmp1:
0x45: {  	[bflag:$0x0] =	sbarrier.arrive $0xFFFF;
	(pc) =	sbr.rel @p0 .LBB2_1-.Ltmp1, $4  }
0x46: {  	[hbm:s15], [sflag:s6] =	dma.local [spmem:s10], $0x2800  }
0x47: {  	_ =	swait.ge [sflag:s11], $0x2800  }
0x48: {  	[sflag:s11] =	ssyncset.done $0x0  }
0x49: {  	[sflag:s11] =	ssyncadd.s32 $0xFFFFD800  }
0x4a: {  	_ =	sfence.sel $0x180000  }
0x4b: {  	[bflag:$0x0] =	sbarrier.arrive $0xFFFF  }
0x4c: {  	p0 =	sne.s32 s1, $0x0;
	_ =	strace $0x9000004A  }
0x4d: {  	s0 =	sadd.s32 @!p0 $0x100000, s0;
	[bflag:$0x2] =	sbarrier.arrive $0xFFFF  }
0x4e: {  	[sflag:s0] =	ssyncadd.tile.s32 @!p0 $0x1;
	_ =	shalt  }
.Lfunc_end2:
_tile_overlayer_lowered:
.L_overlay_start_2:
0x4f: {  	(tag) =	ssettag $0x2  }
0x50: {  	s0 =	rddreg [dreg:$0x0];
	s2 =	stileid.u32  }
0x51: {  	s1 =	rddreg [dreg:$0x1];
	p0 =	sne.s32 s2, $0x0  }
0x52: {  	s3 =	rddreg [dreg:$0x2];
	[bflag:$0x3] =	sbarrier.arrive $0xFFFF;
	s2 =	simm.s32 @!p0 $0x1C02  }
0x53: {  	[timem:s3], [sflag:s2] =	dma.local @!p0 [hbm:s0], s1  }
0x54: {  	s0 =	simm.s32 @!p0 $0x2  }
0x55: {  	_ =	swait.ge @!p0 [sflag:s0], s1  }
0x56: {  	s1 =	ssub.s32 @!p0 $0x0, s1;
	[sflag:s0] =	ssyncset.done @!p0 $0x0  }
0x57: {  	[sflag:s0] =	ssyncadd.s32 @!p0 s1  }
0x58: {  	[bflag:$0x3] =	sbarrier.arrive $0xFFFF  }
0x59: {  	_ =	shalt  }

// kernel: kernel.19.cloned.1.call-start
scs
__scs_entry_jumppad:
0x0: {  	(pc) =	sbr.rel $0x88, $3  }
0x1: {  	(tag) =	ssettag $0x0;
	lr =	simm.s32 $0x1  }
0x2: {  	[smem:$0x3F97] =	sst lr;
	_ =	strace $0xD0000000  }
0x3: {  	_ = 	snop  }
0x4: {  	_ = 	snop  }
0x5: {  	_ = 	snop  }
0x6: {  	_ = 	snop  }
0x7: {  	_ = 	snop  }
__scs_overlays_trampoline_lowered:
0x8: {  	[smem:$0x3FA6] =	sst s0  }
0x9: {  	[smem:$0x3FA7] =	sst s1  }
0xa: {  	[smem:$0x3FA8] =	sst s2  }
0xb: {  	[smem:$0x3FA9] =	sst s3  }
0xc: {  	[smem:$0x3FAA] =	sst s4  }
0xd: {  	[smem:$0x3FAB] =	sst s5  }
0xe: {  	[smem:$0x3FAC] =	sst s6  }
0xf: {  	[smem:$0x3FAD] =	sst s7  }
0x10: {  	[smem:$0x3FAE] =	sst s8  }
0x11: {  	[smem:$0x3FAF] =	sst s9;
	s0 =	simm.s32 @!p0 $0x0  }
0x12: {  	s1 =	sld [smem:$0x3F95];
	s0 =	simm.s32 @p0 $0x1  }
0x13: {  	[smem:$0x3FB0] =	sst s0;
	s0 =	simm.s32 @!p1 $0x0  }
0x14: {  	s2 =	sld [smem:$0x3F94];
	s0 =	simm.s32 @p1 $0x1  }
0x15: {  	[smem:$0x3FB1] =	sst s0;
	s0 =	simm.s32 @!p2 $0x0  }
0x16: {  	s3 =	sld [smem:$0x3FDB];
	s0 =	simm.s32 @p2 $0x1  }
0x17: {  	s4 =	simm.s32 $0x1BF5;
	[smem:$0x3FB3] =	sst s0  }
0x18: {  	s0 =	sld [smem:$0x3F96];
	_ =	swait.ge [sflag:s4], $0x0  }
0x19: {  	s7 =	sld [smem:$0x3F97]  }
0x1a: {  	s8 =	sadd.s32 $0xFFFFE003, lr  }
0x1b: {  	s9 =	sadd.s32 $0xFFFFFEF7, lr;
	s5 =	simm.s32 $0xFFFFFFFF;
	p2 =	slt.u32 s8, $0xFFFFF086  }
0x1c: {  	p1 =	slt.u32 s9, $0xF7A;
	s5 =	simm.s32 @!p2 $0x0  }
0x1d: {  	s5 =	simm.s32 @p1 $0x1;
	p0 =	seq.s32 s7, s2  }
0x1e: {  	s7 =	smul.u32 @!p0 $0xF7A, s2;
	p2 =	seq.s32 @!p0 s5, $0x0  }
0x1f: {  	s9 =	smul.u32 $0xF7A, s1;
	s8 =	simm.s32 @!p0 $0x1BF5;
	p2 =	por !p2, p0  }
0x20: {  	[sflag:s8] =	ssyncset.s32 @!p0 $0xFFFFF086;
	s6 =	sadd.s32 @!p0 s3, s7;
	s7 =	simm.s32 @!p0 $0x108  }
0x21: {  	s3 =	sadd.s32 s3, s9;
	s6 =	sadd.s32 @!p0 $0x88, s6;
	s7 =	simm.s32 @p2 $0x1082  }
0x22: {  	[simem:s7], [sflag:s8] =	dma.local @!p0 [hbm:s6], $0xF7A  }
0x23: {  	s9 =	sor.u32 $0xD0000000, s2;
	s6 =	simm.s32 $0x108;
	_ =	swait.ge @!p0 [sflag:s8], $0x0  }
0x24: {  	s3 =	sadd.s32 $0x88, s3;
	s6 =	simm.s32 @!p1 $0x1082;
	[sflag:s4] =	ssyncset.s32 $0xFFFFF086  }
0x25: {  	[simem:s6], [sflag:s4] =	dma.local [hbm:s3], $0xF7A  }
0x26: {  	[smem:$0x3F97] =	sst s1;
	(tag) =	ssettag s2;
	_ =	strace s9  }
0x27: {  	s1 =	sld [smem:$0x3FA7]  }
0x28: {  	s2 =	sld [smem:$0x3FA8]  }
0x29: {  	s4 =	sld [smem:$0x3FAA]  }
0x2a: {  	p0 =	seq.s32 s5, $0x0;
	s5 =	sld [smem:$0x3FAB]  }
0x2b: {  	s6 =	sld [smem:$0x3FAC]  }
0x2c: {  	s7 =	sld [smem:$0x3FAD]  }
0x2d: {  	s3 =	simm.s32 $0x108;
	s8 =	sld [smem:$0x3FAE]  }
0x2e: {  	s3 =	simm.s32 @!p0 $0x1082;
	s9 =	sld [smem:$0x3FAF]  }
0x2f: {  	lr =	sadd.s32 s0, s3;
	s0 =	sld [smem:$0x3FA6]  }
0x30: {  	s3 =	sld [smem:$0x3FA9]  }
0x31: {  	[smem:$0x3FB2] =	sst s10  }
0x32: {  	s10 =	sld [smem:$0x3FB0];
	_ =	sdelay $0x3  }
0x33: {  	p0 =	seq.s32 s10, $0x1;
	s10 =	sld [smem:$0x3FB2];
	_ =	sdelay $0x3  }
0x34: {  	[smem:$0x3FB2] =	sst s10  }
0x35: {  	s10 =	sld [smem:$0x3FB1];
	_ =	sdelay $0x3  }
0x36: {  	p1 =	seq.s32 s10, $0x1;
	s10 =	sld [smem:$0x3FB2];
	_ =	sdelay $0x3  }
0x37: {  	[smem:$0x3FB2] =	sst s10  }
0x38: {  	s10 =	sld [smem:$0x3FB3]  }
0x39: {  	_ = 	snop;
	(pc) =	sbr.ind lr, $3  }
0x3a: {  	_ = 	snop  }
0x3b: {  	_ = 	snop  }
0x3c: {  	p2 =	seq.s32 s10, $0x1;
	s10 =	sld [smem:$0x3FB2]  }
0x3d: {  	_ =	shalt  }
0x3e: {  	_ =	shalt  }
0x3f: {  	_ =	shalt  }
0x40: {  	_ =	shalt  }
0x41: {  	_ =	shalt  }
0x42: {  	_ =	shalt  }
0x43: {  	_ =	shalt  }
0x44: {  	_ =	shalt  }
0x45: {  	_ =	shalt  }
0x46: {  	_ =	shalt  }
0x47: {  	_ =	shalt  }
0x48: {  	_ =	shalt  }
0x49: {  	_ =	shalt  }
0x4a: {  	_ =	shalt  }
0x4b: {  	_ =	shalt  }
0x4c: {  	_ =	shalt  }
0x4d: {  	_ =	shalt  }
0x4e: {  	_ =	shalt  }
0x4f: {  	_ =	shalt  }
0x50: {  	_ =	shalt  }
0x51: {  	_ =	shalt  }
0x52: {  	_ =	shalt  }
0x53: {  	_ =	shalt  }
0x54: {  	_ =	shalt  }
0x55: {  	_ =	shalt  }
0x56: {  	_ =	shalt  }
0x57: {  	_ =	shalt  }
0x58: {  	_ =	shalt  }
0x59: {  	_ =	shalt  }
0x5a: {  	_ =	shalt  }
0x5b: {  	_ =	shalt  }
0x5c: {  	_ =	shalt  }
0x5d: {  	_ =	shalt  }
0x5e: {  	_ =	shalt  }
0x5f: {  	_ =	shalt  }
0x60: {  	_ =	shalt  }
0x61: {  	_ =	shalt  }
0x62: {  	_ =	shalt  }
0x63: {  	_ =	shalt  }
0x64: {  	_ =	shalt  }
0x65: {  	_ =	shalt  }
0x66: {  	_ =	shalt  }
0x67: {  	_ =	shalt  }
0x68: {  	_ =	shalt  }
0x69: {  	_ =	shalt  }
0x6a: {  	_ =	shalt  }
0x6b: {  	_ =	shalt  }
0x6c: {  	_ =	shalt  }
0x6d: {  	_ =	shalt  }
0x6e: {  	_ =	shalt  }
0x6f: {  	_ =	shalt  }
0x70: {  	_ =	shalt  }
0x71: {  	_ =	shalt  }
0x72: {  	_ =	shalt  }
0x73: {  	_ =	shalt  }
0x74: {  	_ =	shalt  }
0x75: {  	_ =	shalt  }
0x76: {  	_ =	shalt  }
0x77: {  	_ =	shalt  }
0x78: {  	_ =	shalt  }
0x79: {  	_ =	shalt  }
0x7a: {  	_ =	shalt  }
0x7b: {  	_ =	shalt  }
0x7c: {  	_ =	shalt  }
0x7d: {  	_ =	shalt  }
0x7e: {  	_ =	shalt  }
0x7f: {  	_ =	shalt  }
0x80: {  	_ =	shalt  }
0x81: {  	_ =	shalt  }
0x82: {  	_ =	shalt  }
0x83: {  	_ =	shalt  }
0x84: {  	_ =	shalt  }
0x85: {  	_ =	shalt  }
0x86: {  	_ =	shalt  }
0x87: {  	_ =	shalt  }
.Lfunc_end0:
.L_simem_size_0:
called_computation.2_lowered:
.L_overlay_start_0:
0x88: {  	s2 =	sld [smem:$0x3FD9]  }
0x89: {  	s3 =	sld [smem:$0x3FFE];
	_ =	sdelay $0x1  }
0x8a: {  	s1 =	srdreg.scid  }
0x8b: {  	s0 =	sand.u32 $0x1, s1  }
0x8c: {  	s16 =	sshll.u32 s0, $0xA;
	s2 =	sadd.s32 s3, s2  }
0x8d: {  	s2 =	sadd.s32 s2, s16  }
0x8e: {  	[smem:$0x3FBE] =	sst s2  }
0x8f: {  	_ = 	snop  }
0x90: {  	(tm) =	ssettm $0x1  }
0x91: {  	s17 =	sld [smem:$0x3FFB];
	_ =	sdelay $0x3  }
0x92: {  	_ =	strace s17  }
0x93: {  	s2 =	sld [smem:$0x3FFC];
	_ =	sdelay $0x3  }
0x94: {  	_ =	strace s2  }
0x95: {  	s2 =	sld [smem:$0x3FFD];
	_ =	sdelay $0x3  }
0x96: {  	_ =	strace s2  }
0x97: {  	_ =	strace $0x8FFFFFFF  }
0x98: {  	s18 =	sld [smem:$0x3FDB];
	_ =	sdelay $0x1  }
0x99: {  	s19 =	simm.s32 $_scs_section_size  }
0x9a: {  	s4 =	simm.s32 $_size__tile_overlayer_lowered;
	s5 =	simm.s32 $_tile_overlayer_lowered  }
0x9b: {  	s22 =	simm.s32 $0x1BFF;
	s21 =	sshll.u32 s5, $0x1;
	s2 =	sadd.s32 s19, s18  }
0x9c: {  	s6 =	simm.s32 $0x0;
	s20 =	sshll.u32 s4, $0x1;
	s4 =	sadd.s32 s21, s2  }
0x9d: {  	[timem:s6], [sflag:s22] =	dma.local [hbm:s4], s20  }
0x9e: {  	_ =	swait.ge [sflag:s22], s20  }
0x9f: {  	s3 =	ssub.s32 $0x0, s20;
	[sflag:s22] =	ssyncset.done $0x0  }
0xa0: {  	[sflag:s22] =	ssyncadd.s32 s3;
	_ =	sdelay $0x1  }
0xa1: {  	s23 =	simm.s32 $0x1B8B  }
0xa2: {  	_ =	swait.ge [sflag:s23], $0x1  }
0xa3: {  	[sflag:s23] =	ssyncset.done $0x0  }
0xa4: {  	s25 =	simm.s32 $0x1B8E;
	s24 =	sld [smem:$0x3FFE];
	[sflag:s23] =	ssyncadd.s32 $0xFFFFFFFF  }
0xa5: {  	s26 =	simm.s32 $execute0_lowered;
	[smem:$0x3FD2] =	sst s25  }
0xa6: {  	s4 =	sshll.u32 s26, $0x1;
	_ =	strace $0x8000004C;
	[dreg:$0x1] =	wrdreg $0xFFFFFFFF  }
0xa7: {  	s28 =	simm.s32 $_size_execute0_lowered;
	s2 =	sadd.s32 s2, s4;
	[dreg:$0x0] =	wrdreg $0x0  }
0xa8: {  	s4 =	sshll.u32 s28, $0x1;
	[dreg:$0x2] =	wrdreg s2  }
0xa9: {  	[dreg:$0x3] =	wrdreg s4  }
0xaa: {  	[dreg:$0x4] =	wrdreg $0xC0  }
0xab: {  	_ =	task [dreg:s6], $0x5FFFF  }
0xac: {  	[dreg:$0x1] =	wrdreg $0xFFFFFFFF  }
0xad: {  	[dreg:$0x0] =	wrdreg $0x60  }
0xae: {  	[dreg:$0x2] =	wrdreg s24  }
0xaf: {  	[dreg:$0x3] =	wrdreg $0x41000  }
0xb0: {  	[dreg:$0x4] =	wrdreg $0x9  }
0xb1: {  	_ =	task.clear_ibuf [dreg:s6], $0x5FFFF;
	_ =	strace $0x9000004C  }
0xb2: {  	s29 =	simm.s32 $0x9;
	_ =	strace $0x8000004E  }
0xb3: {  	_ =	swait.ge [sflag:s29], $0x1  }
0xb4: {  	[sflag:s29] =	ssyncadd.s32 $0xFFFFFFFF  }
0xb5: {  	_ =	strace $0x9000004E  }
0xb6: {  	_ =	sfence  }
0xb7: {  	s30 =	sld [smem:$0x0];
	_ =	sdelay $0x2  }
0xb8: {  	s31 =	sshll.u32 s1, $0xD;
	s1 =	sshrl.u32 s1, $0x2  }
0xb9: {  	s3 =	sand.u32 $0x4000, s31;
	s1 =	sadd.s32 s1, s30  }
0xba: {  	s0 =	sor.u32 s3, s0;
	s1 =	sshll.u32 s1, $0x11  }
0xbb: {  	s0 =	sor.u32 s1, s0  }
0xbc: {  	s0 =	sadd.s32 $0x8F2B, s0  }
0xbd: {  	[sflag:s0] =	ssyncadd.remote.s32 $0x1  }
0xbe: {  	_ =	sfence.sel $0xFFFF  }
0xbf: {  	[dreg:$0x0] =	wrdreg $0xFFFFFFFF;
	(pc) =	sbr.abs _section_cstart, $3  }
0xc0: {  	[dreg:$0x1] =	wrdreg $0xFFFFFFFF  }
0xc1: {  	_ =	task.clear_ibuf [dreg:s6], $0x2FFFF;
	_ =	strace $0x9FFFFFFF  }
0xc2: {  	(tm) =	ssettm $0x7FFFFFFF  }
0xc3: {  	_ =	shalt  }
tec
execute0_lowered:
.L_overlay_start_1:
0x0: {  	(tag) =	ssettag $0x1  }
0x1: {  	s6 =	rddreg [dreg:$0x0]  }
0x2: {  	s2 =	rddreg [dreg:$0x1]  }
0x3: {  	s0 =	rddreg [dreg:$0x2];
	s1 =	stileid.u32  }
0x4: {  	s3 =	simm.s32 $0x0;
	s4 =	srdreg.scid;
	s5 =	smul.u32 $0x9E0, s1  }
0x5: {  	s14 =	simm.s32 $0x1;
	[smem:$0x7FF] =	sst s3;
	s12 =	smul.u32 $0x50000, s1  }
0x6: {  	s7 =	sand.u32 $0x1, s4;
	s4 =	sadd.s32 $0x12000, s6;
	s16 =	smul.u32 $0x2800, s1  }
0x7: {  	s29 =	sshll.u32 s1, $0x6;
	_ =	strace $0x8000004D;
	s8 =	smul.u32 $0x28000, s7  }
0x8: {  	s9 =	ssub.s32 $0x2, s7;
	s30 =	smul.u32 $0x4F0, s7;
	s10 =	sadd.s32 s5, s6  }
0x9: {  	s11 =	sshrl.u32 s9, $0x1;
	s5 =	sadd.s32 $0xF800, s6;
	s28 =	sshrl.u32 s12, $0x2  }
0xa: {  	s12 =	simm.s32 $0x80;
	s8 =	sadd.s32 s8, s6;
	s9 =	ssub.s32 s9, s11  }
0xb: {  	s13 =	sadd.s32 s28, s2;
	s6 =	sor.u32 $0x1C02, s29;
	s31 =	sadd.s32 s30, s10  }
0xc: {  	s11 =	simm.s32 $0x2;
	s15 =	sadd.s32 $0x93000, s8;
	s7 =	smax.u32 s9, $0x1  }
0xd: {  	s8 =	sadd.s32 $0x5200, s31;
	s9 =	sadd.s32 $0x62000, s31;
	s10 =	sshrl.u32 s13, $0x3  }
0xe: {  	s13 =	simm.s32 $0x100;
	s15 =	sadd.s32 s16, s15;
	s16 =	simm.s32 $0x0  }
.LBB2_1:
0xf: {  	[spmem:s10], [sflag:s6] =	dma.local [hbm:s5], $0x2800  }
0x10: {  	_ =	swait.ge [sflag:s11], $0x2800  }
0x11: {  	[sflag:s11] =	ssyncset.done $0x0  }
0x12: {  	[sflag:s11] =	ssyncadd.s32 $0xFFFFD800  }
0x13: {  	s17 =	sadd.s32 $0x0, s9;
	[bflag:$0x0] =	sbarrier.arrive $0xFFFF  }
0x14: {  	[tilespmem:s3], [sflag:$0x2] =	stream.linear.gather [hbm4b:s17+s3], $0x80, $0x38;
	[tilespmem:$0x18100] =	vst v63  }
0x15: {  	_ =	swait.ge [sflag:s11], $0x80  }
0x16: {  	[sflag:s11] =	ssyncset.done $0x0  }
0x17: {  	s31 =	sadd.s32 $0x0, s8;
	[sflag:s11] =	ssyncadd.s32 $0xFFFFFF80  }
0x18: {  	[tilespmem:s12], [sflag:$0x2] =	stream.linear.gather [hbm4b:s31+s3], $0x80, $0x38;
	[tilespmem:$0x18100] =	vst v63  }
0x19: {  	_ =	swait.ge [sflag:s11], $0x80  }
0x1a: {  	[sflag:s11] =	ssyncset.done $0x0  }
0x1b: {  	[sflag:s11] =	ssyncadd.s32 $0xFFFFFF80  }
0x1c: {  	[tilespmem:s13], [sflag:$0x1] =	stream.indirect.gather [hbm4b:s4+s12], $0x80, s3, s12, $0xb8;
	[tilespmem:$0x18100] =	vst v63  }
0x1d: {  	_ =	swait.ge [sflag:s14], $0x4000  }
0x1e: {  	[sflag:s14] =	ssyncset.done $0x0  }
0x1f: {  	[sflag:s14] =	ssyncadd.s32 $0xFFFFC000  }
0x20: {  	[spmem:s2] =	stream.indirect.scatter.add.f32 [tilespmem:s13], [sflag:$0x2], $0x80, s12, s12, $0xb8;
	[tilespmem:$0x18100] =	vst v63  }
0x21: {  	_ =	swait.ge [sflag:s11], $0x4000  }
0x22: {  	s18 =	simm.s32 $0x20;
	s17 =	simm.s32 $0x10;
	[sflag:s11] =	ssyncset.done $0x0  }
.LBB2_2:
0x23: {  	s19 =	sadd.s32 s17, s9  }
0x24: {  	[sflag:s11] =	ssyncadd.s32 $0xFFFFC000;
	s20 =	smov.u32 s18;
	s21 =	sadd.s32 $0x10, s18  }
0x25: {  	[tilespmem:s3], [sflag:$0x2] =	stream.linear.gather [hbm4b:s19+s3], $0x80, $0x38;
	[tilespmem:$0x18100] =	vst v63  }
0x26: {  	p0 =	sne.s32 s18, $0x4E0;
	_ =	swait.ge [sflag:s11], $0x80  }
0x27: {  	[sflag:s11] =	ssyncset.done $0x0  }
0x28: {  	s18 =	sadd.s32 s17, s8;
	s17 =	smov.u32 s20;
	[sflag:s11] =	ssyncadd.s32 $0xFFFFFF80  }
0x29: {  	[tilespmem:s12], [sflag:$0x2] =	stream.linear.gather [hbm4b:s18+s3], $0x80, $0x38;
	[tilespmem:$0x18100] =	vst v63  }
0x2a: {  	_ =	swait.ge [sflag:s11], $0x80  }
0x2b: {  	[sflag:s11] =	ssyncset.done $0x0  }
0x2c: {  	[sflag:s11] =	ssyncadd.s32 $0xFFFFFF80  }
0x2d: {  	[tilespmem:s13], [sflag:$0x1] =	stream.indirect.gather [hbm4b:s4+s12], $0x80, s3, s12, $0xb8;
	[tilespmem:$0x18100] =	vst v63  }
0x2e: {  	_ =	swait.ge [sflag:s14], $0x4000  }
.Ltmp0:
0x2f: {  	[sflag:s14] =	ssyncset.done $0x0;
	(pc) =	sbr.rel @p0 .LBB2_2-.Ltmp0, $4  }
0x30: {  	[sflag:s14] =	ssyncadd.s32 $0xFFFFC000  }
0x31: {  	[spmem:s2] =	stream.indirect.scatter.add.f32 [tilespmem:s13], [sflag:$0x2], $0x80, s12, s12, $0xb8;
	[tilespmem:$0x18100] =	vst v63  }
0x32: {  	_ =	swait.ge [sflag:s11], $0x4000  }
0x33: {  	s18 =	smov.u32 s21;
	[sflag:s11] =	ssyncset.done $0x0  }
0x34: {  	s18 =	sadd.s32 s17, s9;
	[sflag:s11] =	ssyncadd.s32 $0xFFFFC000  }
0x35: {  	[tilespmem:s3], [sflag:$0x2] =	stream.linear.gather [hbm4b:s18+s3], $0x80, $0x38;
	[tilespmem:$0x18100] =	vst v63  }
0x36: {  	_ =	swait.ge [sflag:s11], $0x80  }
0x37: {  	[sflag:s11] =	ssyncset.done $0x0  }
0x38: {  	s31 =	sadd.s32 s17, s8;
	[sflag:s11] =	ssyncadd.s32 $0xFFFFFF80  }
0x39: {  	[tilespmem:s12], [sflag:$0x2] =	stream.linear.gather [hbm4b:s31+s3], $0x80, $0x38;
	[tilespmem:$0x18100] =	vst v63  }
0x3a: {  	_ =	swait.ge [sflag:s11], $0x80  }
0x3b: {  	[sflag:s11] =	ssyncset.done $0x0  }
0x3c: {  	[sflag:s11] =	ssyncadd.s32 $0xFFFFFF80  }
0x3d: {  	[tilespmem:s13], [sflag:$0x1] =	stream.indirect.gather [hbm4b:s4+s12], $0x80, s3, s12, $0xb8;
	[tilespmem:$0x18100] =	vst v63  }
0x3e: {  	_ =	swait.ge [sflag:s14], $0x4000  }
0x3f: {  	[sflag:s14] =	ssyncset.done $0x0  }
0x40: {  	[sflag:s14] =	ssyncadd.s32 $0xFFFFC000  }
0x41: {  	[spmem:s2] =	stream.indirect.scatter.add.f32 [tilespmem:s13], [sflag:$0x2], $0x80, s12, s12, $0xb8;
	[tilespmem:$0x18100] =	vst v63  }
0x42: {  	_ =	swait.ge [sflag:s11], $0x4000  }
0x43: {  	s16 =	sadd.s32 $0x1, s16;
	[sflag:s11] =	ssyncset.done $0x0  }
0x44: {  	p0 =	sne.s32 s16, s7;
	[sflag:s11] =	ssyncadd.s32 $0xFFFFC000  }
.Ltmp1:
0x45: {  	[bflag:$0x0] =	sbarrier.arrive $0xFFFF;
	(pc) =	sbr.rel @p0 .LBB2_1-.Ltmp1, $4  }
0x46: {  	[hbm:s15], [sflag:s6] =	dma.local [spmem:s10], $0x2800  }
0x47: {  	_ =	swait.ge [sflag:s11], $0x2800  }
0x48: {  	[sflag:s11] =	ssyncset.done $0x0  }
0x49: {  	[sflag:s11] =	ssyncadd.s32 $0xFFFFD800  }
0x4a: {  	_ =	sfence.sel $0x180000  }
0x4b: {  	[bflag:$0x0] =	sbarrier.arrive $0xFFFF  }
0x4c: {  	p0 =	sne.s32 s1, $0x0;
	_ =	strace $0x9000004D  }
0x4d: {  	s0 =	sadd.s32 @!p0 $0x100000, s0;
	[bflag:$0x2] =	sbarrier.arrive $0xFFFF  }
0x4e: {  	[sflag:s0] =	ssyncadd.tile.s32 @!p0 $0x1;
	_ =	shalt  }
.Lfunc_end2:
_tile_overlayer_lowered:
.L_overlay_start_2:
0x4f: {  	(tag) =	ssettag $0x2  }
0x50: {  	s0 =	rddreg [dreg:$0x0];
	s2 =	stileid.u32  }
0x51: {  	s1 =	rddreg [dreg:$0x1];
	p0 =	sne.s32 s2, $0x0  }
0x52: {  	s3 =	rddreg [dreg:$0x2];
	[bflag:$0x3] =	sbarrier.arrive $0xFFFF;
	s2 =	simm.s32 @!p0 $0x1C02  }
0x53: {  	[timem:s3], [sflag:s2] =	dma.local @!p0 [hbm:s0], s1  }
0x54: {  	s0 =	simm.s32 @!p0 $0x2  }
0x55: {  	_ =	swait.ge @!p0 [sflag:s0], s1  }
0x56: {  	s1 =	ssub.s32 @!p0 $0x0, s1;
	[sflag:s0] =	ssyncset.done @!p0 $0x0  }
0x57: {  	[sflag:s0] =	ssyncadd.s32 @!p0 s1  }
0x58: {  	[bflag:$0x3] =	sbarrier.arrive $0xFFFF  }
0x59: {  	_ =	shalt  }

// kernel: kernel.22.cloned.1.call-start
scs
__scs_entry_jumppad:
0x0: {  	(pc) =	sbr.rel $0x88, $3  }
0x1: {  	(tag) =	ssettag $0x0;
	lr =	simm.s32 $0x1  }
0x2: {  	[smem:$0x3F97] =	sst lr;
	_ =	strace $0xD0000000  }
0x3: {  	_ = 	snop  }
0x4: {  	_ = 	snop  }
0x5: {  	_ = 	snop  }
0x6: {  	_ = 	snop  }
0x7: {  	_ = 	snop  }
__scs_overlays_trampoline_lowered:
0x8: {  	[smem:$0x3FA6] =	sst s0  }
0x9: {  	[smem:$0x3FA7] =	sst s1  }
0xa: {  	[smem:$0x3FA8] =	sst s2  }
0xb: {  	[smem:$0x3FA9] =	sst s3  }
0xc: {  	[smem:$0x3FAA] =	sst s4  }
0xd: {  	[smem:$0x3FAB] =	sst s5  }
0xe: {  	[smem:$0x3FAC] =	sst s6  }
0xf: {  	[smem:$0x3FAD] =	sst s7  }
0x10: {  	[smem:$0x3FAE] =	sst s8  }
0x11: {  	[smem:$0x3FAF] =	sst s9;
	s0 =	simm.s32 @!p0 $0x0  }
0x12: {  	s1 =	sld [smem:$0x3F95];
	s0 =	simm.s32 @p0 $0x1  }
0x13: {  	[smem:$0x3FB0] =	sst s0;
	s0 =	simm.s32 @!p1 $0x0  }
0x14: {  	s2 =	sld [smem:$0x3F94];
	s0 =	simm.s32 @p1 $0x1  }
0x15: {  	[smem:$0x3FB1] =	sst s0;
	s0 =	simm.s32 @!p2 $0x0  }
0x16: {  	s3 =	sld [smem:$0x3FDB];
	s0 =	simm.s32 @p2 $0x1  }
0x17: {  	s4 =	simm.s32 $0x1BF5;
	[smem:$0x3FB3] =	sst s0  }
0x18: {  	s0 =	sld [smem:$0x3F96];
	_ =	swait.ge [sflag:s4], $0x0  }
0x19: {  	s7 =	sld [smem:$0x3F97]  }
0x1a: {  	s8 =	sadd.s32 $0xFFFFE003, lr  }
0x1b: {  	s9 =	sadd.s32 $0xFFFFFEF7, lr;
	s5 =	simm.s32 $0xFFFFFFFF;
	p2 =	slt.u32 s8, $0xFFFFF086  }
0x1c: {  	p1 =	slt.u32 s9, $0xF7A;
	s5 =	simm.s32 @!p2 $0x0  }
0x1d: {  	s5 =	simm.s32 @p1 $0x1;
	p0 =	seq.s32 s7, s2  }
0x1e: {  	s7 =	smul.u32 @!p0 $0xF7A, s2;
	p2 =	seq.s32 @!p0 s5, $0x0  }
0x1f: {  	s9 =	smul.u32 $0xF7A, s1;
	s8 =	simm.s32 @!p0 $0x1BF5;
	p2 =	por !p2, p0  }
0x20: {  	[sflag:s8] =	ssyncset.s32 @!p0 $0xFFFFF086;
	s6 =	sadd.s32 @!p0 s3, s7;
	s7 =	simm.s32 @!p0 $0x108  }
0x21: {  	s3 =	sadd.s32 s3, s9;
	s6 =	sadd.s32 @!p0 $0x88, s6;
	s7 =	simm.s32 @p2 $0x1082  }
0x22: {  	[simem:s7], [sflag:s8] =	dma.local @!p0 [hbm:s6], $0xF7A  }
0x23: {  	s9 =	sor.u32 $0xD0000000, s2;
	s6 =	simm.s32 $0x108;
	_ =	swait.ge @!p0 [sflag:s8], $0x0  }
0x24: {  	s3 =	sadd.s32 $0x88, s3;
	s6 =	simm.s32 @!p1 $0x1082;
	[sflag:s4] =	ssyncset.s32 $0xFFFFF086  }
0x25: {  	[simem:s6], [sflag:s4] =	dma.local [hbm:s3], $0xF7A  }
0x26: {  	[smem:$0x3F97] =	sst s1;
	(tag) =	ssettag s2;
	_ =	strace s9  }
0x27: {  	s1 =	sld [smem:$0x3FA7]  }
0x28: {  	s2 =	sld [smem:$0x3FA8]  }
0x29: {  	s4 =	sld [smem:$0x3FAA]  }
0x2a: {  	p0 =	seq.s32 s5, $0x0;
	s5 =	sld [smem:$0x3FAB]  }
0x2b: {  	s6 =	sld [smem:$0x3FAC]  }
0x2c: {  	s7 =	sld [smem:$0x3FAD]  }
0x2d: {  	s3 =	simm.s32 $0x108;
	s8 =	sld [smem:$0x3FAE]  }
0x2e: {  	s3 =	simm.s32 @!p0 $0x1082;
	s9 =	sld [smem:$0x3FAF]  }
0x2f: {  	lr =	sadd.s32 s0, s3;
	s0 =	sld [smem:$0x3FA6]  }
0x30: {  	s3 =	sld [smem:$0x3FA9]  }
0x31: {  	[smem:$0x3FB2] =	sst s10  }
0x32: {  	s10 =	sld [smem:$0x3FB0];
	_ =	sdelay $0x3  }
0x33: {  	p0 =	seq.s32 s10, $0x1;
	s10 =	sld [smem:$0x3FB2];
	_ =	sdelay $0x3  }
0x34: {  	[smem:$0x3FB2] =	sst s10  }
0x35: {  	s10 =	sld [smem:$0x3FB1];
	_ =	sdelay $0x3  }
0x36: {  	p1 =	seq.s32 s10, $0x1;
	s10 =	sld [smem:$0x3FB2];
	_ =	sdelay $0x3  }
0x37: {  	[smem:$0x3FB2] =	sst s10  }
0x38: {  	s10 =	sld [smem:$0x3FB3]  }
0x39: {  	_ = 	snop;
	(pc) =	sbr.ind lr, $3  }
0x3a: {  	_ = 	snop  }
0x3b: {  	_ = 	snop  }
0x3c: {  	p2 =	seq.s32 s10, $0x1;
	s10 =	sld [smem:$0x3FB2]  }
0x3d: {  	_ =	shalt  }
0x3e: {  	_ =	shalt  }
0x3f: {  	_ =	shalt  }
0x40: {  	_ =	shalt  }
0x41: {  	_ =	shalt  }
0x42: {  	_ =	shalt  }
0x43: {  	_ =	shalt  }
0x44: {  	_ =	shalt  }
0x45: {  	_ =	shalt  }
0x46: {  	_ =	shalt  }
0x47: {  	_ =	shalt  }
0x48: {  	_ =	shalt  }
0x49: {  	_ =	shalt  }
0x4a: {  	_ =	shalt  }
0x4b: {  	_ =	shalt  }
0x4c: {  	_ =	shalt  }
0x4d: {  	_ =	shalt  }
0x4e: {  	_ =	shalt  }
0x4f: {  	_ =	shalt  }
0x50: {  	_ =	shalt  }
0x51: {  	_ =	shalt  }
0x52: {  	_ =	shalt  }
0x53: {  	_ =	shalt  }
0x54: {  	_ =	shalt  }
0x55: {  	_ =	shalt  }
0x56: {  	_ =	shalt  }
0x57: {  	_ =	shalt  }
0x58: {  	_ =	shalt  }
0x59: {  	_ =	shalt  }
0x5a: {  	_ =	shalt  }
0x5b: {  	_ =	shalt  }
0x5c: {  	_ =	shalt  }
0x5d: {  	_ =	shalt  }
0x5e: {  	_ =	shalt  }
0x5f: {  	_ =	shalt  }
0x60: {  	_ =	shalt  }
0x61: {  	_ =	shalt  }
0x62: {  	_ =	shalt  }
0x63: {  	_ =	shalt  }
0x64: {  	_ =	shalt  }
0x65: {  	_ =	shalt  }
0x66: {  	_ =	shalt  }
0x67: {  	_ =	shalt  }
0x68: {  	_ =	shalt  }
0x69: {  	_ =	shalt  }
0x6a: {  	_ =	shalt  }
0x6b: {  	_ =	shalt  }
0x6c: {  	_ =	shalt  }
0x6d: {  	_ =	shalt  }
0x6e: {  	_ =	shalt  }
0x6f: {  	_ =	shalt  }
0x70: {  	_ =	shalt  }
0x71: {  	_ =	shalt  }
0x72: {  	_ =	shalt  }
0x73: {  	_ =	shalt  }
0x74: {  	_ =	shalt  }
0x75: {  	_ =	shalt  }
0x76: {  	_ =	shalt  }
0x77: {  	_ =	shalt  }
0x78: {  	_ =	shalt  }
0x79: {  	_ =	shalt  }
0x7a: {  	_ =	shalt  }
0x7b: {  	_ =	shalt  }
0x7c: {  	_ =	shalt  }
0x7d: {  	_ =	shalt  }
0x7e: {  	_ =	shalt  }
0x7f: {  	_ =	shalt  }
0x80: {  	_ =	shalt  }
0x81: {  	_ =	shalt  }
0x82: {  	_ =	shalt  }
0x83: {  	_ =	shalt  }
0x84: {  	_ =	shalt  }
0x85: {  	_ =	shalt  }
0x86: {  	_ =	shalt  }
0x87: {  	_ =	shalt  }
.Lfunc_end0:
.L_simem_size_0:
called_computation.3_lowered:
.L_overlay_start_0:
0x88: {  	s2 =	sld [smem:$0x3FD9]  }
0x89: {  	s3 =	sld [smem:$0x3FFE];
	_ =	sdelay $0x1  }
0x8a: {  	s1 =	srdreg.scid  }
0x8b: {  	s0 =	sand.u32 $0x1, s1  }
0x8c: {  	s16 =	sshll.u32 s0, $0xA;
	s2 =	sadd.s32 s3, s2  }
0x8d: {  	s2 =	sadd.s32 s2, s16  }
0x8e: {  	[smem:$0x3FBE] =	sst s2  }
0x8f: {  	_ = 	snop  }
0x90: {  	(tm) =	ssettm $0x1  }
0x91: {  	s17 =	sld [smem:$0x3FFB];
	_ =	sdelay $0x3  }
0x92: {  	_ =	strace s17  }
0x93: {  	s2 =	sld [smem:$0x3FFC];
	_ =	sdelay $0x3  }
0x94: {  	_ =	strace s2  }
0x95: {  	s2 =	sld [smem:$0x3FFD];
	_ =	sdelay $0x3  }
0x96: {  	_ =	strace s2  }
0x97: {  	_ =	strace $0x8FFFFFFF  }
0x98: {  	s18 =	sld [smem:$0x3FDB];
	_ =	sdelay $0x1  }
0x99: {  	s19 =	simm.s32 $_scs_section_size  }
0x9a: {  	s4 =	simm.s32 $_size__tile_overlayer_lowered;
	s5 =	simm.s32 $_tile_overlayer_lowered  }
0x9b: {  	s22 =	simm.s32 $0x1BFF;
	s21 =	sshll.u32 s5, $0x1;
	s2 =	sadd.s32 s19, s18  }
0x9c: {  	s6 =	simm.s32 $0x0;
	s20 =	sshll.u32 s4, $0x1;
	s4 =	sadd.s32 s21, s2  }
0x9d: {  	[timem:s6], [sflag:s22] =	dma.local [hbm:s4], s20  }
0x9e: {  	_ =	swait.ge [sflag:s22], s20  }
0x9f: {  	s3 =	ssub.s32 $0x0, s20;
	[sflag:s22] =	ssyncset.done $0x0  }
0xa0: {  	[sflag:s22] =	ssyncadd.s32 s3;
	_ =	sdelay $0x1  }
0xa1: {  	s23 =	simm.s32 $0x1B8B  }
0xa2: {  	_ =	swait.ge [sflag:s23], $0x1  }
0xa3: {  	[sflag:s23] =	ssyncset.done $0x0  }
0xa4: {  	s25 =	simm.s32 $0x1B8E;
	s24 =	sld [smem:$0x3FFE];
	[sflag:s23] =	ssyncadd.s32 $0xFFFFFFFF  }
0xa5: {  	s26 =	simm.s32 $execute0_lowered;
	[smem:$0x3FD2] =	sst s25  }
0xa6: {  	s4 =	sshll.u32 s26, $0x1;
	_ =	strace $0x8000004F;
	[dreg:$0x1] =	wrdreg $0xFFFFFFFF  }
0xa7: {  	s28 =	simm.s32 $_size_execute0_lowered;
	s2 =	sadd.s32 s2, s4;
	[dreg:$0x0] =	wrdreg $0x0  }
0xa8: {  	s4 =	sshll.u32 s28, $0x1;
	[dreg:$0x2] =	wrdreg s2  }
0xa9: {  	[dreg:$0x3] =	wrdreg s4  }
0xaa: {  	[dreg:$0x4] =	wrdreg $0xC0  }
0xab: {  	_ =	task [dreg:s6], $0x5FFFF  }
0xac: {  	[dreg:$0x1] =	wrdreg $0xFFFFFFFF  }
0xad: {  	[dreg:$0x0] =	wrdreg $0x60  }
0xae: {  	[dreg:$0x2] =	wrdreg s24  }
0xaf: {  	[dreg:$0x3] =	wrdreg $0x41000  }
0xb0: {  	[dreg:$0x4] =	wrdreg $0x9  }
0xb1: {  	_ =	task.clear_ibuf [dreg:s6], $0x5FFFF;
	_ =	strace $0x9000004F  }
0xb2: {  	s29 =	simm.s32 $0x9;
	_ =	strace $0x80000051  }
0xb3: {  	_ =	swait.ge [sflag:s29], $0x1  }
0xb4: {  	[sflag:s29] =	ssyncadd.s32 $0xFFFFFFFF  }
0xb5: {  	_ =	strace $0x90000051  }
0xb6: {  	_ =	sfence  }
0xb7: {  	s30 =	sld [smem:$0x0];
	_ =	sdelay $0x2  }
0xb8: {  	s31 =	sshll.u32 s1, $0xD;
	s1 =	sshrl.u32 s1, $0x2  }
0xb9: {  	s3 =	sand.u32 $0x4000, s31;
	s1 =	sadd.s32 s1, s30  }
0xba: {  	s0 =	sor.u32 s3, s0;
	s1 =	sshll.u32 s1, $0x11  }
0xbb: {  	s0 =	sor.u32 s1, s0  }
0xbc: {  	s0 =	sadd.s32 $0x8F2B, s0  }
0xbd: {  	[sflag:s0] =	ssyncadd.remote.s32 $0x1  }
0xbe: {  	_ =	sfence.sel $0xFFFF  }
0xbf: {  	[dreg:$0x0] =	wrdreg $0xFFFFFFFF;
	(pc) =	sbr.abs _section_cstart, $3  }
0xc0: {  	[dreg:$0x1] =	wrdreg $0xFFFFFFFF  }
0xc1: {  	_ =	task.clear_ibuf [dreg:s6], $0x2FFFF;
	_ =	strace $0x9FFFFFFF  }
0xc2: {  	(tm) =	ssettm $0x7FFFFFFF  }
0xc3: {  	_ =	shalt  }
tec
execute0_lowered:
.L_overlay_start_1:
0x0: {  	(tag) =	ssettag $0x1  }
0x1: {  	s6 =	rddreg [dreg:$0x0]  }
0x2: {  	s2 =	rddreg [dreg:$0x1]  }
0x3: {  	s0 =	rddreg [dreg:$0x2];
	s1 =	stileid.u32  }
0x4: {  	s3 =	simm.s32 $0x0;
	s4 =	srdreg.scid;
	s5 =	smul.u32 $0x9E0, s1  }
0x5: {  	s14 =	simm.s32 $0x1;
	[smem:$0x7FF] =	sst s3;
	s12 =	smul.u32 $0x50000, s1  }
0x6: {  	s7 =	sand.u32 $0x1, s4;
	s4 =	sadd.s32 $0x12000, s6;
	s16 =	smul.u32 $0x2800, s1  }
0x7: {  	s29 =	sshll.u32 s1, $0x6;
	_ =	strace $0x80000050;
	s8 =	smul.u32 $0x28000, s7  }
0x8: {  	s9 =	ssub.s32 $0x2, s7;
	s30 =	smul.u32 $0x4F0, s7;
	s10 =	sadd.s32 s5, s6  }
0x9: {  	s11 =	sshrl.u32 s9, $0x1;
	s5 =	sadd.s32 $0xF800, s6;
	s28 =	sshrl.u32 s12, $0x2  }
0xa: {  	s12 =	simm.s32 $0x80;
	s8 =	sadd.s32 s8, s6;
	s9 =	ssub.s32 s9, s11  }
0xb: {  	s13 =	sadd.s32 s28, s2;
	s6 =	sor.u32 $0x1C02, s29;
	s31 =	sadd.s32 s30, s10  }
0xc: {  	s11 =	simm.s32 $0x2;
	s15 =	sadd.s32 $0x93000, s8;
	s7 =	smax.u32 s9, $0x1  }
0xd: {  	s8 =	sadd.s32 $0x5200, s31;
	s9 =	sadd.s32 $0x62000, s31;
	s10 =	sshrl.u32 s13, $0x3  }
0xe: {  	s13 =	simm.s32 $0x100;
	s15 =	sadd.s32 s16, s15;
	s16 =	simm.s32 $0x0  }
.LBB2_1:
0xf: {  	[spmem:s10], [sflag:s6] =	dma.local [hbm:s5], $0x2800  }
0x10: {  	_ =	swait.ge [sflag:s11], $0x2800  }
0x11: {  	[sflag:s11] =	ssyncset.done $0x0  }
0x12: {  	[sflag:s11] =	ssyncadd.s32 $0xFFFFD800  }
0x13: {  	s17 =	sadd.s32 $0x0, s9;
	[bflag:$0x0] =	sbarrier.arrive $0xFFFF  }
0x14: {  	[tilespmem:s3], [sflag:$0x2] =	stream.linear.gather [hbm4b:s17+s3], $0x80, $0x38;
	[tilespmem:$0x18100] =	vst v63  }
0x15: {  	_ =	swait.ge [sflag:s11], $0x80  }
0x16: {  	[sflag:s11] =	ssyncset.done $0x0  }
0x17: {  	s31 =	sadd.s32 $0x0, s8;
	[sflag:s11] =	ssyncadd.s32 $0xFFFFFF80  }
0x18: {  	[tilespmem:s12], [sflag:$0x2] =	stream.linear.gather [hbm4b:s31+s3], $0x80, $0x38;
	[tilespmem:$0x18100] =	vst v63  }
0x19: {  	_ =	swait.ge [sflag:s11], $0x80  }
0x1a: {  	[sflag:s11] =	ssyncset.done $0x0  }
0x1b: {  	[sflag:s11] =	ssyncadd.s32 $0xFFFFFF80  }
0x1c: {  	[tilespmem:s13], [sflag:$0x1] =	stream.indirect.gather [hbm4b:s4+s12], $0x80, s3, s12, $0xb8;
	[tilespmem:$0x18100] =	vst v63  }
0x1d: {  	_ =	swait.ge [sflag:s14], $0x4000  }
0x1e: {  	[sflag:s14] =	ssyncset.done $0x0  }
0x1f: {  	[sflag:s14] =	ssyncadd.s32 $0xFFFFC000  }
0x20: {  	[spmem:s2] =	stream.indirect.scatter.add.f32 [tilespmem:s13], [sflag:$0x2], $0x80, s12, s12, $0xb8;
	[tilespmem:$0x18100] =	vst v63  }
0x21: {  	_ =	swait.ge [sflag:s11], $0x4000  }
0x22: {  	s18 =	simm.s32 $0x20;
	s17 =	simm.s32 $0x10;
	[sflag:s11] =	ssyncset.done $0x0  }
.LBB2_2:
0x23: {  	s19 =	sadd.s32 s17, s9  }
0x24: {  	[sflag:s11] =	ssyncadd.s32 $0xFFFFC000;
	s20 =	smov.u32 s18;
	s21 =	sadd.s32 $0x10, s18  }
0x25: {  	[tilespmem:s3], [sflag:$0x2] =	stream.linear.gather [hbm4b:s19+s3], $0x80, $0x38;
	[tilespmem:$0x18100] =	vst v63  }
0x26: {  	p0 =	sne.s32 s18, $0x4E0;
	_ =	swait.ge [sflag:s11], $0x80  }
0x27: {  	[sflag:s11] =	ssyncset.done $0x0  }
0x28: {  	s18 =	sadd.s32 s17, s8;
	s17 =	smov.u32 s20;
	[sflag:s11] =	ssyncadd.s32 $0xFFFFFF80  }
0x29: {  	[tilespmem:s12], [sflag:$0x2] =	stream.linear.gather [hbm4b:s18+s3], $0x80, $0x38;
	[tilespmem:$0x18100] =	vst v63  }
0x2a: {  	_ =	swait.ge [sflag:s11], $0x80  }
0x2b: {  	[sflag:s11] =	ssyncset.done $0x0  }
0x2c: {  	[sflag:s11] =	ssyncadd.s32 $0xFFFFFF80  }
0x2d: {  	[tilespmem:s13], [sflag:$0x1] =	stream.indirect.gather [hbm4b:s4+s12], $0x80, s3, s12, $0xb8;
	[tilespmem:$0x18100] =	vst v63  }
0x2e: {  	_ =	swait.ge [sflag:s14], $0x4000  }
.Ltmp0:
0x2f: {  	[sflag:s14] =	ssyncset.done $0x0;
	(pc) =	sbr.rel @p0 .LBB2_2-.Ltmp0, $4  }
0x30: {  	[sflag:s14] =	ssyncadd.s32 $0xFFFFC000  }
0x31: {  	[spmem:s2] =	stream.indirect.scatter.add.f32 [tilespmem:s13], [sflag:$0x2], $0x80, s12, s12, $0xb8;
	[tilespmem:$0x18100] =	vst v63  }
0x32: {  	_ =	swait.ge [sflag:s11], $0x4000  }
0x33: {  	s18 =	smov.u32 s21;
	[sflag:s11] =	ssyncset.done $0x0  }
0x34: {  	s18 =	sadd.s32 s17, s9;
	[sflag:s11] =	ssyncadd.s32 $0xFFFFC000  }
0x35: {  	[tilespmem:s3], [sflag:$0x2] =	stream.linear.gather [hbm4b:s18+s3], $0x80, $0x38;
	[tilespmem:$0x18100] =	vst v63  }
0x36: {  	_ =	swait.ge [sflag:s11], $0x80  }
0x37: {  	[sflag:s11] =	ssyncset.done $0x0  }
0x38: {  	s31 =	sadd.s32 s17, s8;
	[sflag:s11] =	ssyncadd.s32 $0xFFFFFF80  }
0x39: {  	[tilespmem:s12], [sflag:$0x2] =	stream.linear.gather [hbm4b:s31+s3], $0x80, $0x38;
	[tilespmem:$0x18100] =	vst v63  }
0x3a: {  	_ =	swait.ge [sflag:s11], $0x80  }
0x3b: {  	[sflag:s11] =	ssyncset.done $0x0  }
0x3c: {  	[sflag:s11] =	ssyncadd.s32 $0xFFFFFF80  }
0x3d: {  	[tilespmem:s13], [sflag:$0x1] =	stream.indirect.gather [hbm4b:s4+s12], $0x80, s3, s12, $0xb8;
	[tilespmem:$0x18100] =	vst v63  }
0x3e: {  	_ =	swait.ge [sflag:s14], $0x4000  }
0x3f: {  	[sflag:s14] =	ssyncset.done $0x0  }
0x40: {  	[sflag:s14] =	ssyncadd.s32 $0xFFFFC000  }
0x41: {  	[spmem:s2] =	stream.indirect.scatter.add.f32 [tilespmem:s13], [sflag:$0x2], $0x80, s12, s12, $0xb8;
	[tilespmem:$0x18100] =	vst v63  }
0x42: {  	_ =	swait.ge [sflag:s11], $0x4000  }
0x43: {  	s16 =	sadd.s32 $0x1, s16;
	[sflag:s11] =	ssyncset.done $0x0  }
0x44: {  	p0 =	sne.s32 s16, s7;
	[sflag:s11] =	ssyncadd.s32 $0xFFFFC000  }
.Ltmp1:
0x45: {  	[bflag:$0x0] =	sbarrier.arrive $0xFFFF;
	(pc) =	sbr.rel @p0 .LBB2_1-.Ltmp1, $4  }
0x46: {  	[hbm:s15], [sflag:s6] =	dma.local [spmem:s10], $0x2800  }
0x47: {  	_ =	swait.ge [sflag:s11], $0x2800  }
0x48: {  	[sflag:s11] =	ssyncset.done $0x0  }
0x49: {  	[sflag:s11] =	ssyncadd.s32 $0xFFFFD800  }
0x4a: {  	_ =	sfence.sel $0x180000  }
0x4b: {  	[bflag:$0x0] =	sbarrier.arrive $0xFFFF  }
0x4c: {  	p0 =	sne.s32 s1, $0x0;
	_ =	strace $0x90000050  }
0x4d: {  	s0 =	sadd.s32 @!p0 $0x100000, s0;
	[bflag:$0x2] =	sbarrier.arrive $0xFFFF  }
0x4e: {  	[sflag:s0] =	ssyncadd.tile.s32 @!p0 $0x1;
	_ =	shalt  }
.Lfunc_end2:
_tile_overlayer_lowered:
.L_overlay_start_2:
0x4f: {  	(tag) =	ssettag $0x2  }
0x50: {  	s0 =	rddreg [dreg:$0x0];
	s2 =	stileid.u32  }
0x51: {  	s1 =	rddreg [dreg:$0x1];
	p0 =	sne.s32 s2, $0x0  }
0x52: {  	s3 =	rddreg [dreg:$0x2];
	[bflag:$0x3] =	sbarrier.arrive $0xFFFF;
	s2 =	simm.s32 @!p0 $0x1C02  }
0x53: {  	[timem:s3], [sflag:s2] =	dma.local @!p0 [hbm:s0], s1  }
0x54: {  	s0 =	simm.s32 @!p0 $0x2  }
0x55: {  	_ =	swait.ge @!p0 [sflag:s0], s1  }
0x56: {  	s1 =	ssub.s32 @!p0 $0x0, s1;
	[sflag:s0] =	ssyncset.done @!p0 $0x0  }
0x57: {  	[sflag:s0] =	ssyncadd.s32 @!p0 s1  }
0x58: {  	[bflag:$0x3] =	sbarrier.arrive $0xFFFF  }
0x59: {  	_ =	shalt  }

// kernel: kernel.25.cloned.1.call-start
scs
__scs_entry_jumppad:
0x0: {  	(pc) =	sbr.rel $0x88, $3  }
0x1: {  	(tag) =	ssettag $0x0;
	lr =	simm.s32 $0x1  }
0x2: {  	[smem:$0x3F97] =	sst lr;
	_ =	strace $0xD0000000  }
0x3: {  	_ = 	snop  }
0x4: {  	_ = 	snop  }
0x5: {  	_ = 	snop  }
0x6: {  	_ = 	snop  }
0x7: {  	_ = 	snop  }
__scs_overlays_trampoline_lowered:
0x8: {  	[smem:$0x3FA6] =	sst s0  }
0x9: {  	[smem:$0x3FA7] =	sst s1  }
0xa: {  	[smem:$0x3FA8] =	sst s2  }
0xb: {  	[smem:$0x3FA9] =	sst s3  }
0xc: {  	[smem:$0x3FAA] =	sst s4  }
0xd: {  	[smem:$0x3FAB] =	sst s5  }
0xe: {  	[smem:$0x3FAC] =	sst s6  }
0xf: {  	[smem:$0x3FAD] =	sst s7  }
0x10: {  	[smem:$0x3FAE] =	sst s8  }
0x11: {  	[smem:$0x3FAF] =	sst s9;
	s0 =	simm.s32 @!p0 $0x0  }
0x12: {  	s1 =	sld [smem:$0x3F95];
	s0 =	simm.s32 @p0 $0x1  }
0x13: {  	[smem:$0x3FB0] =	sst s0;
	s0 =	simm.s32 @!p1 $0x0  }
0x14: {  	s2 =	sld [smem:$0x3F94];
	s0 =	simm.s32 @p1 $0x1  }
0x15: {  	[smem:$0x3FB1] =	sst s0;
	s0 =	simm.s32 @!p2 $0x0  }
0x16: {  	s3 =	sld [smem:$0x3FDB];
	s0 =	simm.s32 @p2 $0x1  }
0x17: {  	s4 =	simm.s32 $0x1BF5;
	[smem:$0x3FB3] =	sst s0  }
0x18: {  	s0 =	sld [smem:$0x3F96];
	_ =	swait.ge [sflag:s4], $0x0  }
0x19: {  	s7 =	sld [smem:$0x3F97]  }
0x1a: {  	s8 =	sadd.s32 $0xFFFFE003, lr  }
0x1b: {  	s9 =	sadd.s32 $0xFFFFFEF7, lr;
	s5 =	simm.s32 $0xFFFFFFFF;
	p2 =	slt.u32 s8, $0xFFFFF086  }
0x1c: {  	p1 =	slt.u32 s9, $0xF7A;
	s5 =	simm.s32 @!p2 $0x0  }
0x1d: {  	s5 =	simm.s32 @p1 $0x1;
	p0 =	seq.s32 s7, s2  }
0x1e: {  	s7 =	smul.u32 @!p0 $0xF7A, s2;
	p2 =	seq.s32 @!p0 s5, $0x0  }
0x1f: {  	s9 =	smul.u32 $0xF7A, s1;
	s8 =	simm.s32 @!p0 $0x1BF5;
	p2 =	por !p2, p0  }
0x20: {  	[sflag:s8] =	ssyncset.s32 @!p0 $0xFFFFF086;
	s6 =	sadd.s32 @!p0 s3, s7;
	s7 =	simm.s32 @!p0 $0x108  }
0x21: {  	s3 =	sadd.s32 s3, s9;
	s6 =	sadd.s32 @!p0 $0x88, s6;
	s7 =	simm.s32 @p2 $0x1082  }
0x22: {  	[simem:s7], [sflag:s8] =	dma.local @!p0 [hbm:s6], $0xF7A  }
0x23: {  	s9 =	sor.u32 $0xD0000000, s2;
	s6 =	simm.s32 $0x108;
	_ =	swait.ge @!p0 [sflag:s8], $0x0  }
0x24: {  	s3 =	sadd.s32 $0x88, s3;
	s6 =	simm.s32 @!p1 $0x1082;
	[sflag:s4] =	ssyncset.s32 $0xFFFFF086  }
0x25: {  	[simem:s6], [sflag:s4] =	dma.local [hbm:s3], $0xF7A  }
0x26: {  	[smem:$0x3F97] =	sst s1;
	(tag) =	ssettag s2;
	_ =	strace s9  }
0x27: {  	s1 =	sld [smem:$0x3FA7]  }
0x28: {  	s2 =	sld [smem:$0x3FA8]  }
0x29: {  	s4 =	sld [smem:$0x3FAA]  }
0x2a: {  	p0 =	seq.s32 s5, $0x0;
	s5 =	sld [smem:$0x3FAB]  }
0x2b: {  	s6 =	sld [smem:$0x3FAC]  }
0x2c: {  	s7 =	sld [smem:$0x3FAD]  }
0x2d: {  	s3 =	simm.s32 $0x108;
	s8 =	sld [smem:$0x3FAE]  }
0x2e: {  	s3 =	simm.s32 @!p0 $0x1082;
	s9 =	sld [smem:$0x3FAF]  }
0x2f: {  	lr =	sadd.s32 s0, s3;
	s0 =	sld [smem:$0x3FA6]  }
0x30: {  	s3 =	sld [smem:$0x3FA9]  }
0x31: {  	[smem:$0x3FB2] =	sst s10  }
0x32: {  	s10 =	sld [smem:$0x3FB0];
	_ =	sdelay $0x3  }
0x33: {  	p0 =	seq.s32 s10, $0x1;
	s10 =	sld [smem:$0x3FB2];
	_ =	sdelay $0x3  }
0x34: {  	[smem:$0x3FB2] =	sst s10  }
0x35: {  	s10 =	sld [smem:$0x3FB1];
	_ =	sdelay $0x3  }
0x36: {  	p1 =	seq.s32 s10, $0x1;
	s10 =	sld [smem:$0x3FB2];
	_ =	sdelay $0x3  }
0x37: {  	[smem:$0x3FB2] =	sst s10  }
0x38: {  	s10 =	sld [smem:$0x3FB3]  }
0x39: {  	_ = 	snop;
	(pc) =	sbr.ind lr, $3  }
0x3a: {  	_ = 	snop  }
0x3b: {  	_ = 	snop  }
0x3c: {  	p2 =	seq.s32 s10, $0x1;
	s10 =	sld [smem:$0x3FB2]  }
0x3d: {  	_ =	shalt  }
0x3e: {  	_ =	shalt  }
0x3f: {  	_ =	shalt  }
0x40: {  	_ =	shalt  }
0x41: {  	_ =	shalt  }
0x42: {  	_ =	shalt  }
0x43: {  	_ =	shalt  }
0x44: {  	_ =	shalt  }
0x45: {  	_ =	shalt  }
0x46: {  	_ =	shalt  }
0x47: {  	_ =	shalt  }
0x48: {  	_ =	shalt  }
0x49: {  	_ =	shalt  }
0x4a: {  	_ =	shalt  }
0x4b: {  	_ =	shalt  }
0x4c: {  	_ =	shalt  }
0x4d: {  	_ =	shalt  }
0x4e: {  	_ =	shalt  }
0x4f: {  	_ =	shalt  }
0x50: {  	_ =	shalt  }
0x51: {  	_ =	shalt  }
0x52: {  	_ =	shalt  }
0x53: {  	_ =	shalt  }
0x54: {  	_ =	shalt  }
0x55: {  	_ =	shalt  }
0x56: {  	_ =	shalt  }
0x57: {  	_ =	shalt  }
0x58: {  	_ =	shalt  }
0x59: {  	_ =	shalt  }
0x5a: {  	_ =	shalt  }
0x5b: {  	_ =	shalt  }
0x5c: {  	_ =	shalt  }
0x5d: {  	_ =	shalt  }
0x5e: {  	_ =	shalt  }
0x5f: {  	_ =	shalt  }
0x60: {  	_ =	shalt  }
0x61: {  	_ =	shalt  }
0x62: {  	_ =	shalt  }
0x63: {  	_ =	shalt  }
0x64: {  	_ =	shalt  }
0x65: {  	_ =	shalt  }
0x66: {  	_ =	shalt  }
0x67: {  	_ =	shalt  }
0x68: {  	_ =	shalt  }
0x69: {  	_ =	shalt  }
0x6a: {  	_ =	shalt  }
0x6b: {  	_ =	shalt  }
0x6c: {  	_ =	shalt  }
0x6d: {  	_ =	shalt  }
0x6e: {  	_ =	shalt  }
0x6f: {  	_ =	shalt  }
0x70: {  	_ =	shalt  }
0x71: {  	_ =	shalt  }
0x72: {  	_ =	shalt  }
0x73: {  	_ =	shalt  }
0x74: {  	_ =	shalt  }
0x75: {  	_ =	shalt  }
0x76: {  	_ =	shalt  }
0x77: {  	_ =	shalt  }
0x78: {  	_ =	shalt  }
0x79: {  	_ =	shalt  }
0x7a: {  	_ =	shalt  }
0x7b: {  	_ =	shalt  }
0x7c: {  	_ =	shalt  }
0x7d: {  	_ =	shalt  }
0x7e: {  	_ =	shalt  }
0x7f: {  	_ =	shalt  }
0x80: {  	_ =	shalt  }
0x81: {  	_ =	shalt  }
0x82: {  	_ =	shalt  }
0x83: {  	_ =	shalt  }
0x84: {  	_ =	shalt  }
0x85: {  	_ =	shalt  }
0x86: {  	_ =	shalt  }
0x87: {  	_ =	shalt  }
.Lfunc_end0:
.L_simem_size_0:
called_computation.4_lowered:
.L_overlay_start_0:
0x88: {  	s2 =	sld [smem:$0x3FD9]  }
0x89: {  	s3 =	sld [smem:$0x3FFE];
	_ =	sdelay $0x1  }
0x8a: {  	s1 =	srdreg.scid  }
0x8b: {  	s0 =	sand.u32 $0x1, s1  }
0x8c: {  	s16 =	sshll.u32 s0, $0xA;
	s2 =	sadd.s32 s3, s2  }
0x8d: {  	s2 =	sadd.s32 s2, s16  }
0x8e: {  	[smem:$0x3FBE] =	sst s2  }
0x8f: {  	_ = 	snop  }
0x90: {  	(tm) =	ssettm $0x1  }
0x91: {  	s17 =	sld [smem:$0x3FFB];
	_ =	sdelay $0x3  }
0x92: {  	_ =	strace s17  }
0x93: {  	s2 =	sld [smem:$0x3FFC];
	_ =	sdelay $0x3  }
0x94: {  	_ =	strace s2  }
0x95: {  	s2 =	sld [smem:$0x3FFD];
	_ =	sdelay $0x3  }
0x96: {  	_ =	strace s2  }
0x97: {  	_ =	strace $0x8FFFFFFF  }
0x98: {  	s18 =	sld [smem:$0x3FDB];
	_ =	sdelay $0x1  }
0x99: {  	s19 =	simm.s32 $_scs_section_size  }
0x9a: {  	s4 =	simm.s32 $_size__tile_overlayer_lowered;
	s5 =	simm.s32 $_tile_overlayer_lowered  }
0x9b: {  	s22 =	simm.s32 $0x1BFF;
	s21 =	sshll.u32 s5, $0x1;
	s2 =	sadd.s32 s19, s18  }
0x9c: {  	s6 =	simm.s32 $0x0;
	s20 =	sshll.u32 s4, $0x1;
	s4 =	sadd.s32 s21, s2  }
0x9d: {  	[timem:s6], [sflag:s22] =	dma.local [hbm:s4], s20  }
0x9e: {  	_ =	swait.ge [sflag:s22], s20  }
0x9f: {  	s3 =	ssub.s32 $0x0, s20;
	[sflag:s22] =	ssyncset.done $0x0  }
0xa0: {  	[sflag:s22] =	ssyncadd.s32 s3;
	_ =	sdelay $0x1  }
0xa1: {  	s23 =	simm.s32 $0x1B8B  }
0xa2: {  	_ =	swait.ge [sflag:s23], $0x1  }
0xa3: {  	[sflag:s23] =	ssyncset.done $0x0  }
0xa4: {  	s25 =	simm.s32 $0x1B8E;
	s24 =	sld [smem:$0x3FFE];
	[sflag:s23] =	ssyncadd.s32 $0xFFFFFFFF  }
0xa5: {  	s26 =	simm.s32 $execute0_lowered;
	[smem:$0x3FD2] =	sst s25  }
0xa6: {  	s4 =	sshll.u32 s26, $0x1;
	_ =	strace $0x80000052;
	[dreg:$0x1] =	wrdreg $0xFFFFFFFF  }
0xa7: {  	s28 =	simm.s32 $_size_execute0_lowered;
	s2 =	sadd.s32 s2, s4;
	[dreg:$0x0] =	wrdreg $0x0  }
0xa8: {  	s4 =	sshll.u32 s28, $0x1;
	[dreg:$0x2] =	wrdreg s2  }
0xa9: {  	[dreg:$0x3] =	wrdreg s4  }
0xaa: {  	[dreg:$0x4] =	wrdreg $0xC0  }
0xab: {  	_ =	task [dreg:s6], $0x5FFFF  }
0xac: {  	[dreg:$0x1] =	wrdreg $0xFFFFFFFF  }
0xad: {  	[dreg:$0x0] =	wrdreg $0x60  }
0xae: {  	[dreg:$0x2] =	wrdreg s24  }
0xaf: {  	[dreg:$0x3] =	wrdreg $0x41000  }
0xb0: {  	[dreg:$0x4] =	wrdreg $0x9  }
0xb1: {  	_ =	task.clear_ibuf [dreg:s6], $0x5FFFF;
	_ =	strace $0x90000052  }
0xb2: {  	s29 =	simm.s32 $0x9;
	_ =	strace $0x80000054  }
0xb3: {  	_ =	swait.ge [sflag:s29], $0x1  }
0xb4: {  	[sflag:s29] =	ssyncadd.s32 $0xFFFFFFFF  }
0xb5: {  	_ =	strace $0x90000054  }
0xb6: {  	_ =	sfence  }
0xb7: {  	s30 =	sld [smem:$0x0];
	_ =	sdelay $0x2  }
0xb8: {  	s31 =	sshll.u32 s1, $0xD;
	s1 =	sshrl.u32 s1, $0x2  }
0xb9: {  	s3 =	sand.u32 $0x4000, s31;
	s1 =	sadd.s32 s1, s30  }
0xba: {  	s0 =	sor.u32 s3, s0;
	s1 =	sshll.u32 s1, $0x11  }
0xbb: {  	s0 =	sor.u32 s1, s0  }
0xbc: {  	s0 =	sadd.s32 $0x8F2B, s0  }
0xbd: {  	[sflag:s0] =	ssyncadd.remote.s32 $0x1  }
0xbe: {  	_ =	sfence.sel $0xFFFF  }
0xbf: {  	[dreg:$0x0] =	wrdreg $0xFFFFFFFF;
	(pc) =	sbr.abs _section_cstart, $3  }
0xc0: {  	[dreg:$0x1] =	wrdreg $0xFFFFFFFF  }
0xc1: {  	_ =	task.clear_ibuf [dreg:s6], $0x2FFFF;
	_ =	strace $0x9FFFFFFF  }
0xc2: {  	(tm) =	ssettm $0x7FFFFFFF  }
0xc3: {  	_ =	shalt  }
tec
execute0_lowered:
.L_overlay_start_1:
0x0: {  	(tag) =	ssettag $0x1  }
0x1: {  	s6 =	rddreg [dreg:$0x0]  }
0x2: {  	s2 =	rddreg [dreg:$0x1]  }
0x3: {  	s0 =	rddreg [dreg:$0x2];
	s1 =	stileid.u32  }
0x4: {  	s3 =	simm.s32 $0x0;
	s4 =	srdreg.scid;
	s5 =	smul.u32 $0x9E0, s1  }
0x5: {  	s14 =	simm.s32 $0x1;
	[smem:$0x7FF] =	sst s3;
	s12 =	smul.u32 $0x50000, s1  }
0x6: {  	s7 =	sand.u32 $0x1, s4;
	s4 =	sadd.s32 $0x12000, s6;
	s16 =	smul.u32 $0x2800, s1  }
0x7: {  	s29 =	sshll.u32 s1, $0x6;
	_ =	strace $0x80000053;
	s8 =	smul.u32 $0x28000, s7  }
0x8: {  	s9 =	ssub.s32 $0x2, s7;
	s30 =	smul.u32 $0x4F0, s7;
	s10 =	sadd.s32 s5, s6  }
0x9: {  	s11 =	sshrl.u32 s9, $0x1;
	s5 =	sadd.s32 $0xF800, s6;
	s28 =	sshrl.u32 s12, $0x2  }
0xa: {  	s12 =	simm.s32 $0x80;
	s8 =	sadd.s32 s8, s6;
	s9 =	ssub.s32 s9, s11  }
0xb: {  	s13 =	sadd.s32 s28, s2;
	s6 =	sor.u32 $0x1C02, s29;
	s31 =	sadd.s32 s30, s10  }
0xc: {  	s11 =	simm.s32 $0x2;
	s15 =	sadd.s32 $0x93000, s8;
	s7 =	smax.u32 s9, $0x1  }
0xd: {  	s8 =	sadd.s32 $0x5200, s31;
	s9 =	sadd.s32 $0x62000, s31;
	s10 =	sshrl.u32 s13, $0x3  }
0xe: {  	s13 =	simm.s32 $0x100;
	s15 =	sadd.s32 s16, s15;
	s16 =	simm.s32 $0x0  }
.LBB2_1:
0xf: {  	[spmem:s10], [sflag:s6] =	dma.local [hbm:s5], $0x2800  }
0x10: {  	_ =	swait.ge [sflag:s11], $0x2800  }
0x11: {  	[sflag:s11] =	ssyncset.done $0x0  }
0x12: {  	[sflag:s11] =	ssyncadd.s32 $0xFFFFD800  }
0x13: {  	s17 =	sadd.s32 $0x0, s9;
	[bflag:$0x0] =	sbarrier.arrive $0xFFFF  }
0x14: {  	[tilespmem:s3], [sflag:$0x2] =	stream.linear.gather [hbm4b:s17+s3], $0x80, $0x38;
	[tilespmem:$0x18100] =	vst v63  }
0x15: {  	_ =	swait.ge [sflag:s11], $0x80  }
0x16: {  	[sflag:s11] =	ssyncset.done $0x0  }
0x17: {  	s31 =	sadd.s32 $0x0, s8;
	[sflag:s11] =	ssyncadd.s32 $0xFFFFFF80  }
0x18: {  	[tilespmem:s12], [sflag:$0x2] =	stream.linear.gather [hbm4b:s31+s3], $0x80, $0x38;
	[tilespmem:$0x18100] =	vst v63  }
0x19: {  	_ =	swait.ge [sflag:s11], $0x80  }
0x1a: {  	[sflag:s11] =	ssyncset.done $0x0  }
0x1b: {  	[sflag:s11] =	ssyncadd.s32 $0xFFFFFF80  }
0x1c: {  	[tilespmem:s13], [sflag:$0x1] =	stream.indirect.gather [hbm4b:s4+s12], $0x80, s3, s12, $0xb8;
	[tilespmem:$0x18100] =	vst v63  }
0x1d: {  	_ =	swait.ge [sflag:s14], $0x4000  }
0x1e: {  	[sflag:s14] =	ssyncset.done $0x0  }
0x1f: {  	[sflag:s14] =	ssyncadd.s32 $0xFFFFC000  }
0x20: {  	[spmem:s2] =	stream.indirect.scatter.add.f32 [tilespmem:s13], [sflag:$0x2], $0x80, s12, s12, $0xb8;
	[tilespmem:$0x18100] =	vst v63  }
0x21: {  	_ =	swait.ge [sflag:s11], $0x4000  }
0x22: {  	s18 =	simm.s32 $0x20;
	s17 =	simm.s32 $0x10;
	[sflag:s11] =	ssyncset.done $0x0  }
.LBB2_2:
0x23: {  	s19 =	sadd.s32 s17, s9  }
0x24: {  	[sflag:s11] =	ssyncadd.s32 $0xFFFFC000;
	s20 =	smov.u32 s18;
	s21 =	sadd.s32 $0x10, s18  }
0x25: {  	[tilespmem:s3], [sflag:$0x2] =	stream.linear.gather [hbm4b:s19+s3], $0x80, $0x38;
	[tilespmem:$0x18100] =	vst v63  }
0x26: {  	p0 =	sne.s32 s18, $0x4E0;
	_ =	swait.ge [sflag:s11], $0x80  }
0x27: {  	[sflag:s11] =	ssyncset.done $0x0  }
0x28: {  	s18 =	sadd.s32 s17, s8;
	s17 =	smov.u32 s20;
	[sflag:s11] =	ssyncadd.s32 $0xFFFFFF80  }
0x29: {  	[tilespmem:s12], [sflag:$0x2] =	stream.linear.gather [hbm4b:s18+s3], $0x80, $0x38;
	[tilespmem:$0x18100] =	vst v63  }
0x2a: {  	_ =	swait.ge [sflag:s11], $0x80  }
0x2b: {  	[sflag:s11] =	ssyncset.done $0x0  }
0x2c: {  	[sflag:s11] =	ssyncadd.s32 $0xFFFFFF80  }
0x2d: {  	[tilespmem:s13], [sflag:$0x1] =	stream.indirect.gather [hbm4b:s4+s12], $0x80, s3, s12, $0xb8;
	[tilespmem:$0x18100] =	vst v63  }
0x2e: {  	_ =	swait.ge [sflag:s14], $0x4000  }
.Ltmp0:
0x2f: {  	[sflag:s14] =	ssyncset.done $0x0;
	(pc) =	sbr.rel @p0 .LBB2_2-.Ltmp0, $4  }
0x30: {  	[sflag:s14] =	ssyncadd.s32 $0xFFFFC000  }
0x31: {  	[spmem:s2] =	stream.indirect.scatter.add.f32 [tilespmem:s13], [sflag:$0x2], $0x80, s12, s12, $0xb8;
	[tilespmem:$0x18100] =	vst v63  }
0x32: {  	_ =	swait.ge [sflag:s11], $0x4000  }
0x33: {  	s18 =	smov.u32 s21;
	[sflag:s11] =	ssyncset.done $0x0  }
0x34: {  	s18 =	sadd.s32 s17, s9;
	[sflag:s11] =	ssyncadd.s32 $0xFFFFC000  }
0x35: {  	[tilespmem:s3], [sflag:$0x2] =	stream.linear.gather [hbm4b:s18+s3], $0x80, $0x38;
	[tilespmem:$0x18100] =	vst v63  }
0x36: {  	_ =	swait.ge [sflag:s11], $0x80  }
0x37: {  	[sflag:s11] =	ssyncset.done $0x0  }
0x38: {  	s31 =	sadd.s32 s17, s8;
	[sflag:s11] =	ssyncadd.s32 $0xFFFFFF80  }
0x39: {  	[tilespmem:s12], [sflag:$0x2] =	stream.linear.gather [hbm4b:s31+s3], $0x80, $0x38;
	[tilespmem:$0x18100] =	vst v63  }
0x3a: {  	_ =	swait.ge [sflag:s11], $0x80  }
0x3b: {  	[sflag:s11] =	ssyncset.done $0x0  }
0x3c: {  	[sflag:s11] =	ssyncadd.s32 $0xFFFFFF80  }
0x3d: {  	[tilespmem:s13], [sflag:$0x1] =	stream.indirect.gather [hbm4b:s4+s12], $0x80, s3, s12, $0xb8;
	[tilespmem:$0x18100] =	vst v63  }
0x3e: {  	_ =	swait.ge [sflag:s14], $0x4000  }
0x3f: {  	[sflag:s14] =	ssyncset.done $0x0  }
0x40: {  	[sflag:s14] =	ssyncadd.s32 $0xFFFFC000  }
0x41: {  	[spmem:s2] =	stream.indirect.scatter.add.f32 [tilespmem:s13], [sflag:$0x2], $0x80, s12, s12, $0xb8;
	[tilespmem:$0x18100] =	vst v63  }
0x42: {  	_ =	swait.ge [sflag:s11], $0x4000  }
0x43: {  	s16 =	sadd.s32 $0x1, s16;
	[sflag:s11] =	ssyncset.done $0x0  }
0x44: {  	p0 =	sne.s32 s16, s7;
	[sflag:s11] =	ssyncadd.s32 $0xFFFFC000  }
.Ltmp1:
0x45: {  	[bflag:$0x0] =	sbarrier.arrive $0xFFFF;
	(pc) =	sbr.rel @p0 .LBB2_1-.Ltmp1, $4  }
0x46: {  	[hbm:s15], [sflag:s6] =	dma.local [spmem:s10], $0x2800  }
0x47: {  	_ =	swait.ge [sflag:s11], $0x2800  }
0x48: {  	[sflag:s11] =	ssyncset.done $0x0  }
0x49: {  	[sflag:s11] =	ssyncadd.s32 $0xFFFFD800  }
0x4a: {  	_ =	sfence.sel $0x180000  }
0x4b: {  	[bflag:$0x0] =	sbarrier.arrive $0xFFFF  }
0x4c: {  	p0 =	sne.s32 s1, $0x0;
	_ =	strace $0x90000053  }
0x4d: {  	s0 =	sadd.s32 @!p0 $0x100000, s0;
	[bflag:$0x2] =	sbarrier.arrive $0xFFFF  }
0x4e: {  	[sflag:s0] =	ssyncadd.tile.s32 @!p0 $0x1;
	_ =	shalt  }
.Lfunc_end2:
_tile_overlayer_lowered:
.L_overlay_start_2:
0x4f: {  	(tag) =	ssettag $0x2  }
0x50: {  	s0 =	rddreg [dreg:$0x0];
	s2 =	stileid.u32  }
0x51: {  	s1 =	rddreg [dreg:$0x1];
	p0 =	sne.s32 s2, $0x0  }
0x52: {  	s3 =	rddreg [dreg:$0x2];
	[bflag:$0x3] =	sbarrier.arrive $0xFFFF;
	s2 =	simm.s32 @!p0 $0x1C02  }
0x53: {  	[timem:s3], [sflag:s2] =	dma.local @!p0 [hbm:s0], s1  }
0x54: {  	s0 =	simm.s32 @!p0 $0x2  }
0x55: {  	_ =	swait.ge @!p0 [sflag:s0], s1  }
0x56: {  	s1 =	ssub.s32 @!p0 $0x0, s1;
	[sflag:s0] =	ssyncset.done @!p0 $0x0  }
0x57: {  	[sflag:s0] =	ssyncadd.s32 @!p0 s1  }
0x58: {  	[bflag:$0x3] =	sbarrier.arrive $0xFFFF  }
0x59: {  	_ =	shalt  }

</sc_bundles>
